<compile_context>
chip_gen: v7x
topology: tpu7x:2x2x1
jax: 0.10.2.dev20260603
libtpu: 0.0.44.dev20260713+nightly
codegen_flags: <defaults>
</compile_context>

<pallas_src>
import functools

import jax
import jax.numpy as jnp
from jax import lax
from jax.experimental import pallas as pl
from jax.experimental.pallas import tpu as pltpu
from jax.experimental.pallas import tpu_sc as plsc

NC = 2
NS = 16
NW = NC * NS
LANES = 16
G = 64
NG = 32
D = 128
NACC = 8


def _make_sc_kernel(n_rows, n_groups, inv_count):
    mesh = plsc.VectorSubcoreMesh(core_axis_name="c", subcore_axis_name="s")
    scale = jnp.float32(0.1 * inv_count)

    @functools.partial(
        pl.kernel,
        out_type=jax.ShapeDtypeStruct((NW, LANES), jnp.float32),
        mesh=mesh,
        compiler_params=pltpu.CompilerParams(use_tc_tiling_on_sc=False),
        scratch_types=[
            pltpu.VMEM((NG, 2, G), jnp.int32),
            pltpu.VMEM((G, D // 2), jnp.int32),
            pltpu.VMEM((G, D // 2), jnp.int32),
            pltpu.VMEM((G, D // 2), jnp.int32),
            pltpu.VMEM((G, D // 2), jnp.int32),
            pltpu.VMEM((LANES,), jnp.float32),
            pltpu.VMEM_SHARED((n_rows, D // 2), jnp.int32),
            pltpu.SemaphoreType.DMA,
            pltpu.SemaphoreType.DMA,
        ],
    )
    def k(emb_hbm, idx_hbm, out_hbm,
          idxg, srows0, drows0, srows1, drows1,
          accv, emb_sp, sem0, sem1):
        wid = lax.axis_index("s") * NC + lax.axis_index("c")
        sid = lax.axis_index("s")
        srows = (srows0, srows1)
        drows = (drows0, drows1)
        sems = (sem0, sem1)

        @pl.when(sid == 0)
        def _():
            pltpu.sync_copy(emb_hbm, emb_sp)

        plsc.subcore_barrier()

        def start(chunk, b):
            pltpu.async_copy(emb_sp.at[idxg.at[chunk, 0]], srows[b], sems[b])
            pltpu.async_copy(emb_sp.at[idxg.at[chunk, 1]], drows[b], sems[b])

        def wait(chunk, b):
            pltpu.make_async_copy(emb_sp.at[idxg.at[chunk, 0]], srows[b],
                                  sems[b]).wait()
            pltpu.make_async_copy(emb_sp.at[idxg.at[chunk, 1]], drows[b],
                                  sems[b]).wait()

        def reduce_chunk(b, accs):
            sr = srows[b]
            dr = drows[b]

            @plsc.parallel_loop(0, G, carry=accs)
            def accs_out(i, a):
                new = list(a)
                mask = jnp.int32(-65536)
                for j in range(D // 32):
                    s = sr[i, pl.ds(j * 16, 16)]
                    t = dr[i, pl.ds(j * 16, 16)]
                    shi = lax.bitcast_convert_type(s & mask, jnp.float32)
                    thi = lax.bitcast_convert_type(t & mask, jnp.float32)
                    slo = lax.bitcast_convert_type(s << 16, jnp.float32)
                    tlo = lax.bitcast_convert_type(t << 16, jnp.float32)
                    fh = shi - thi
                    fl = slo - tlo
                    new[2 * j] = new[2 * j] + fh * fh
                    new[2 * j + 1] = new[2 * j + 1] + fl * fl
                return tuple(new)

            return accs_out

        n_pairs = NG // 2
        accs = tuple(jnp.zeros((LANES,), jnp.float32) for _ in range(NACC))

        def pair_body(t, accs):
            wait(2 * t, 0)
            accs = reduce_chunk(0, accs)

            @pl.when(t + 1 < n_pairs)
            def _():
                start(2 * t + 2, 0)

            wait(2 * t + 1, 1)
            accs = reduce_chunk(1, accs)

            @pl.when(t + 1 < n_pairs)
            def _():
                start(2 * t + 3, 1)

            return accs

        for g in range(n_groups):
            pltpu.sync_copy(idx_hbm.at[wid, g], idxg)
            start(0, 0)
            start(1, 1)
            accs = lax.fori_loop(0, n_pairs, pair_body, accs)

        acc = accs[0]
        for j in range(1, NACC):
            acc = acc + accs[j]
        accv[...] = acc * scale
        pltpu.sync_copy(accv, out_hbm.at[wid])

    return k


@jax.jit
def kernel(embeddings, edge_index):
    n_edges = edge_index.shape[1]
    span = NW * G * NG
    n_pad = ((n_edges + span - 1) // span) * span
    n_groups = n_pad // span

    ei = edge_index.astype(jnp.int32)
    pad = n_pad - n_edges
    src = jnp.pad(ei[0], (0, pad))
    dst = jnp.pad(ei[1], (0, pad))
    idx = jnp.stack([src.reshape(NW, n_groups, NG, G),
                     dst.reshape(NW, n_groups, NG, G)], axis=3)

    inv_count = 1.0 / (n_edges * embeddings.shape[1])
    k = _make_sc_kernel(embeddings.shape[0], n_groups, inv_count)
    emb_bf = embeddings.astype(jnp.bfloat16)
    emb_packed = jax.lax.bitcast_convert_type(
        emb_bf.reshape(embeddings.shape[0], D // 2, 2), jnp.int32)
    partials = k(emb_packed, idx)
    return jnp.sum(partials)

# --- scband reference (transcript-rebuilt; emitter-appended) ---
"""Pipeline reference for scband-neighbor-similarity-loss-317827579958 (READ-ONLY COPY).

The authoritative reference and input builder live on the scoring server;
editing this copy changes nothing except your own understanding.
"""

import jax, jax.numpy as jnp
import numpy as np


def setup_inputs(seed: int = 0) -> dict:
    key = jax.random.key(seed)
    k1, k2 = jax.random.split(key)
    embeddings = jax.random.normal(k1, (10000, 128), dtype=jnp.float32)
    edge_index = jax.random.randint(k2, (2, 320000), 0, 10000, dtype=jnp.int64)
    return {"embeddings": embeddings, "edge_index": edge_index}


def reference(embeddings, edge_index):
    lambda_reg = 0.1
    src = edge_index[0]
    dst = edge_index[1]
    src_emb = jnp.take(embeddings, src, axis=0)
    dst_emb = jnp.take(embeddings, dst, axis=0)
    diff = src_emb - dst_emb
    similarity_loss = jnp.mean(diff * diff)
    return lambda_reg * similarity_loss

if __name__ == "__main__":
    import jax
    _d = setup_inputs()
    print(jax.jit(kernel)(*tuple(_d.values())))

</pallas_src>

<mosaic_0001>
#map = affine_map<(d0, d1) -> (0, 0)>
#map1 = affine_map<(d0, d1) -> (0, 0, 0, 0, 0)>
#map2 = affine_map<(d0, d1) -> (0)>
module attributes {stable_mosaic.version = 14 : i64} {
  func.func @_rewritten_body(%arg0: i32, %arg1: i32, %arg2: memref<10000x64xi32, #tpu.memory_space<hbm>>, %arg3: memref<32x5x32x2x64xi32, #tpu.memory_space<hbm>>, %arg4: memref<1xf32, #tpu.memory_space<hbm>>, %arg5: memref<32x16xf32, #tpu.memory_space<hbm>>, %arg6: memref<32x2x64xi32, #tpu.memory_space<vmem>>, %arg7: memref<64x64xi32, #tpu.memory_space<vmem>>, %arg8: memref<64x64xi32, #tpu.memory_space<vmem>>, %arg9: memref<64x64xi32, #tpu.memory_space<vmem>>, %arg10: memref<64x64xi32, #tpu.memory_space<vmem>>, %arg11: memref<16xf32, #tpu.memory_space<vmem>>, %arg12: memref<10000x64xi32, #tpu.memory_space<vmem_shared>>, %arg13: memref<!tpu.dma_semaphore, #tpu.memory_space<semaphore_mem>>, %arg14: memref<!tpu.dma_semaphore, #tpu.memory_space<semaphore_mem>>) attributes {dimension_semantics = [#tpu.dimension_semantics<core_parallel>, #tpu.dimension_semantics<subcore_parallel>], iteration_bounds = array<i64: 2, 16>, scalar_prefetch = 0 : i64, scratch_operands = 9 : i64, tpu.core_type = #tpu.core_type<sc_vector_subcore>, window_params = [{transform_indices = #map}, {transform_indices = #map1}, {transform_indices = #map2}, {transform_indices = #map}]} {
    %empty_ref3A = memref.alloca() : memref<16xf32, #tpu.memory_space<vmem>>
    "tpu.region"() ({
      %run_scoped3A_224 = tpu.sem_alloc : memref<!tpu.dma_semaphore, #tpu.memory_space<semaphore_mem>>
      %dma_start3A_225 = arith.constant 0 : i32
      %dma_start3A_226 = tpu.memref_slice %empty_ref3A[%dma_start3A_225] : memref<16xf32, #tpu.memory_space<vmem>> -> memref<1xf32, #tpu.memory_space<vmem>>
      %dma_start3A_227 = arith.constant 0 : i32
      %dma_start3A_228 = tpu.memref_slice %empty_ref3A[%dma_start3A_227] : memref<16xf32, #tpu.memory_space<vmem>> -> memref<1xf32, #tpu.memory_space<vmem>>
      tpu.enqueue_dma source(%arg4 : memref<1xf32, #tpu.memory_space<hbm>>) target(%dma_start3A_228 : memref<1xf32, #tpu.memory_space<vmem>>) target_semaphore(%run_scoped3A_224 : memref<!tpu.dma_semaphore, #tpu.memory_space<semaphore_mem>>)
      %dma_wait3A = arith.constant 0 : i32
      %dma_wait3A_229 = tpu.memref_slice %empty_ref3A[%dma_wait3A] : memref<16xf32, #tpu.memory_space<vmem>> -> memref<1xf32, #tpu.memory_space<vmem>>
      %dma_wait3A_230 = arith.constant 0 : i32
      %dma_wait3A_231 = tpu.memref_slice %empty_ref3A[%dma_wait3A_230] : memref<16xf32, #tpu.memory_space<vmem>> -> memref<1xf32, #tpu.memory_space<vmem>>
      tpu.wait_dma2 semaphore(%run_scoped3A_224 : memref<!tpu.dma_semaphore, #tpu.memory_space<semaphore_mem>>) src(%arg4 : memref<1xf32, #tpu.memory_space<hbm>>) dst(%dma_wait3A_231 : memref<1xf32, #tpu.memory_space<vmem>>)
      tpu.yield
    }) : () -> ()
    %get3A = arith.constant 0 : index
    %get3A_0 = tpu.vector_load %empty_ref3A[%get3A] {strides = array<i32>} : memref<16xf32, #tpu.memory_space<vmem>>, vector<16xf32>,
    %get3A_1 = vector.shape_cast %get3A_0 : vector<16xf32> to vector<16xf32>
    %slice3A = vector.extract_strided_slice %get3A_1 {offsets = [0], sizes = [1], strides = [1]} : vector<16xf32> to vector<1xf32>
    %squeeze3A = vector.extract %slice3A[0] : f32 from vector<1xf32>
    %mul3A = arith.constant 2 : i32
    %mul3A_2 = arith.muli %arg1, %mul3A : i32
    %add3A = arith.addi %mul3A_2, %arg0 : i32
    %eq3A = arith.constant 0 : i32
    %eq3A_3 = arith.cmpi eq, %arg1, %eq3A : i32
    %convert_element_type3A = arith.extui %eq3A_3 : i1 to i32
    %cond3A = arith.constant 0 : i32
    %cond3A_4 = arith.cmpi ne, %convert_element_type3A, %cond3A : i32
    scf.if %cond3A_4 {
      "tpu.region"() ({
        %run_scoped3A_224 = tpu.sem_alloc : memref<!tpu.dma_semaphore, #tpu.memory_space<semaphore_mem>>
        tpu.enqueue_dma source(%arg2 : memref<10000x64xi32, #tpu.memory_space<hbm>>) target(%arg12 : memref<10000x64xi32, #tpu.memory_space<vmem_shared>>) target_semaphore(%run_scoped3A_224 : memref<!tpu.dma_semaphore, #tpu.memory_space<semaphore_mem>>)
        tpu.wait_dma2 semaphore(%run_scoped3A_224 : memref<!tpu.dma_semaphore, #tpu.memory_space<semaphore_mem>>) src(%arg2 : memref<10000x64xi32, #tpu.memory_space<hbm>>) dst(%arg12 : memref<10000x64xi32, #tpu.memory_space<vmem_shared>>)
        tpu.yield
      }) : () -> ()
    } else {
    }
    %barrier3A = arith.constant 0 : index
    tpu.barrier barrier_id(%barrier3A)
    %broadcast_in_dim3A = arith.constant 0.000000e+00 : f32
    %broadcast_in_dim3A_5 = vector.broadcast %broadcast_in_dim3A : f32 to vector<16xf32>
    %broadcast_in_dim3A_6 = arith.constant 0.000000e+00 : f32
    %broadcast_in_dim3A_7 = vector.broadcast %broadcast_in_dim3A_6 : f32 to vector<16xf32>
    %broadcast_in_dim3A_8 = arith.constant 0.000000e+00 : f32
    %broadcast_in_dim3A_9 = vector.broadcast %broadcast_in_dim3A_8 : f32 to vector<16xf32>
    %broadcast_in_dim3A_10 = arith.constant 0.000000e+00 : f32
    %broadcast_in_dim3A_11 = vector.broadcast %broadcast_in_dim3A_10 : f32 to vector<16xf32>
    %broadcast_in_dim3A_12 = arith.constant 0.000000e+00 : f32
    %broadcast_in_dim3A_13 = vector.broadcast %broadcast_in_dim3A_12 : f32 to vector<16xf32>
    %broadcast_in_dim3A_14 = arith.constant 0.000000e+00 : f32
    %broadcast_in_dim3A_15 = vector.broadcast %broadcast_in_dim3A_14 : f32 to vector<16xf32>
    %broadcast_in_dim3A_16 = arith.constant 0.000000e+00 : f32
    %broadcast_in_dim3A_17 = vector.broadcast %broadcast_in_dim3A_16 : f32 to vector<16xf32>
    %broadcast_in_dim3A_18 = arith.constant 0.000000e+00 : f32
    %broadcast_in_dim3A_19 = vector.broadcast %broadcast_in_dim3A_18 : f32 to vector<16xf32>
    %run_scoped3A = arith.constant 0 : i32
    "tpu.region"() ({
      %run_scoped3A_224 = tpu.sem_alloc : memref<!tpu.dma_semaphore, #tpu.memory_space<semaphore_mem>>
      %dma_start3A_225 = arith.constant 0 : i32
      %dma_start3A_226 = arith.constant 0 : i32
      %dma_start3A_227 = arith.constant 0 : i32
      %dma_start3A_228 = tpu.memref_slice %arg3[%add3A, %run_scoped3A, %dma_start3A_225, %dma_start3A_226, %dma_start3A_227] : memref<32x5x32x2x64xi32, #tpu.memory_space<hbm>> -> memref<1x1x32x2x64xi32, #tpu.memory_space<hbm>>
      %dma_start3A_229 = tpu.memref_squeeze %dma_start3A_228 : memref<1x1x32x2x64xi32, #tpu.memory_space<hbm>> -> memref<32x2x64xi32, #tpu.memory_space<hbm>>
      %dma_start3A_230 = arith.constant 0 : i32
      %dma_start3A_231 = arith.constant 0 : i32
      %dma_start3A_232 = arith.constant 0 : i32
      %dma_start3A_233 = tpu.memref_slice %arg3[%add3A, %run_scoped3A, %dma_start3A_230, %dma_start3A_231, %dma_start3A_232] : memref<32x5x32x2x64xi32, #tpu.memory_space<hbm>> -> memref<1x1x32x2x64xi32, #tpu.memory_space<hbm>>
      %dma_start3A_234 = tpu.memref_squeeze %dma_start3A_233 : memref<1x1x32x2x64xi32, #tpu.memory_space<hbm>> -> memref<32x2x64xi32, #tpu.memory_space<hbm>>
      tpu.enqueue_dma source(%dma_start3A_234 : memref<32x2x64xi32, #tpu.memory_space<hbm>>) target(%arg6 : memref<32x2x64xi32, #tpu.memory_space<vmem>>) target_semaphore(%run_scoped3A_224 : memref<!tpu.dma_semaphore, #tpu.memory_space<semaphore_mem>>)
      %dma_wait3A = arith.constant 0 : i32
      %dma_wait3A_235 = arith.constant 0 : i32
      %dma_wait3A_236 = arith.constant 0 : i32
      %dma_wait3A_237 = tpu.memref_slice %arg3[%add3A, %run_scoped3A, %dma_wait3A, %dma_wait3A_235, %dma_wait3A_236] : memref<32x5x32x2x64xi32, #tpu.memory_space<hbm>> -> memref<1x1x32x2x64xi32, #tpu.memory_space<hbm>>
      %dma_wait3A_238 = tpu.memref_squeeze %dma_wait3A_237 : memref<1x1x32x2x64xi32, #tpu.memory_space<hbm>> -> memref<32x2x64xi32, #tpu.memory_space<hbm>>
      %dma_wait3A_239 = arith.constant 0 : i32
      %dma_wait3A_240 = arith.constant 0 : i32
      %dma_wait3A_241 = arith.constant 0 : i32
      %dma_wait3A_242 = tpu.memref_slice %arg3[%add3A, %run_scoped3A, %dma_wait3A_239, %dma_wait3A_240, %dma_wait3A_241] : memref<32x5x32x2x64xi32, #tpu.memory_space<hbm>> -> memref<1x1x32x2x64xi32, #tpu.memory_space<hbm>>
      %dma_wait3A_243 = tpu.memref_squeeze %dma_wait3A_242 : memref<1x1x32x2x64xi32, #tpu.memory_space<hbm>> -> memref<32x2x64xi32, #tpu.memory_space<hbm>>
      tpu.wait_dma2 semaphore(%run_scoped3A_224 : memref<!tpu.dma_semaphore, #tpu.memory_space<semaphore_mem>>) src(%dma_wait3A_243 : memref<32x2x64xi32, #tpu.memory_space<hbm>>) dst(%arg6 : memref<32x2x64xi32, #tpu.memory_space<vmem>>)
      tpu.yield
    }) : () -> ()
    %dma_start3A = arith.constant 0 : i32
    %dma_start3A_20 = arith.constant 0 : i32
    %dma_start3A_21 = arith.constant 0 : i32
    %dma_start3A_22 = tpu.memref_slice %arg6[%dma_start3A, %dma_start3A_20, %dma_start3A_21] : memref<32x2x64xi32, #tpu.memory_space<vmem>> -> memref<1x1x64xi32, #tpu.memory_space<vmem>>
    %dma_start3A_23 = tpu.memref_squeeze %dma_start3A_22 : memref<1x1x64xi32, #tpu.memory_space<vmem>> -> memref<64xi32, #tpu.memory_space<vmem>>
    %dma_start3A_24 = arith.constant 0 : i32
    %dma_start3A_25 = arith.constant 0 : i32
    %dma_start3A_26 = tpu.memref_slice %arg12[%dma_start3A_24, %dma_start3A_25] : memref<10000x64xi32, #tpu.memory_space<vmem_shared>> -> memref<10000x64xi32, #tpu.memory_space<vmem_shared>>
    tpu.enqueue_indirect_dma source(%dma_start3A_26 : memref<10000x64xi32, #tpu.memory_space<vmem_shared>>) target(%arg7 : memref<64x64xi32, #tpu.memory_space<vmem>>) offsets(%dma_start3A_23 : memref<64xi32, #tpu.memory_space<vmem>>) semaphore(%arg13 : memref<!tpu.dma_semaphore, #tpu.memory_space<semaphore_mem>>)
    %dma_start3A_27 = arith.constant 0 : i32
    %dma_start3A_28 = arith.constant 1 : i32
    %dma_start3A_29 = arith.constant 0 : i32
    %dma_start3A_30 = tpu.memref_slice %arg6[%dma_start3A_27, %dma_start3A_28, %dma_start3A_29] : memref<32x2x64xi32, #tpu.memory_space<vmem>> -> memref<1x1x64xi32, #tpu.memory_space<vmem>>
    %dma_start3A_31 = tpu.memref_squeeze %dma_start3A_30 : memref<1x1x64xi32, #tpu.memory_space<vmem>> -> memref<64xi32, #tpu.memory_space<vmem>>
    %dma_start3A_32 = arith.constant 0 : i32
    %dma_start3A_33 = arith.constant 0 : i32
    %dma_start3A_34 = tpu.memref_slice %arg12[%dma_start3A_32, %dma_start3A_33] : memref<10000x64xi32, #tpu.memory_space<vmem_shared>> -> memref<10000x64xi32, #tpu.memory_space<vmem_shared>>
    tpu.enqueue_indirect_dma source(%dma_start3A_34 : memref<10000x64xi32, #tpu.memory_space<vmem_shared>>) target(%arg8 : memref<64x64xi32, #tpu.memory_space<vmem>>) offsets(%dma_start3A_31 : memref<64xi32, #tpu.memory_space<vmem>>) semaphore(%arg13 : memref<!tpu.dma_semaphore, #tpu.memory_space<semaphore_mem>>)
    %dma_start3A_35 = arith.constant 1 : i32
    %dma_start3A_36 = arith.constant 0 : i32
    %dma_start3A_37 = arith.constant 0 : i32
    %dma_start3A_38 = tpu.memref_slice %arg6[%dma_start3A_35, %dma_start3A_36, %dma_start3A_37] : memref<32x2x64xi32, #tpu.memory_space<vmem>> -> memref<1x1x64xi32, #tpu.memory_space<vmem>>
    %dma_start3A_39 = tpu.memref_squeeze %dma_start3A_38 : memref<1x1x64xi32, #tpu.memory_space<vmem>> -> memref<64xi32, #tpu.memory_space<vmem>>
    %dma_start3A_40 = arith.constant 0 : i32
    %dma_start3A_41 = arith.constant 0 : i32
    %dma_start3A_42 = tpu.memref_slice %arg12[%dma_start3A_40, %dma_start3A_41] : memref<10000x64xi32, #tpu.memory_space<vmem_shared>> -> memref<10000x64xi32, #tpu.memory_space<vmem_shared>>
    tpu.enqueue_indirect_dma source(%dma_start3A_42 : memref<10000x64xi32, #tpu.memory_space<vmem_shared>>) target(%arg9 : memref<64x64xi32, #tpu.memory_space<vmem>>) offsets(%dma_start3A_39 : memref<64xi32, #tpu.memory_space<vmem>>) semaphore(%arg14 : memref<!tpu.dma_semaphore, #tpu.memory_space<semaphore_mem>>)
    %dma_start3A_43 = arith.constant 1 : i32
    %dma_start3A_44 = arith.constant 1 : i32
    %dma_start3A_45 = arith.constant 0 : i32
    %dma_start3A_46 = tpu.memref_slice %arg6[%dma_start3A_43, %dma_start3A_44, %dma_start3A_45] : memref<32x2x64xi32, #tpu.memory_space<vmem>> -> memref<1x1x64xi32, #tpu.memory_space<vmem>>
    %dma_start3A_47 = tpu.memref_squeeze %dma_start3A_46 : memref<1x1x64xi32, #tpu.memory_space<vmem>> -> memref<64xi32, #tpu.memory_space<vmem>>
    %dma_start3A_48 = arith.constant 0 : i32
    %dma_start3A_49 = arith.constant 0 : i32
    %dma_start3A_50 = tpu.memref_slice %arg12[%dma_start3A_48, %dma_start3A_49] : memref<10000x64xi32, #tpu.memory_space<vmem_shared>> -> memref<10000x64xi32, #tpu.memory_space<vmem_shared>>
    tpu.enqueue_indirect_dma source(%dma_start3A_50 : memref<10000x64xi32, #tpu.memory_space<vmem_shared>>) target(%arg10 : memref<64x64xi32, #tpu.memory_space<vmem>>) offsets(%dma_start3A_47 : memref<64xi32, #tpu.memory_space<vmem>>) semaphore(%arg14 : memref<!tpu.dma_semaphore, #tpu.memory_space<semaphore_mem>>)
    %scan3A = arith.constant 0 : i32
    %scan3A_51 = arith.constant 16 : i32
    %scan3A_52 = arith.addi %scan3A, %scan3A_51 : i32
    %scan3A_53 = arith.constant 1 : i32
    %scan3A_54:8 = scf.for %scan3A_224 = %scan3A to %scan3A_52 step %scan3A_53 iter_args(%scan3A_225 = %broadcast_in_dim3A_5, %scan3A_226 = %broadcast_in_dim3A_7, %scan3A_227 = %broadcast_in_dim3A_9, %scan3A_228 = %broadcast_in_dim3A_11, %scan3A_229 = %broadcast_in_dim3A_13, %scan3A_230 = %broadcast_in_dim3A_15, %scan3A_231 = %broadcast_in_dim3A_17, %scan3A_232 = %broadcast_in_dim3A_19) -> (vector<16xf32>, vector<16xf32>, vector<16xf32>, vector<16xf32>, vector<16xf32>, vector<16xf32>, vector<16xf32>, vector<16xf32>)  : i32 {
      %mul3A_233 = arith.constant 2 : i32
      %mul3A_234 = arith.muli %mul3A_233, %scan3A_224 : i32
      %dma_wait3A = arith.constant 0 : i32
      %dma_wait3A_235 = arith.constant 0 : i32
      %dma_wait3A_236 = tpu.memref_slice %arg6[%mul3A_234, %dma_wait3A, %dma_wait3A_235] : memref<32x2x64xi32, #tpu.memory_space<vmem>> -> memref<1x1x64xi32, #tpu.memory_space<vmem>>
      %dma_wait3A_237 = tpu.memref_squeeze %dma_wait3A_236 : memref<1x1x64xi32, #tpu.memory_space<vmem>> -> memref<64xi32, #tpu.memory_space<vmem>>
      %dma_wait3A_238 = arith.constant 0 : i32
      %dma_wait3A_239 = arith.constant 0 : i32
      %dma_wait3A_240 = tpu.memref_slice %arg12[%dma_wait3A_238, %dma_wait3A_239] : memref<10000x64xi32, #tpu.memory_space<vmem_shared>> -> memref<10000x64xi32, #tpu.memory_space<vmem_shared>>
      tpu.wait_indirect_dma semaphore(%arg13 : memref<!tpu.dma_semaphore, #tpu.memory_space<semaphore_mem>>) src(%dma_wait3A_240 : memref<10000x64xi32, #tpu.memory_space<vmem_shared>>) dst(%arg7 : memref<64x64xi32, #tpu.memory_space<vmem>>)
      %dma_wait3A_241 = arith.constant 1 : i32
      %dma_wait3A_242 = arith.constant 0 : i32
      %dma_wait3A_243 = tpu.memref_slice %arg6[%mul3A_234, %dma_wait3A_241, %dma_wait3A_242] : memref<32x2x64xi32, #tpu.memory_space<vmem>> -> memref<1x1x64xi32, #tpu.memory_space<vmem>>
      %dma_wait3A_244 = tpu.memref_squeeze %dma_wait3A_243 : memref<1x1x64xi32, #tpu.memory_space<vmem>> -> memref<64xi32, #tpu.memory_space<vmem>>
      %dma_wait3A_245 = arith.constant 0 : i32
      %dma_wait3A_246 = arith.constant 0 : i32
      %dma_wait3A_247 = tpu.memref_slice %arg12[%dma_wait3A_245, %dma_wait3A_246] : memref<10000x64xi32, #tpu.memory_space<vmem_shared>> -> memref<10000x64xi32, #tpu.memory_space<vmem_shared>>
      tpu.wait_indirect_dma semaphore(%arg13 : memref<!tpu.dma_semaphore, #tpu.memory_space<semaphore_mem>>) src(%dma_wait3A_247 : memref<10000x64xi32, #tpu.memory_space<vmem_shared>>) dst(%arg8 : memref<64x64xi32, #tpu.memory_space<vmem>>)
      %parallel_loop3A = arith.constant 0 : i32
      %parallel_loop3A_248 = arith.constant 64 : i32
      %parallel_loop3A_249 = arith.constant 1 : i32
      %parallel_loop3A_250:8 = scf.for %parallel_loop3A_286 = %parallel_loop3A to %parallel_loop3A_248 step %parallel_loop3A_249 iter_args(%parallel_loop3A_287 = %scan3A_225, %parallel_loop3A_288 = %scan3A_226, %parallel_loop3A_289 = %scan3A_227, %parallel_loop3A_290 = %scan3A_228, %parallel_loop3A_291 = %scan3A_229, %parallel_loop3A_292 = %scan3A_230, %parallel_loop3A_293 = %scan3A_231, %parallel_loop3A_294 = %scan3A_232) -> (vector<16xf32>, vector<16xf32>, vector<16xf32>, vector<16xf32>, vector<16xf32>, vector<16xf32>, vector<16xf32>, vector<16xf32>)  : i32 {
        %parallel_loop3A_295 = arith.index_cast %parallel_loop3A_286 : i32 to index
        %parallel_loop3A_296 = arith.constant 0 : index
        %parallel_loop3A_297 = tpu.vector_load %arg7[%parallel_loop3A_295, %parallel_loop3A_296] {strides = array<i32>} : memref<64x64xi32, #tpu.memory_space<vmem>>, vector<1x16xi32>,
        %parallel_loop3A_298 = vector.shape_cast %parallel_loop3A_297 : vector<1x16xi32> to vector<16xi32>
        %parallel_loop3A_299 = arith.index_cast %parallel_loop3A_286 : i32 to index
        %parallel_loop3A_300 = arith.constant 0 : index
        %parallel_loop3A_301 = tpu.vector_load %arg8[%parallel_loop3A_299, %parallel_loop3A_300] {strides = array<i32>} : memref<64x64xi32, #tpu.memory_space<vmem>>, vector<1x16xi32>,
        %parallel_loop3A_302 = vector.shape_cast %parallel_loop3A_301 : vector<1x16xi32> to vector<16xi32>
        %parallel_loop3A_303 = arith.constant -65536 : i32
        %parallel_loop3A_304 = vector.broadcast %parallel_loop3A_303 : i32 to vector<16xi32>
        %parallel_loop3A_305 = arith.andi %parallel_loop3A_298, %parallel_loop3A_304 : vector<16xi32>
        %parallel_loop3A_306 = tpu.bitcast %parallel_loop3A_305 : vector<16xi32> -> vector<16xf32>
        %parallel_loop3A_307 = arith.constant -65536 : i32
        %parallel_loop3A_308 = vector.broadcast %parallel_loop3A_307 : i32 to vector<16xi32>
        %parallel_loop3A_309 = arith.andi %parallel_loop3A_302, %parallel_loop3A_308 : vector<16xi32>
        %parallel_loop3A_310 = tpu.bitcast %parallel_loop3A_309 : vector<16xi32> -> vector<16xf32>
        %parallel_loop3A_311 = arith.constant 16 : i32
        %parallel_loop3A_312 = vector.broadcast %parallel_loop3A_311 : i32 to vector<16xi32>
        %parallel_loop3A_313 = arith.shli %parallel_loop3A_298, %parallel_loop3A_312 : vector<16xi32>
        %parallel_loop3A_314 = tpu.bitcast %parallel_loop3A_313 : vector<16xi32> -> vector<16xf32>
        %parallel_loop3A_315 = arith.constant 16 : i32
        %parallel_loop3A_316 = vector.broadcast %parallel_loop3A_315 : i32 to vector<16xi32>
        %parallel_loop3A_317 = arith.shli %parallel_loop3A_302, %parallel_loop3A_316 : vector<16xi32>
        %parallel_loop3A_318 = tpu.bitcast %parallel_loop3A_317 : vector<16xi32> -> vector<16xf32>
        %parallel_loop3A_319 = arith.subf %parallel_loop3A_306, %parallel_loop3A_310 : vector<16xf32>
        %parallel_loop3A_320 = arith.subf %parallel_loop3A_314, %parallel_loop3A_318 : vector<16xf32>
        %parallel_loop3A_321 = arith.mulf %parallel_loop3A_319, %parallel_loop3A_319 : vector<16xf32>
        %parallel_loop3A_322 = arith.addf %parallel_loop3A_287, %parallel_loop3A_321 : vector<16xf32>
        %parallel_loop3A_323 = arith.mulf %parallel_loop3A_320, %parallel_loop3A_320 : vector<16xf32>
        %parallel_loop3A_324 = arith.addf %parallel_loop3A_288, %parallel_loop3A_323 : vector<16xf32>
        %parallel_loop3A_325 = arith.index_cast %parallel_loop3A_286 : i32 to index
        %parallel_loop3A_326 = arith.constant 16 : index
        %parallel_loop3A_327 = tpu.vector_load %arg7[%parallel_loop3A_325, %parallel_loop3A_326] {strides = array<i32>} : memref<64x64xi32, #tpu.memory_space<vmem>>, vector<1x16xi32>,
        %parallel_loop3A_328 = vector.shape_cast %parallel_loop3A_327 : vector<1x16xi32> to vector<16xi32>
        %parallel_loop3A_329 = arith.index_cast %parallel_loop3A_286 : i32 to index
        %parallel_loop3A_330 = arith.constant 16 : index
        %parallel_loop3A_331 = tpu.vector_load %arg8[%parallel_loop3A_329, %parallel_loop3A_330] {strides = array<i32>} : memref<64x64xi32, #tpu.memory_space<vmem>>, vector<1x16xi32>,
        %parallel_loop3A_332 = vector.shape_cast %parallel_loop3A_331 : vector<1x16xi32> to vector<16xi32>
        %parallel_loop3A_333 = arith.constant -65536 : i32
        %parallel_loop3A_334 = vector.broadcast %parallel_loop3A_333 : i32 to vector<16xi32>
        %parallel_loop3A_335 = arith.andi %parallel_loop3A_328, %parallel_loop3A_334 : vector<16xi32>
        %parallel_loop3A_336 = tpu.bitcast %parallel_loop3A_335 : vector<16xi32> -> vector<16xf32>
        %parallel_loop3A_337 = arith.constant -65536 : i32
        %parallel_loop3A_338 = vector.broadcast %parallel_loop3A_337 : i32 to vector<16xi32>
        %parallel_loop3A_339 = arith.andi %parallel_loop3A_332, %parallel_loop3A_338 : vector<16xi32>
        %parallel_loop3A_340 = tpu.bitcast %parallel_loop3A_339 : vector<16xi32> -> vector<16xf32>
        %parallel_loop3A_341 = arith.constant 16 : i32
        %parallel_loop3A_342 = vector.broadcast %parallel_loop3A_341 : i32 to vector<16xi32>
        %parallel_loop3A_343 = arith.shli %parallel_loop3A_328, %parallel_loop3A_342 : vector<16xi32>
        %parallel_loop3A_344 = tpu.bitcast %parallel_loop3A_343 : vector<16xi32> -> vector<16xf32>
        %parallel_loop3A_345 = arith.constant 16 : i32
        %parallel_loop3A_346 = vector.broadcast %parallel_loop3A_345 : i32 to vector<16xi32>
        %parallel_loop3A_347 = arith.shli %parallel_loop3A_332, %parallel_loop3A_346 : vector<16xi32>
        %parallel_loop3A_348 = tpu.bitcast %parallel_loop3A_347 : vector<16xi32> -> vector<16xf32>
        %parallel_loop3A_349 = arith.subf %parallel_loop3A_336, %parallel_loop3A_340 : vector<16xf32>
        %parallel_loop3A_350 = arith.subf %parallel_loop3A_344, %parallel_loop3A_348 : vector<16xf32>
        %parallel_loop3A_351 = arith.mulf %parallel_loop3A_349, %parallel_loop3A_349 : vector<16xf32>
        %parallel_loop3A_352 = arith.addf %parallel_loop3A_289, %parallel_loop3A_351 : vector<16xf32>
        %parallel_loop3A_353 = arith.mulf %parallel_loop3A_350, %parallel_loop3A_350 : vector<16xf32>
        %parallel_loop3A_354 = arith.addf %parallel_loop3A_290, %parallel_loop3A_353 : vector<16xf32>
        %parallel_loop3A_355 = arith.index_cast %parallel_loop3A_286 : i32 to index
        %parallel_loop3A_356 = arith.constant 32 : index
        %parallel_loop3A_357 = tpu.vector_load %arg7[%parallel_loop3A_355, %parallel_loop3A_356] {strides = array<i32>} : memref<64x64xi32, #tpu.memory_space<vmem>>, vector<1x16xi32>,
        %parallel_loop3A_358 = vector.shape_cast %parallel_loop3A_357 : vector<1x16xi32> to vector<16xi32>
        %parallel_loop3A_359 = arith.index_cast %parallel_loop3A_286 : i32 to index
        %parallel_loop3A_360 = arith.constant 32 : index
        %parallel_loop3A_361 = tpu.vector_load %arg8[%parallel_loop3A_359, %parallel_loop3A_360] {strides = array<i32>} : memref<64x64xi32, #tpu.memory_space<vmem>>, vector<1x16xi32>,
        %parallel_loop3A_362 = vector.shape_cast %parallel_loop3A_361 : vector<1x16xi32> to vector<16xi32>
        %parallel_loop3A_363 = arith.constant -65536 : i32
        %parallel_loop3A_364 = vector.broadcast %parallel_loop3A_363 : i32 to vector<16xi32>
        %parallel_loop3A_365 = arith.andi %parallel_loop3A_358, %parallel_loop3A_364 : vector<16xi32>
        %parallel_loop3A_366 = tpu.bitcast %parallel_loop3A_365 : vector<16xi32> -> vector<16xf32>
        %parallel_loop3A_367 = arith.constant -65536 : i32
        %parallel_loop3A_368 = vector.broadcast %parallel_loop3A_367 : i32 to vector<16xi32>
        %parallel_loop3A_369 = arith.andi %parallel_loop3A_362, %parallel_loop3A_368 : vector<16xi32>
        %parallel_loop3A_370 = tpu.bitcast %parallel_loop3A_369 : vector<16xi32> -> vector<16xf32>
        %parallel_loop3A_371 = arith.constant 16 : i32
        %parallel_loop3A_372 = vector.broadcast %parallel_loop3A_371 : i32 to vector<16xi32>
        %parallel_loop3A_373 = arith.shli %parallel_loop3A_358, %parallel_loop3A_372 : vector<16xi32>
        %parallel_loop3A_374 = tpu.bitcast %parallel_loop3A_373 : vector<16xi32> -> vector<16xf32>
        %parallel_loop3A_375 = arith.constant 16 : i32
        %parallel_loop3A_376 = vector.broadcast %parallel_loop3A_375 : i32 to vector<16xi32>
        %parallel_loop3A_377 = arith.shli %parallel_loop3A_362, %parallel_loop3A_376 : vector<16xi32>
        %parallel_loop3A_378 = tpu.bitcast %parallel_loop3A_377 : vector<16xi32> -> vector<16xf32>
        %parallel_loop3A_379 = arith.subf %parallel_loop3A_366, %parallel_loop3A_370 : vector<16xf32>
        %parallel_loop3A_380 = arith.subf %parallel_loop3A_374, %parallel_loop3A_378 : vector<16xf32>
        %parallel_loop3A_381 = arith.mulf %parallel_loop3A_379, %parallel_loop3A_379 : vector<16xf32>
        %parallel_loop3A_382 = arith.addf %parallel_loop3A_291, %parallel_loop3A_381 : vector<16xf32>
        %parallel_loop3A_383 = arith.mulf %parallel_loop3A_380, %parallel_loop3A_380 : vector<16xf32>
        %parallel_loop3A_384 = arith.addf %parallel_loop3A_292, %parallel_loop3A_383 : vector<16xf32>
        %parallel_loop3A_385 = arith.index_cast %parallel_loop3A_286 : i32 to index
        %parallel_loop3A_386 = arith.constant 48 : index
        %parallel_loop3A_387 = tpu.vector_load %arg7[%parallel_loop3A_385, %parallel_loop3A_386] {strides = array<i32>} : memref<64x64xi32, #tpu.memory_space<vmem>>, vector<1x16xi32>,
        %parallel_loop3A_388 = vector.shape_cast %parallel_loop3A_387 : vector<1x16xi32> to vector<16xi32>
        %parallel_loop3A_389 = arith.index_cast %parallel_loop3A_286 : i32 to index
        %parallel_loop3A_390 = arith.constant 48 : index
        %parallel_loop3A_391 = tpu.vector_load %arg8[%parallel_loop3A_389, %parallel_loop3A_390] {strides = array<i32>} : memref<64x64xi32, #tpu.memory_space<vmem>>, vector<1x16xi32>,
        %parallel_loop3A_392 = vector.shape_cast %parallel_loop3A_391 : vector<1x16xi32> to vector<16xi32>
        %parallel_loop3A_393 = arith.constant -65536 : i32
        %parallel_loop3A_394 = vector.broadcast %parallel_loop3A_393 : i32 to vector<16xi32>
        %parallel_loop3A_395 = arith.andi %parallel_loop3A_388, %parallel_loop3A_394 : vector<16xi32>
        %parallel_loop3A_396 = tpu.bitcast %parallel_loop3A_395 : vector<16xi32> -> vector<16xf32>
        %parallel_loop3A_397 = arith.constant -65536 : i32
        %parallel_loop3A_398 = vector.broadcast %parallel_loop3A_397 : i32 to vector<16xi32>
        %parallel_loop3A_399 = arith.andi %parallel_loop3A_392, %parallel_loop3A_398 : vector<16xi32>
        %parallel_loop3A_400 = tpu.bitcast %parallel_loop3A_399 : vector<16xi32> -> vector<16xf32>
        %parallel_loop3A_401 = arith.constant 16 : i32
        %parallel_loop3A_402 = vector.broadcast %parallel_loop3A_401 : i32 to vector<16xi32>
        %parallel_loop3A_403 = arith.shli %parallel_loop3A_388, %parallel_loop3A_402 : vector<16xi32>
        %parallel_loop3A_404 = tpu.bitcast %parallel_loop3A_403 : vector<16xi32> -> vector<16xf32>
        %parallel_loop3A_405 = arith.constant 16 : i32
        %parallel_loop3A_406 = vector.broadcast %parallel_loop3A_405 : i32 to vector<16xi32>
        %parallel_loop3A_407 = arith.shli %parallel_loop3A_392, %parallel_loop3A_406 : vector<16xi32>
        %parallel_loop3A_408 = tpu.bitcast %parallel_loop3A_407 : vector<16xi32> -> vector<16xf32>
        %parallel_loop3A_409 = arith.subf %parallel_loop3A_396, %parallel_loop3A_400 : vector<16xf32>
        %parallel_loop3A_410 = arith.subf %parallel_loop3A_404, %parallel_loop3A_408 : vector<16xf32>
        %parallel_loop3A_411 = arith.mulf %parallel_loop3A_409, %parallel_loop3A_409 : vector<16xf32>
        %parallel_loop3A_412 = arith.addf %parallel_loop3A_293, %parallel_loop3A_411 : vector<16xf32>
        %parallel_loop3A_413 = arith.mulf %parallel_loop3A_410, %parallel_loop3A_410 : vector<16xf32>
        %parallel_loop3A_414 = arith.addf %parallel_loop3A_294, %parallel_loop3A_413 : vector<16xf32>
        scf.yield %parallel_loop3A_322, %parallel_loop3A_324, %parallel_loop3A_352, %parallel_loop3A_354, %parallel_loop3A_382, %parallel_loop3A_384, %parallel_loop3A_412, %parallel_loop3A_414 : vector<16xf32>, vector<16xf32>, vector<16xf32>, vector<16xf32>, vector<16xf32>, vector<16xf32>, vector<16xf32>, vector<16xf32>
      } {sc.loop_unroll_factor = 1 : i64, sc.parallel_access}
      %add3A_251 = arith.constant 1 : i32
      %add3A_252 = arith.addi %scan3A_224, %add3A_251 : i32
      %lt3A = arith.constant 16 : i32
      %lt3A_253 = arith.cmpi slt, %add3A_252, %lt3A : i32
      %convert_element_type3A_254 = arith.extui %lt3A_253 : i1 to i32
      %cond3A_255 = arith.constant 0 : i32
      %cond3A_256 = arith.cmpi ne, %convert_element_type3A_254, %cond3A_255 : i32
      scf.if %cond3A_256 {
        %mul3A_286 = arith.constant 2 : i32
        %mul3A_287 = arith.muli %mul3A_286, %scan3A_224 : i32
        %add3A_288 = arith.constant 2 : i32
        %add3A_289 = arith.addi %mul3A_287, %add3A_288 : i32
        %dma_start3A_290 = arith.constant 0 : i32
        %dma_start3A_291 = arith.constant 0 : i32
        %dma_start3A_292 = tpu.memref_slice %arg6[%add3A_289, %dma_start3A_290, %dma_start3A_291] : memref<32x2x64xi32, #tpu.memory_space<vmem>> -> memref<1x1x64xi32, #tpu.memory_space<vmem>>
        %dma_start3A_293 = tpu.memref_squeeze %dma_start3A_292 : memref<1x1x64xi32, #tpu.memory_space<vmem>> -> memref<64xi32, #tpu.memory_space<vmem>>
        %dma_start3A_294 = arith.constant 0 : i32
        %dma_start3A_295 = arith.constant 0 : i32
        %dma_start3A_296 = tpu.memref_slice %arg12[%dma_start3A_294, %dma_start3A_295] : memref<10000x64xi32, #tpu.memory_space<vmem_shared>> -> memref<10000x64xi32, #tpu.memory_space<vmem_shared>>
        tpu.enqueue_indirect_dma source(%dma_start3A_296 : memref<10000x64xi32, #tpu.memory_space<vmem_shared>>) target(%arg7 : memref<64x64xi32, #tpu.memory_space<vmem>>) offsets(%dma_start3A_293 : memref<64xi32, #tpu.memory_space<vmem>>) semaphore(%arg13 : memref<!tpu.dma_semaphore, #tpu.memory_space<semaphore_mem>>)
        %dma_start3A_297 = arith.constant 1 : i32
        %dma_start3A_298 = arith.constant 0 : i32
        %dma_start3A_299 = tpu.memref_slice %arg6[%add3A_289, %dma_start3A_297, %dma_start3A_298] : memref<32x2x64xi32, #tpu.memory_space<vmem>> -> memref<1x1x64xi32, #tpu.memory_space<vmem>>
        %dma_start3A_300 = tpu.memref_squeeze %dma_start3A_299 : memref<1x1x64xi32, #tpu.memory_space<vmem>> -> memref<64xi32, #tpu.memory_space<vmem>>
        %dma_start3A_301 = arith.constant 0 : i32
        %dma_start3A_302 = arith.constant 0 : i32
        %dma_start3A_303 = tpu.memref_slice %arg12[%dma_start3A_301, %dma_start3A_302] : memref<10000x64xi32, #tpu.memory_space<vmem_shared>> -> memref<10000x64xi32, #tpu.memory_space<vmem_shared>>
        tpu.enqueue_indirect_dma source(%dma_start3A_303 : memref<10000x64xi32, #tpu.memory_space<vmem_shared>>) target(%arg8 : memref<64x64xi32, #tpu.memory_space<vmem>>) offsets(%dma_start3A_300 : memref<64xi32, #tpu.memory_space<vmem>>) semaphore(%arg13 : memref<!tpu.dma_semaphore, #tpu.memory_space<semaphore_mem>>)
      } else {
      }
      %mul3A_257 = arith.constant 2 : i32
      %mul3A_258 = arith.muli %mul3A_257, %scan3A_224 : i32
      %add3A_259 = arith.constant 1 : i32
      %add3A_260 = arith.addi %mul3A_258, %add3A_259 : i32
      %dma_wait3A_261 = arith.constant 0 : i32
      %dma_wait3A_262 = arith.constant 0 : i32
      %dma_wait3A_263 = tpu.memref_slice %arg6[%add3A_260, %dma_wait3A_261, %dma_wait3A_262] : memref<32x2x64xi32, #tpu.memory_space<vmem>> -> memref<1x1x64xi32, #tpu.memory_space<vmem>>
      %dma_wait3A_264 = tpu.memref_squeeze %dma_wait3A_263 : memref<1x1x64xi32, #tpu.memory_space<vmem>> -> memref<64xi32, #tpu.memory_space<vmem>>
      %dma_wait3A_265 = arith.constant 0 : i32
      %dma_wait3A_266 = arith.constant 0 : i32
      %dma_wait3A_267 = tpu.memref_slice %arg12[%dma_wait3A_265, %dma_wait3A_266] : memref<10000x64xi32, #tpu.memory_space<vmem_shared>> -> memref<10000x64xi32, #tpu.memory_space<vmem_shared>>
      tpu.wait_indirect_dma semaphore(%arg14 : memref<!tpu.dma_semaphore, #tpu.memory_space<semaphore_mem>>) src(%dma_wait3A_267 : memref<10000x64xi32, #tpu.memory_space<vmem_shared>>) dst(%arg9 : memref<64x64xi32, #tpu.memory_space<vmem>>)
      %dma_wait3A_268 = arith.constant 1 : i32
      %dma_wait3A_269 = arith.constant 0 : i32
      %dma_wait3A_270 = tpu.memref_slice %arg6[%add3A_260, %dma_wait3A_268, %dma_wait3A_269] : memref<32x2x64xi32, #tpu.memory_space<vmem>> -> memref<1x1x64xi32, #tpu.memory_space<vmem>>
      %dma_wait3A_271 = tpu.memref_squeeze %dma_wait3A_270 : memref<1x1x64xi32, #tpu.memory_space<vmem>> -> memref<64xi32, #tpu.memory_space<vmem>>
      %dma_wait3A_272 = arith.constant 0 : i32
      %dma_wait3A_273 = arith.constant 0 : i32
      %dma_wait3A_274 = tpu.memref_slice %arg12[%dma_wait3A_272, %dma_wait3A_273] : memref<10000x64xi32, #tpu.memory_space<vmem_shared>> -> memref<10000x64xi32, #tpu.memory_space<vmem_shared>>
      tpu.wait_indirect_dma semaphore(%arg14 : memref<!tpu.dma_semaphore, #tpu.memory_space<semaphore_mem>>) src(%dma_wait3A_274 : memref<10000x64xi32, #tpu.memory_space<vmem_shared>>) dst(%arg10 : memref<64x64xi32, #tpu.memory_space<vmem>>)
      %parallel_loop3A_275 = arith.constant 0 : i32
      %parallel_loop3A_276 = arith.constant 64 : i32
      %parallel_loop3A_277 = arith.constant 1 : i32
      %parallel_loop3A_278:8 = scf.for %parallel_loop3A_286 = %parallel_loop3A_275 to %parallel_loop3A_276 step %parallel_loop3A_277 iter_args(%parallel_loop3A_287 = %parallel_loop3A_250#0, %parallel_loop3A_288 = %parallel_loop3A_250#1, %parallel_loop3A_289 = %parallel_loop3A_250#2, %parallel_loop3A_290 = %parallel_loop3A_250#3, %parallel_loop3A_291 = %parallel_loop3A_250#4, %parallel_loop3A_292 = %parallel_loop3A_250#5, %parallel_loop3A_293 = %parallel_loop3A_250#6, %parallel_loop3A_294 = %parallel_loop3A_250#7) -> (vector<16xf32>, vector<16xf32>, vector<16xf32>, vector<16xf32>, vector<16xf32>, vector<16xf32>, vector<16xf32>, vector<16xf32>)  : i32 {
        %parallel_loop3A_295 = arith.index_cast %parallel_loop3A_286 : i32 to index
        %parallel_loop3A_296 = arith.constant 0 : index
        %parallel_loop3A_297 = tpu.vector_load %arg9[%parallel_loop3A_295, %parallel_loop3A_296] {strides = array<i32>} : memref<64x64xi32, #tpu.memory_space<vmem>>, vector<1x16xi32>,
        %parallel_loop3A_298 = vector.shape_cast %parallel_loop3A_297 : vector<1x16xi32> to vector<16xi32>
        %parallel_loop3A_299 = arith.index_cast %parallel_loop3A_286 : i32 to index
        %parallel_loop3A_300 = arith.constant 0 : index
        %parallel_loop3A_301 = tpu.vector_load %arg10[%parallel_loop3A_299, %parallel_loop3A_300] {strides = array<i32>} : memref<64x64xi32, #tpu.memory_space<vmem>>, vector<1x16xi32>,
        %parallel_loop3A_302 = vector.shape_cast %parallel_loop3A_301 : vector<1x16xi32> to vector<16xi32>
        %parallel_loop3A_303 = arith.constant -65536 : i32
        %parallel_loop3A_304 = vector.broadcast %parallel_loop3A_303 : i32 to vector<16xi32>
        %parallel_loop3A_305 = arith.andi %parallel_loop3A_298, %parallel_loop3A_304 : vector<16xi32>
        %parallel_loop3A_306 = tpu.bitcast %parallel_loop3A_305 : vector<16xi32> -> vector<16xf32>
        %parallel_loop3A_307 = arith.constant -65536 : i32
        %parallel_loop3A_308 = vector.broadcast %parallel_loop3A_307 : i32 to vector<16xi32>
        %parallel_loop3A_309 = arith.andi %parallel_loop3A_302, %parallel_loop3A_308 : vector<16xi32>
        %parallel_loop3A_310 = tpu.bitcast %parallel_loop3A_309 : vector<16xi32> -> vector<16xf32>
        %parallel_loop3A_311 = arith.constant 16 : i32
        %parallel_loop3A_312 = vector.broadcast %parallel_loop3A_311 : i32 to vector<16xi32>
        %parallel_loop3A_313 = arith.shli %parallel_loop3A_298, %parallel_loop3A_312 : vector<16xi32>
        %parallel_loop3A_314 = tpu.bitcast %parallel_loop3A_313 : vector<16xi32> -> vector<16xf32>
        %parallel_loop3A_315 = arith.constant 16 : i32
        %parallel_loop3A_316 = vector.broadcast %parallel_loop3A_315 : i32 to vector<16xi32>
        %parallel_loop3A_317 = arith.shli %parallel_loop3A_302, %parallel_loop3A_316 : vector<16xi32>
        %parallel_loop3A_318 = tpu.bitcast %parallel_loop3A_317 : vector<16xi32> -> vector<16xf32>
        %parallel_loop3A_319 = arith.subf %parallel_loop3A_306, %parallel_loop3A_310 : vector<16xf32>
        %parallel_loop3A_320 = arith.subf %parallel_loop3A_314, %parallel_loop3A_318 : vector<16xf32>
        %parallel_loop3A_321 = arith.mulf %parallel_loop3A_319, %parallel_loop3A_319 : vector<16xf32>
        %parallel_loop3A_322 = arith.addf %parallel_loop3A_287, %parallel_loop3A_321 : vector<16xf32>
        %parallel_loop3A_323 = arith.mulf %parallel_loop3A_320, %parallel_loop3A_320 : vector<16xf32>
        %parallel_loop3A_324 = arith.addf %parallel_loop3A_288, %parallel_loop3A_323 : vector<16xf32>
        %parallel_loop3A_325 = arith.index_cast %parallel_loop3A_286 : i32 to index
        %parallel_loop3A_326 = arith.constant 16 : index
        %parallel_loop3A_327 = tpu.vector_load %arg9[%parallel_loop3A_325, %parallel_loop3A_326] {strides = array<i32>} : memref<64x64xi32, #tpu.memory_space<vmem>>, vector<1x16xi32>,
        %parallel_loop3A_328 = vector.shape_cast %parallel_loop3A_327 : vector<1x16xi32> to vector<16xi32>
        %parallel_loop3A_329 = arith.index_cast %parallel_loop3A_286 : i32 to index
        %parallel_loop3A_330 = arith.constant 16 : index
        %parallel_loop3A_331 = tpu.vector_load %arg10[%parallel_loop3A_329, %parallel_loop3A_330] {strides = array<i32>} : memref<64x64xi32, #tpu.memory_space<vmem>>, vector<1x16xi32>,
        %parallel_loop3A_332 = vector.shape_cast %parallel_loop3A_331 : vector<1x16xi32> to vector<16xi32>
        %parallel_loop3A_333 = arith.constant -65536 : i32
        %parallel_loop3A_334 = vector.broadcast %parallel_loop3A_333 : i32 to vector<16xi32>
        %parallel_loop3A_335 = arith.andi %parallel_loop3A_328, %parallel_loop3A_334 : vector<16xi32>
        %parallel_loop3A_336 = tpu.bitcast %parallel_loop3A_335 : vector<16xi32> -> vector<16xf32>
        %parallel_loop3A_337 = arith.constant -65536 : i32
        %parallel_loop3A_338 = vector.broadcast %parallel_loop3A_337 : i32 to vector<16xi32>
        %parallel_loop3A_339 = arith.andi %parallel_loop3A_332, %parallel_loop3A_338 : vector<16xi32>
        %parallel_loop3A_340 = tpu.bitcast %parallel_loop3A_339 : vector<16xi32> -> vector<16xf32>
        %parallel_loop3A_341 = arith.constant 16 : i32
        %parallel_loop3A_342 = vector.broadcast %parallel_loop3A_341 : i32 to vector<16xi32>
        %parallel_loop3A_343 = arith.shli %parallel_loop3A_328, %parallel_loop3A_342 : vector<16xi32>
        %parallel_loop3A_344 = tpu.bitcast %parallel_loop3A_343 : vector<16xi32> -> vector<16xf32>
        %parallel_loop3A_345 = arith.constant 16 : i32
        %parallel_loop3A_346 = vector.broadcast %parallel_loop3A_345 : i32 to vector<16xi32>
        %parallel_loop3A_347 = arith.shli %parallel_loop3A_332, %parallel_loop3A_346 : vector<16xi32>
        %parallel_loop3A_348 = tpu.bitcast %parallel_loop3A_347 : vector<16xi32> -> vector<16xf32>
        %parallel_loop3A_349 = arith.subf %parallel_loop3A_336, %parallel_loop3A_340 : vector<16xf32>
        %parallel_loop3A_350 = arith.subf %parallel_loop3A_344, %parallel_loop3A_348 : vector<16xf32>
        %parallel_loop3A_351 = arith.mulf %parallel_loop3A_349, %parallel_loop3A_349 : vector<16xf32>
        %parallel_loop3A_352 = arith.addf %parallel_loop3A_289, %parallel_loop3A_351 : vector<16xf32>
        %parallel_loop3A_353 = arith.mulf %parallel_loop3A_350, %parallel_loop3A_350 : vector<16xf32>
        %parallel_loop3A_354 = arith.addf %parallel_loop3A_290, %parallel_loop3A_353 : vector<16xf32>
        %parallel_loop3A_355 = arith.index_cast %parallel_loop3A_286 : i32 to index
        %parallel_loop3A_356 = arith.constant 32 : index
        %parallel_loop3A_357 = tpu.vector_load %arg9[%parallel_loop3A_355, %parallel_loop3A_356] {strides = array<i32>} : memref<64x64xi32, #tpu.memory_space<vmem>>, vector<1x16xi32>,
        %parallel_loop3A_358 = vector.shape_cast %parallel_loop3A_357 : vector<1x16xi32> to vector<16xi32>
        %parallel_loop3A_359 = arith.index_cast %parallel_loop3A_286 : i32 to index
        %parallel_loop3A_360 = arith.constant 32 : index
        %parallel_loop3A_361 = tpu.vector_load %arg10[%parallel_loop3A_359, %parallel_loop3A_360] {strides = array<i32>} : memref<64x64xi32, #tpu.memory_space<vmem>>, vector<1x16xi32>,
        %parallel_loop3A_362 = vector.shape_cast %parallel_loop3A_361 : vector<1x16xi32> to vector<16xi32>
        %parallel_loop3A_363 = arith.constant -65536 : i32
        %parallel_loop3A_364 = vector.broadcast %parallel_loop3A_363 : i32 to vector<16xi32>
        %parallel_loop3A_365 = arith.andi %parallel_loop3A_358, %parallel_loop3A_364 : vector<16xi32>
        %parallel_loop3A_366 = tpu.bitcast %parallel_loop3A_365 : vector<16xi32> -> vector<16xf32>
        %parallel_loop3A_367 = arith.constant -65536 : i32
        %parallel_loop3A_368 = vector.broadcast %parallel_loop3A_367 : i32 to vector<16xi32>
        %parallel_loop3A_369 = arith.andi %parallel_loop3A_362, %parallel_loop3A_368 : vector<16xi32>
        %parallel_loop3A_370 = tpu.bitcast %parallel_loop3A_369 : vector<16xi32> -> vector<16xf32>
        %parallel_loop3A_371 = arith.constant 16 : i32
        %parallel_loop3A_372 = vector.broadcast %parallel_loop3A_371 : i32 to vector<16xi32>
        %parallel_loop3A_373 = arith.shli %parallel_loop3A_358, %parallel_loop3A_372 : vector<16xi32>
        %parallel_loop3A_374 = tpu.bitcast %parallel_loop3A_373 : vector<16xi32> -> vector<16xf32>
        %parallel_loop3A_375 = arith.constant 16 : i32
        %parallel_loop3A_376 = vector.broadcast %parallel_loop3A_375 : i32 to vector<16xi32>
        %parallel_loop3A_377 = arith.shli %parallel_loop3A_362, %parallel_loop3A_376 : vector<16xi32>
        %parallel_loop3A_378 = tpu.bitcast %parallel_loop3A_377 : vector<16xi32> -> vector<16xf32>
        %parallel_loop3A_379 = arith.subf %parallel_loop3A_366, %parallel_loop3A_370 : vector<16xf32>
        %parallel_loop3A_380 = arith.subf %parallel_loop3A_374, %parallel_loop3A_378 : vector<16xf32>
        %parallel_loop3A_381 = arith.mulf %parallel_loop3A_379, %parallel_loop3A_379 : vector<16xf32>
        %parallel_loop3A_382 = arith.addf %parallel_loop3A_291, %parallel_loop3A_381 : vector<16xf32>
        %parallel_loop3A_383 = arith.mulf %parallel_loop3A_380, %parallel_loop3A_380 : vector<16xf32>
        %parallel_loop3A_384 = arith.addf %parallel_loop3A_292, %parallel_loop3A_383 : vector<16xf32>
        %parallel_loop3A_385 = arith.index_cast %parallel_loop3A_286 : i32 to index
        %parallel_loop3A_386 = arith.constant 48 : index
        %parallel_loop3A_387 = tpu.vector_load %arg9[%parallel_loop3A_385, %parallel_loop3A_386] {strides = array<i32>} : memref<64x64xi32, #tpu.memory_space<vmem>>, vector<1x16xi32>,
        %parallel_loop3A_388 = vector.shape_cast %parallel_loop3A_387 : vector<1x16xi32> to vector<16xi32>
        %parallel_loop3A_389 = arith.index_cast %parallel_loop3A_286 : i32 to index
        %parallel_loop3A_390 = arith.constant 48 : index
        %parallel_loop3A_391 = tpu.vector_load %arg10[%parallel_loop3A_389, %parallel_loop3A_390] {strides = array<i32>} : memref<64x64xi32, #tpu.memory_space<vmem>>, vector<1x16xi32>,
        %parallel_loop3A_392 = vector.shape_cast %parallel_loop3A_391 : vector<1x16xi32> to vector<16xi32>
        %parallel_loop3A_393 = arith.constant -65536 : i32
        %parallel_loop3A_394 = vector.broadcast %parallel_loop3A_393 : i32 to vector<16xi32>
        %parallel_loop3A_395 = arith.andi %parallel_loop3A_388, %parallel_loop3A_394 : vector<16xi32>
        %parallel_loop3A_396 = tpu.bitcast %parallel_loop3A_395 : vector<16xi32> -> vector<16xf32>
        %parallel_loop3A_397 = arith.constant -65536 : i32
        %parallel_loop3A_398 = vector.broadcast %parallel_loop3A_397 : i32 to vector<16xi32>
        %parallel_loop3A_399 = arith.andi %parallel_loop3A_392, %parallel_loop3A_398 : vector<16xi32>
        %parallel_loop3A_400 = tpu.bitcast %parallel_loop3A_399 : vector<16xi32> -> vector<16xf32>
        %parallel_loop3A_401 = arith.constant 16 : i32
        %parallel_loop3A_402 = vector.broadcast %parallel_loop3A_401 : i32 to vector<16xi32>
        %parallel_loop3A_403 = arith.shli %parallel_loop3A_388, %parallel_loop3A_402 : vector<16xi32>
        %parallel_loop3A_404 = tpu.bitcast %parallel_loop3A_403 : vector<16xi32> -> vector<16xf32>
        %parallel_loop3A_405 = arith.constant 16 : i32
        %parallel_loop3A_406 = vector.broadcast %parallel_loop3A_405 : i32 to vector<16xi32>
        %parallel_loop3A_407 = arith.shli %parallel_loop3A_392, %parallel_loop3A_406 : vector<16xi32>
        %parallel_loop3A_408 = tpu.bitcast %parallel_loop3A_407 : vector<16xi32> -> vector<16xf32>
        %parallel_loop3A_409 = arith.subf %parallel_loop3A_396, %parallel_loop3A_400 : vector<16xf32>
        %parallel_loop3A_410 = arith.subf %parallel_loop3A_404, %parallel_loop3A_408 : vector<16xf32>
        %parallel_loop3A_411 = arith.mulf %parallel_loop3A_409, %parallel_loop3A_409 : vector<16xf32>
        %parallel_loop3A_412 = arith.addf %parallel_loop3A_293, %parallel_loop3A_411 : vector<16xf32>
        %parallel_loop3A_413 = arith.mulf %parallel_loop3A_410, %parallel_loop3A_410 : vector<16xf32>
        %parallel_loop3A_414 = arith.addf %parallel_loop3A_294, %parallel_loop3A_413 : vector<16xf32>
        scf.yield %parallel_loop3A_322, %parallel_loop3A_324, %parallel_loop3A_352, %parallel_loop3A_354, %parallel_loop3A_382, %parallel_loop3A_384, %parallel_loop3A_412, %parallel_loop3A_414 : vector<16xf32>, vector<16xf32>, vector<16xf32>, vector<16xf32>, vector<16xf32>, vector<16xf32>, vector<16xf32>, vector<16xf32>
      } {sc.loop_unroll_factor = 1 : i64, sc.parallel_access}
      %add3A_279 = arith.constant 1 : i32
      %add3A_280 = arith.addi %scan3A_224, %add3A_279 : i32
      %lt3A_281 = arith.constant 16 : i32
      %lt3A_282 = arith.cmpi slt, %add3A_280, %lt3A_281 : i32
      %convert_element_type3A_283 = arith.extui %lt3A_282 : i1 to i32
      %cond3A_284 = arith.constant 0 : i32
      %cond3A_285 = arith.cmpi ne, %convert_element_type3A_283, %cond3A_284 : i32
      scf.if %cond3A_285 {
        %mul3A_286 = arith.constant 2 : i32
        %mul3A_287 = arith.muli %mul3A_286, %scan3A_224 : i32
        %add3A_288 = arith.constant 3 : i32
        %add3A_289 = arith.addi %mul3A_287, %add3A_288 : i32
        %dma_start3A_290 = arith.constant 0 : i32
        %dma_start3A_291 = arith.constant 0 : i32
        %dma_start3A_292 = tpu.memref_slice %arg6[%add3A_289, %dma_start3A_290, %dma_start3A_291] : memref<32x2x64xi32, #tpu.memory_space<vmem>> -> memref<1x1x64xi32, #tpu.memory_space<vmem>>
        %dma_start3A_293 = tpu.memref_squeeze %dma_start3A_292 : memref<1x1x64xi32, #tpu.memory_space<vmem>> -> memref<64xi32, #tpu.memory_space<vmem>>
        %dma_start3A_294 = arith.constant 0 : i32
        %dma_start3A_295 = arith.constant 0 : i32
        %dma_start3A_296 = tpu.memref_slice %arg12[%dma_start3A_294, %dma_start3A_295] : memref<10000x64xi32, #tpu.memory_space<vmem_shared>> -> memref<10000x64xi32, #tpu.memory_space<vmem_shared>>
        tpu.enqueue_indirect_dma source(%dma_start3A_296 : memref<10000x64xi32, #tpu.memory_space<vmem_shared>>) target(%arg9 : memref<64x64xi32, #tpu.memory_space<vmem>>) offsets(%dma_start3A_293 : memref<64xi32, #tpu.memory_space<vmem>>) semaphore(%arg14 : memref<!tpu.dma_semaphore, #tpu.memory_space<semaphore_mem>>)
        %dma_start3A_297 = arith.constant 1 : i32
        %dma_start3A_298 = arith.constant 0 : i32
        %dma_start3A_299 = tpu.memref_slice %arg6[%add3A_289, %dma_start3A_297, %dma_start3A_298] : memref<32x2x64xi32, #tpu.memory_space<vmem>> -> memref<1x1x64xi32, #tpu.memory_space<vmem>>
        %dma_start3A_300 = tpu.memref_squeeze %dma_start3A_299 : memref<1x1x64xi32, #tpu.memory_space<vmem>> -> memref<64xi32, #tpu.memory_space<vmem>>
        %dma_start3A_301 = arith.constant 0 : i32
        %dma_start3A_302 = arith.constant 0 : i32
        %dma_start3A_303 = tpu.memref_slice %arg12[%dma_start3A_301, %dma_start3A_302] : memref<10000x64xi32, #tpu.memory_space<vmem_shared>> -> memref<10000x64xi32, #tpu.memory_space<vmem_shared>>
        tpu.enqueue_indirect_dma source(%dma_start3A_303 : memref<10000x64xi32, #tpu.memory_space<vmem_shared>>) target(%arg10 : memref<64x64xi32, #tpu.memory_space<vmem>>) offsets(%dma_start3A_300 : memref<64xi32, #tpu.memory_space<vmem>>) semaphore(%arg14 : memref<!tpu.dma_semaphore, #tpu.memory_space<semaphore_mem>>)
      } else {
      }
      scf.yield %parallel_loop3A_278#0, %parallel_loop3A_278#1, %parallel_loop3A_278#2, %parallel_loop3A_278#3, %parallel_loop3A_278#4, %parallel_loop3A_278#5, %parallel_loop3A_278#6, %parallel_loop3A_278#7 : vector<16xf32>, vector<16xf32>, vector<16xf32>, vector<16xf32>, vector<16xf32>, vector<16xf32>, vector<16xf32>, vector<16xf32>
    }
    %scan3A_55 = arith.constant 16 : i32
    %run_scoped3A_56 = arith.constant 1 : i32
    "tpu.region"() ({
      %run_scoped3A_224 = tpu.sem_alloc : memref<!tpu.dma_semaphore, #tpu.memory_space<semaphore_mem>>
      %dma_start3A_225 = arith.constant 0 : i32
      %dma_start3A_226 = arith.constant 0 : i32
      %dma_start3A_227 = arith.constant 0 : i32
      %dma_start3A_228 = tpu.memref_slice %arg3[%add3A, %run_scoped3A_56, %dma_start3A_225, %dma_start3A_226, %dma_start3A_227] : memref<32x5x32x2x64xi32, #tpu.memory_space<hbm>> -> memref<1x1x32x2x64xi32, #tpu.memory_space<hbm>>
      %dma_start3A_229 = tpu.memref_squeeze %dma_start3A_228 : memref<1x1x32x2x64xi32, #tpu.memory_space<hbm>> -> memref<32x2x64xi32, #tpu.memory_space<hbm>>
      %dma_start3A_230 = arith.constant 0 : i32
      %dma_start3A_231 = arith.constant 0 : i32
      %dma_start3A_232 = arith.constant 0 : i32
      %dma_start3A_233 = tpu.memref_slice %arg3[%add3A, %run_scoped3A_56, %dma_start3A_230, %dma_start3A_231, %dma_start3A_232] : memref<32x5x32x2x64xi32, #tpu.memory_space<hbm>> -> memref<1x1x32x2x64xi32, #tpu.memory_space<hbm>>
      %dma_start3A_234 = tpu.memref_squeeze %dma_start3A_233 : memref<1x1x32x2x64xi32, #tpu.memory_space<hbm>> -> memref<32x2x64xi32, #tpu.memory_space<hbm>>
      tpu.enqueue_dma source(%dma_start3A_234 : memref<32x2x64xi32, #tpu.memory_space<hbm>>) target(%arg6 : memref<32x2x64xi32, #tpu.memory_space<vmem>>) target_semaphore(%run_scoped3A_224 : memref<!tpu.dma_semaphore, #tpu.memory_space<semaphore_mem>>)
      %dma_wait3A = arith.constant 0 : i32
      %dma_wait3A_235 = arith.constant 0 : i32
      %dma_wait3A_236 = arith.constant 0 : i32
      %dma_wait3A_237 = tpu.memref_slice %arg3[%add3A, %run_scoped3A_56, %dma_wait3A, %dma_wait3A_235, %dma_wait3A_236] : memref<32x5x32x2x64xi32, #tpu.memory_space<hbm>> -> memref<1x1x32x2x64xi32, #tpu.memory_space<hbm>>
      %dma_wait3A_238 = tpu.memref_squeeze %dma_wait3A_237 : memref<1x1x32x2x64xi32, #tpu.memory_space<hbm>> -> memref<32x2x64xi32, #tpu.memory_space<hbm>>
      %dma_wait3A_239 = arith.constant 0 : i32
      %dma_wait3A_240 = arith.constant 0 : i32
      %dma_wait3A_241 = arith.constant 0 : i32
      %dma_wait3A_242 = tpu.memref_slice %arg3[%add3A, %run_scoped3A_56, %dma_wait3A_239, %dma_wait3A_240, %dma_wait3A_241] : memref<32x5x32x2x64xi32, #tpu.memory_space<hbm>> -> memref<1x1x32x2x64xi32, #tpu.memory_space<hbm>>
      %dma_wait3A_243 = tpu.memref_squeeze %dma_wait3A_242 : memref<1x1x32x2x64xi32, #tpu.memory_space<hbm>> -> memref<32x2x64xi32, #tpu.memory_space<hbm>>
      tpu.wait_dma2 semaphore(%run_scoped3A_224 : memref<!tpu.dma_semaphore, #tpu.memory_space<semaphore_mem>>) src(%dma_wait3A_243 : memref<32x2x64xi32, #tpu.memory_space<hbm>>) dst(%arg6 : memref<32x2x64xi32, #tpu.memory_space<vmem>>)
      tpu.yield
    }) : () -> ()
    %dma_start3A_57 = arith.constant 0 : i32
    %dma_start3A_58 = arith.constant 0 : i32
    %dma_start3A_59 = arith.constant 0 : i32
    %dma_start3A_60 = tpu.memref_slice %arg6[%dma_start3A_57, %dma_start3A_58, %dma_start3A_59] : memref<32x2x64xi32, #tpu.memory_space<vmem>> -> memref<1x1x64xi32, #tpu.memory_space<vmem>>
    %dma_start3A_61 = tpu.memref_squeeze %dma_start3A_60 : memref<1x1x64xi32, #tpu.memory_space<vmem>> -> memref<64xi32, #tpu.memory_space<vmem>>
    %dma_start3A_62 = arith.constant 0 : i32
    %dma_start3A_63 = arith.constant 0 : i32
    %dma_start3A_64 = tpu.memref_slice %arg12[%dma_start3A_62, %dma_start3A_63] : memref<10000x64xi32, #tpu.memory_space<vmem_shared>> -> memref<10000x64xi32, #tpu.memory_space<vmem_shared>>
    tpu.enqueue_indirect_dma source(%dma_start3A_64 : memref<10000x64xi32, #tpu.memory_space<vmem_shared>>) target(%arg7 : memref<64x64xi32, #tpu.memory_space<vmem>>) offsets(%dma_start3A_61 : memref<64xi32, #tpu.memory_space<vmem>>) semaphore(%arg13 : memref<!tpu.dma_semaphore, #tpu.memory_space<semaphore_mem>>)
    %dma_start3A_65 = arith.constant 0 : i32
    %dma_start3A_66 = arith.constant 1 : i32
    %dma_start3A_67 = arith.constant 0 : i32
    %dma_start3A_68 = tpu.memref_slice %arg6[%dma_start3A_65, %dma_start3A_66, %dma_start3A_67] : memref<32x2x64xi32, #tpu.memory_space<vmem>> -> memref<1x1x64xi32, #tpu.memory_space<vmem>>
    %dma_start3A_69 = tpu.memref_squeeze %dma_start3A_68 : memref<1x1x64xi32, #tpu.memory_space<vmem>> -> memref<64xi32, #tpu.memory_space<vmem>>
    %dma_start3A_70 = arith.constant 0 : i32
    %dma_start3A_71 = arith.constant 0 : i32
    %dma_start3A_72 = tpu.memref_slice %arg12[%dma_start3A_70, %dma_start3A_71] : memref<10000x64xi32, #tpu.memory_space<vmem_shared>> -> memref<10000x64xi32, #tpu.memory_space<vmem_shared>>
    tpu.enqueue_indirect_dma source(%dma_start3A_72 : memref<10000x64xi32, #tpu.memory_space<vmem_shared>>) target(%arg8 : memref<64x64xi32, #tpu.memory_space<vmem>>) offsets(%dma_start3A_69 : memref<64xi32, #tpu.memory_space<vmem>>) semaphore(%arg13 : memref<!tpu.dma_semaphore, #tpu.memory_space<semaphore_mem>>)
    %dma_start3A_73 = arith.constant 1 : i32
    %dma_start3A_74 = arith.constant 0 : i32
    %dma_start3A_75 = arith.constant 0 : i32
    %dma_start3A_76 = tpu.memref_slice %arg6[%dma_start3A_73, %dma_start3A_74, %dma_start3A_75] : memref<32x2x64xi32, #tpu.memory_space<vmem>> -> memref<1x1x64xi32, #tpu.memory_space<vmem>>
    %dma_start3A_77 = tpu.memref_squeeze %dma_start3A_76 : memref<1x1x64xi32, #tpu.memory_space<vmem>> -> memref<64xi32, #tpu.memory_space<vmem>>
    %dma_start3A_78 = arith.constant 0 : i32
    %dma_start3A_79 = arith.constant 0 : i32
    %dma_start3A_80 = tpu.memref_slice %arg12[%dma_start3A_78, %dma_start3A_79] : memref<10000x64xi32, #tpu.memory_space<vmem_shared>> -> memref<10000x64xi32, #tpu.memory_space<vmem_shared>>
    tpu.enqueue_indirect_dma source(%dma_start3A_80 : memref<10000x64xi32, #tpu.memory_space<vmem_shared>>) target(%arg9 : memref<64x64xi32, #tpu.memory_space<vmem>>) offsets(%dma_start3A_77 : memref<64xi32, #tpu.memory_space<vmem>>) semaphore(%arg14 : memref<!tpu.dma_semaphore, #tpu.memory_space<semaphore_mem>>)
    %dma_start3A_81 = arith.constant 1 : i32
    %dma_start3A_82 = arith.constant 1 : i32
    %dma_start3A_83 = arith.constant 0 : i32
    %dma_start3A_84 = tpu.memref_slice %arg6[%dma_start3A_81, %dma_start3A_82, %dma_start3A_83] : memref<32x2x64xi32, #tpu.memory_space<vmem>> -> memref<1x1x64xi32, #tpu.memory_space<vmem>>
    %dma_start3A_85 = tpu.memref_squeeze %dma_start3A_84 : memref<1x1x64xi32, #tpu.memory_space<vmem>> -> memref<64xi32, #tpu.memory_space<vmem>>
    %dma_start3A_86 = arith.constant 0 : i32
    %dma_start3A_87 = arith.constant 0 : i32
    %dma_start3A_88 = tpu.memref_slice %arg12[%dma_start3A_86, %dma_start3A_87] : memref<10000x64xi32, #tpu.memory_space<vmem_shared>> -> memref<10000x64xi32, #tpu.memory_space<vmem_shared>>
    tpu.enqueue_indirect_dma source(%dma_start3A_88 : memref<10000x64xi32, #tpu.memory_space<vmem_shared>>) target(%arg10 : memref<64x64xi32, #tpu.memory_space<vmem>>) offsets(%dma_start3A_85 : memref<64xi32, #tpu.memory_space<vmem>>) semaphore(%arg14 : memref<!tpu.dma_semaphore, #tpu.memory_space<semaphore_mem>>)
    %scan3A_89 = arith.constant 0 : i32
    %scan3A_90 = arith.constant 16 : i32
    %scan3A_91 = arith.addi %scan3A_89, %scan3A_90 : i32
    %scan3A_92 = arith.constant 1 : i32
    %scan3A_93:8 = scf.for %scan3A_224 = %scan3A_89 to %scan3A_91 step %scan3A_92 iter_args(%scan3A_225 = %scan3A_54#0, %scan3A_226 = %scan3A_54#1, %scan3A_227 = %scan3A_54#2, %scan3A_228 = %scan3A_54#3, %scan3A_229 = %scan3A_54#4, %scan3A_230 = %scan3A_54#5, %scan3A_231 = %scan3A_54#6, %scan3A_232 = %scan3A_54#7) -> (vector<16xf32>, vector<16xf32>, vector<16xf32>, vector<16xf32>, vector<16xf32>, vector<16xf32>, vector<16xf32>, vector<16xf32>)  : i32 {
      %mul3A_233 = arith.constant 2 : i32
      %mul3A_234 = arith.muli %mul3A_233, %scan3A_224 : i32
      %dma_wait3A = arith.constant 0 : i32
      %dma_wait3A_235 = arith.constant 0 : i32
      %dma_wait3A_236 = tpu.memref_slice %arg6[%mul3A_234, %dma_wait3A, %dma_wait3A_235] : memref<32x2x64xi32, #tpu.memory_space<vmem>> -> memref<1x1x64xi32, #tpu.memory_space<vmem>>
      %dma_wait3A_237 = tpu.memref_squeeze %dma_wait3A_236 : memref<1x1x64xi32, #tpu.memory_space<vmem>> -> memref<64xi32, #tpu.memory_space<vmem>>
      %dma_wait3A_238 = arith.constant 0 : i32
      %dma_wait3A_239 = arith.constant 0 : i32
      %dma_wait3A_240 = tpu.memref_slice %arg12[%dma_wait3A_238, %dma_wait3A_239] : memref<10000x64xi32, #tpu.memory_space<vmem_shared>> -> memref<10000x64xi32, #tpu.memory_space<vmem_shared>>
      tpu.wait_indirect_dma semaphore(%arg13 : memref<!tpu.dma_semaphore, #tpu.memory_space<semaphore_mem>>) src(%dma_wait3A_240 : memref<10000x64xi32, #tpu.memory_space<vmem_shared>>) dst(%arg7 : memref<64x64xi32, #tpu.memory_space<vmem>>)
      %dma_wait3A_241 = arith.constant 1 : i32
      %dma_wait3A_242 = arith.constant 0 : i32
      %dma_wait3A_243 = tpu.memref_slice %arg6[%mul3A_234, %dma_wait3A_241, %dma_wait3A_242] : memref<32x2x64xi32, #tpu.memory_space<vmem>> -> memref<1x1x64xi32, #tpu.memory_space<vmem>>
      %dma_wait3A_244 = tpu.memref_squeeze %dma_wait3A_243 : memref<1x1x64xi32, #tpu.memory_space<vmem>> -> memref<64xi32, #tpu.memory_space<vmem>>
      %dma_wait3A_245 = arith.constant 0 : i32
      %dma_wait3A_246 = arith.constant 0 : i32
      %dma_wait3A_247 = tpu.memref_slice %arg12[%dma_wait3A_245, %dma_wait3A_246] : memref<10000x64xi32, #tpu.memory_space<vmem_shared>> -> memref<10000x64xi32, #tpu.memory_space<vmem_shared>>
      tpu.wait_indirect_dma semaphore(%arg13 : memref<!tpu.dma_semaphore, #tpu.memory_space<semaphore_mem>>) src(%dma_wait3A_247 : memref<10000x64xi32, #tpu.memory_space<vmem_shared>>) dst(%arg8 : memref<64x64xi32, #tpu.memory_space<vmem>>)
      %parallel_loop3A = arith.constant 0 : i32
      %parallel_loop3A_248 = arith.constant 64 : i32
      %parallel_loop3A_249 = arith.constant 1 : i32
      %parallel_loop3A_250:8 = scf.for %parallel_loop3A_286 = %parallel_loop3A to %parallel_loop3A_248 step %parallel_loop3A_249 iter_args(%parallel_loop3A_287 = %scan3A_225, %parallel_loop3A_288 = %scan3A_226, %parallel_loop3A_289 = %scan3A_227, %parallel_loop3A_290 = %scan3A_228, %parallel_loop3A_291 = %scan3A_229, %parallel_loop3A_292 = %scan3A_230, %parallel_loop3A_293 = %scan3A_231, %parallel_loop3A_294 = %scan3A_232) -> (vector<16xf32>, vector<16xf32>, vector<16xf32>, vector<16xf32>, vector<16xf32>, vector<16xf32>, vector<16xf32>, vector<16xf32>)  : i32 {
        %parallel_loop3A_295 = arith.index_cast %parallel_loop3A_286 : i32 to index
        %parallel_loop3A_296 = arith.constant 0 : index
        %parallel_loop3A_297 = tpu.vector_load %arg7[%parallel_loop3A_295, %parallel_loop3A_296] {strides = array<i32>} : memref<64x64xi32, #tpu.memory_space<vmem>>, vector<1x16xi32>,
        %parallel_loop3A_298 = vector.shape_cast %parallel_loop3A_297 : vector<1x16xi32> to vector<16xi32>
        %parallel_loop3A_299 = arith.index_cast %parallel_loop3A_286 : i32 to index
        %parallel_loop3A_300 = arith.constant 0 : index
        %parallel_loop3A_301 = tpu.vector_load %arg8[%parallel_loop3A_299, %parallel_loop3A_300] {strides = array<i32>} : memref<64x64xi32, #tpu.memory_space<vmem>>, vector<1x16xi32>,
        %parallel_loop3A_302 = vector.shape_cast %parallel_loop3A_301 : vector<1x16xi32> to vector<16xi32>
        %parallel_loop3A_303 = arith.constant -65536 : i32
        %parallel_loop3A_304 = vector.broadcast %parallel_loop3A_303 : i32 to vector<16xi32>
        %parallel_loop3A_305 = arith.andi %parallel_loop3A_298, %parallel_loop3A_304 : vector<16xi32>
        %parallel_loop3A_306 = tpu.bitcast %parallel_loop3A_305 : vector<16xi32> -> vector<16xf32>
        %parallel_loop3A_307 = arith.constant -65536 : i32
        %parallel_loop3A_308 = vector.broadcast %parallel_loop3A_307 : i32 to vector<16xi32>
        %parallel_loop3A_309 = arith.andi %parallel_loop3A_302, %parallel_loop3A_308 : vector<16xi32>
        %parallel_loop3A_310 = tpu.bitcast %parallel_loop3A_309 : vector<16xi32> -> vector<16xf32>
        %parallel_loop3A_311 = arith.constant 16 : i32
        %parallel_loop3A_312 = vector.broadcast %parallel_loop3A_311 : i32 to vector<16xi32>
        %parallel_loop3A_313 = arith.shli %parallel_loop3A_298, %parallel_loop3A_312 : vector<16xi32>
        %parallel_loop3A_314 = tpu.bitcast %parallel_loop3A_313 : vector<16xi32> -> vector<16xf32>
        %parallel_loop3A_315 = arith.constant 16 : i32
        %parallel_loop3A_316 = vector.broadcast %parallel_loop3A_315 : i32 to vector<16xi32>
        %parallel_loop3A_317 = arith.shli %parallel_loop3A_302, %parallel_loop3A_316 : vector<16xi32>
        %parallel_loop3A_318 = tpu.bitcast %parallel_loop3A_317 : vector<16xi32> -> vector<16xf32>
        %parallel_loop3A_319 = arith.subf %parallel_loop3A_306, %parallel_loop3A_310 : vector<16xf32>
        %parallel_loop3A_320 = arith.subf %parallel_loop3A_314, %parallel_loop3A_318 : vector<16xf32>
        %parallel_loop3A_321 = arith.mulf %parallel_loop3A_319, %parallel_loop3A_319 : vector<16xf32>
        %parallel_loop3A_322 = arith.addf %parallel_loop3A_287, %parallel_loop3A_321 : vector<16xf32>
        %parallel_loop3A_323 = arith.mulf %parallel_loop3A_320, %parallel_loop3A_320 : vector<16xf32>
        %parallel_loop3A_324 = arith.addf %parallel_loop3A_288, %parallel_loop3A_323 : vector<16xf32>
        %parallel_loop3A_325 = arith.index_cast %parallel_loop3A_286 : i32 to index
        %parallel_loop3A_326 = arith.constant 16 : index
        %parallel_loop3A_327 = tpu.vector_load %arg7[%parallel_loop3A_325, %parallel_loop3A_326] {strides = array<i32>} : memref<64x64xi32, #tpu.memory_space<vmem>>, vector<1x16xi32>,
        %parallel_loop3A_328 = vector.shape_cast %parallel_loop3A_327 : vector<1x16xi32> to vector<16xi32>
        %parallel_loop3A_329 = arith.index_cast %parallel_loop3A_286 : i32 to index
        %parallel_loop3A_330 = arith.constant 16 : index
        %parallel_loop3A_331 = tpu.vector_load %arg8[%parallel_loop3A_329, %parallel_loop3A_330] {strides = array<i32>} : memref<64x64xi32, #tpu.memory_space<vmem>>, vector<1x16xi32>,
        %parallel_loop3A_332 = vector.shape_cast %parallel_loop3A_331 : vector<1x16xi32> to vector<16xi32>
        %parallel_loop3A_333 = arith.constant -65536 : i32
        %parallel_loop3A_334 = vector.broadcast %parallel_loop3A_333 : i32 to vector<16xi32>
        %parallel_loop3A_335 = arith.andi %parallel_loop3A_328, %parallel_loop3A_334 : vector<16xi32>
        %parallel_loop3A_336 = tpu.bitcast %parallel_loop3A_335 : vector<16xi32> -> vector<16xf32>
        %parallel_loop3A_337 = arith.constant -65536 : i32
        %parallel_loop3A_338 = vector.broadcast %parallel_loop3A_337 : i32 to vector<16xi32>
        %parallel_loop3A_339 = arith.andi %parallel_loop3A_332, %parallel_loop3A_338 : vector<16xi32>
        %parallel_loop3A_340 = tpu.bitcast %parallel_loop3A_339 : vector<16xi32> -> vector<16xf32>
        %parallel_loop3A_341 = arith.constant 16 : i32
        %parallel_loop3A_342 = vector.broadcast %parallel_loop3A_341 : i32 to vector<16xi32>
        %parallel_loop3A_343 = arith.shli %parallel_loop3A_328, %parallel_loop3A_342 : vector<16xi32>
        %parallel_loop3A_344 = tpu.bitcast %parallel_loop3A_343 : vector<16xi32> -> vector<16xf32>
        %parallel_loop3A_345 = arith.constant 16 : i32
        %parallel_loop3A_346 = vector.broadcast %parallel_loop3A_345 : i32 to vector<16xi32>
        %parallel_loop3A_347 = arith.shli %parallel_loop3A_332, %parallel_loop3A_346 : vector<16xi32>
        %parallel_loop3A_348 = tpu.bitcast %parallel_loop3A_347 : vector<16xi32> -> vector<16xf32>
        %parallel_loop3A_349 = arith.subf %parallel_loop3A_336, %parallel_loop3A_340 : vector<16xf32>
        %parallel_loop3A_350 = arith.subf %parallel_loop3A_344, %parallel_loop3A_348 : vector<16xf32>
        %parallel_loop3A_351 = arith.mulf %parallel_loop3A_349, %parallel_loop3A_349 : vector<16xf32>
        %parallel_loop3A_352 = arith.addf %parallel_loop3A_289, %parallel_loop3A_351 : vector<16xf32>
        %parallel_loop3A_353 = arith.mulf %parallel_loop3A_350, %parallel_loop3A_350 : vector<16xf32>
        %parallel_loop3A_354 = arith.addf %parallel_loop3A_290, %parallel_loop3A_353 : vector<16xf32>
        %parallel_loop3A_355 = arith.index_cast %parallel_loop3A_286 : i32 to index
        %parallel_loop3A_356 = arith.constant 32 : index
        %parallel_loop3A_357 = tpu.vector_load %arg7[%parallel_loop3A_355, %parallel_loop3A_356] {strides = array<i32>} : memref<64x64xi32, #tpu.memory_space<vmem>>, vector<1x16xi32>,
        %parallel_loop3A_358 = vector.shape_cast %parallel_loop3A_357 : vector<1x16xi32> to vector<16xi32>
        %parallel_loop3A_359 = arith.index_cast %parallel_loop3A_286 : i32 to index
        %parallel_loop3A_360 = arith.constant 32 : index
        %parallel_loop3A_361 = tpu.vector_load %arg8[%parallel_loop3A_359, %parallel_loop3A_360] {strides = array<i32>} : memref<64x64xi32, #tpu.memory_space<vmem>>, vector<1x16xi32>,
        %parallel_loop3A_362 = vector.shape_cast %parallel_loop3A_361 : vector<1x16xi32> to vector<16xi32>
        %parallel_loop3A_363 = arith.constant -65536 : i32
        %parallel_loop3A_364 = vector.broadcast %parallel_loop3A_363 : i32 to vector<16xi32>
        %parallel_loop3A_365 = arith.andi %parallel_loop3A_358, %parallel_loop3A_364 : vector<16xi32>
        %parallel_loop3A_366 = tpu.bitcast %parallel_loop3A_365 : vector<16xi32> -> vector<16xf32>
        %parallel_loop3A_367 = arith.constant -65536 : i32
        %parallel_loop3A_368 = vector.broadcast %parallel_loop3A_367 : i32 to vector<16xi32>
        %parallel_loop3A_369 = arith.andi %parallel_loop3A_362, %parallel_loop3A_368 : vector<16xi32>
        %parallel_loop3A_370 = tpu.bitcast %parallel_loop3A_369 : vector<16xi32> -> vector<16xf32>
        %parallel_loop3A_371 = arith.constant 16 : i32
        %parallel_loop3A_372 = vector.broadcast %parallel_loop3A_371 : i32 to vector<16xi32>
        %parallel_loop3A_373 = arith.shli %parallel_loop3A_358, %parallel_loop3A_372 : vector<16xi32>
        %parallel_loop3A_374 = tpu.bitcast %parallel_loop3A_373 : vector<16xi32> -> vector<16xf32>
        %parallel_loop3A_375 = arith.constant 16 : i32
        %parallel_loop3A_376 = vector.broadcast %parallel_loop3A_375 : i32 to vector<16xi32>
        %parallel_loop3A_377 = arith.shli %parallel_loop3A_362, %parallel_loop3A_376 : vector<16xi32>
        %parallel_loop3A_378 = tpu.bitcast %parallel_loop3A_377 : vector<16xi32> -> vector<16xf32>
        %parallel_loop3A_379 = arith.subf %parallel_loop3A_366, %parallel_loop3A_370 : vector<16xf32>
        %parallel_loop3A_380 = arith.subf %parallel_loop3A_374, %parallel_loop3A_378 : vector<16xf32>
        %parallel_loop3A_381 = arith.mulf %parallel_loop3A_379, %parallel_loop3A_379 : vector<16xf32>
        %parallel_loop3A_382 = arith.addf %parallel_loop3A_291, %parallel_loop3A_381 : vector<16xf32>
        %parallel_loop3A_383 = arith.mulf %parallel_loop3A_380, %parallel_loop3A_380 : vector<16xf32>
        %parallel_loop3A_384 = arith.addf %parallel_loop3A_292, %parallel_loop3A_383 : vector<16xf32>
        %parallel_loop3A_385 = arith.index_cast %parallel_loop3A_286 : i32 to index
        %parallel_loop3A_386 = arith.constant 48 : index
        %parallel_loop3A_387 = tpu.vector_load %arg7[%parallel_loop3A_385, %parallel_loop3A_386] {strides = array<i32>} : memref<64x64xi32, #tpu.memory_space<vmem>>, vector<1x16xi32>,
        %parallel_loop3A_388 = vector.shape_cast %parallel_loop3A_387 : vector<1x16xi32> to vector<16xi32>
        %parallel_loop3A_389 = arith.index_cast %parallel_loop3A_286 : i32 to index
        %parallel_loop3A_390 = arith.constant 48 : index
        %parallel_loop3A_391 = tpu.vector_load %arg8[%parallel_loop3A_389, %parallel_loop3A_390] {strides = array<i32>} : memref<64x64xi32, #tpu.memory_space<vmem>>, vector<1x16xi32>,
        %parallel_loop3A_392 = vector.shape_cast %parallel_loop3A_391 : vector<1x16xi32> to vector<16xi32>
        %parallel_loop3A_393 = arith.constant -65536 : i32
        %parallel_loop3A_394 = vector.broadcast %parallel_loop3A_393 : i32 to vector<16xi32>
        %parallel_loop3A_395 = arith.andi %parallel_loop3A_388, %parallel_loop3A_394 : vector<16xi32>
        %parallel_loop3A_396 = tpu.bitcast %parallel_loop3A_395 : vector<16xi32> -> vector<16xf32>
        %parallel_loop3A_397 = arith.constant -65536 : i32
        %parallel_loop3A_398 = vector.broadcast %parallel_loop3A_397 : i32 to vector<16xi32>
        %parallel_loop3A_399 = arith.andi %parallel_loop3A_392, %parallel_loop3A_398 : vector<16xi32>
        %parallel_loop3A_400 = tpu.bitcast %parallel_loop3A_399 : vector<16xi32> -> vector<16xf32>
        %parallel_loop3A_401 = arith.constant 16 : i32
        %parallel_loop3A_402 = vector.broadcast %parallel_loop3A_401 : i32 to vector<16xi32>
        %parallel_loop3A_403 = arith.shli %parallel_loop3A_388, %parallel_loop3A_402 : vector<16xi32>
        %parallel_loop3A_404 = tpu.bitcast %parallel_loop3A_403 : vector<16xi32> -> vector<16xf32>
        %parallel_loop3A_405 = arith.constant 16 : i32
        %parallel_loop3A_406 = vector.broadcast %parallel_loop3A_405 : i32 to vector<16xi32>
        %parallel_loop3A_407 = arith.shli %parallel_loop3A_392, %parallel_loop3A_406 : vector<16xi32>
        %parallel_loop3A_408 = tpu.bitcast %parallel_loop3A_407 : vector<16xi32> -> vector<16xf32>
        %parallel_loop3A_409 = arith.subf %parallel_loop3A_396, %parallel_loop3A_400 : vector<16xf32>
        %parallel_loop3A_410 = arith.subf %parallel_loop3A_404, %parallel_loop3A_408 : vector<16xf32>
        %parallel_loop3A_411 = arith.mulf %parallel_loop3A_409, %parallel_loop3A_409 : vector<16xf32>
        %parallel_loop3A_412 = arith.addf %parallel_loop3A_293, %parallel_loop3A_411 : vector<16xf32>
        %parallel_loop3A_413 = arith.mulf %parallel_loop3A_410, %parallel_loop3A_410 : vector<16xf32>
        %parallel_loop3A_414 = arith.addf %parallel_loop3A_294, %parallel_loop3A_413 : vector<16xf32>
        scf.yield %parallel_loop3A_322, %parallel_loop3A_324, %parallel_loop3A_352, %parallel_loop3A_354, %parallel_loop3A_382, %parallel_loop3A_384, %parallel_loop3A_412, %parallel_loop3A_414 : vector<16xf32>, vector<16xf32>, vector<16xf32>, vector<16xf32>, vector<16xf32>, vector<16xf32>, vector<16xf32>, vector<16xf32>
      } {sc.loop_unroll_factor = 1 : i64, sc.parallel_access}
      %add3A_251 = arith.constant 1 : i32
      %add3A_252 = arith.addi %scan3A_224, %add3A_251 : i32
      %lt3A = arith.constant 16 : i32
      %lt3A_253 = arith.cmpi slt, %add3A_252, %lt3A : i32
      %convert_element_type3A_254 = arith.extui %lt3A_253 : i1 to i32
      %cond3A_255 = arith.constant 0 : i32
      %cond3A_256 = arith.cmpi ne, %convert_element_type3A_254, %cond3A_255 : i32
      scf.if %cond3A_256 {
        %mul3A_286 = arith.constant 2 : i32
        %mul3A_287 = arith.muli %mul3A_286, %scan3A_224 : i32
        %add3A_288 = arith.constant 2 : i32
        %add3A_289 = arith.addi %mul3A_287, %add3A_288 : i32
        %dma_start3A_290 = arith.constant 0 : i32
        %dma_start3A_291 = arith.constant 0 : i32
        %dma_start3A_292 = tpu.memref_slice %arg6[%add3A_289, %dma_start3A_290, %dma_start3A_291] : memref<32x2x64xi32, #tpu.memory_space<vmem>> -> memref<1x1x64xi32, #tpu.memory_space<vmem>>
        %dma_start3A_293 = tpu.memref_squeeze %dma_start3A_292 : memref<1x1x64xi32, #tpu.memory_space<vmem>> -> memref<64xi32, #tpu.memory_space<vmem>>
        %dma_start3A_294 = arith.constant 0 : i32
        %dma_start3A_295 = arith.constant 0 : i32
        %dma_start3A_296 = tpu.memref_slice %arg12[%dma_start3A_294, %dma_start3A_295] : memref<10000x64xi32, #tpu.memory_space<vmem_shared>> -> memref<10000x64xi32, #tpu.memory_space<vmem_shared>>
        tpu.enqueue_indirect_dma source(%dma_start3A_296 : memref<10000x64xi32, #tpu.memory_space<vmem_shared>>) target(%arg7 : memref<64x64xi32, #tpu.memory_space<vmem>>) offsets(%dma_start3A_293 : memref<64xi32, #tpu.memory_space<vmem>>) semaphore(%arg13 : memref<!tpu.dma_semaphore, #tpu.memory_space<semaphore_mem>>)
        %dma_start3A_297 = arith.constant 1 : i32
        %dma_start3A_298 = arith.constant 0 : i32
        %dma_start3A_299 = tpu.memref_slice %arg6[%add3A_289, %dma_start3A_297, %dma_start3A_298] : memref<32x2x64xi32, #tpu.memory_space<vmem>> -> memref<1x1x64xi32, #tpu.memory_space<vmem>>
        %dma_start3A_300 = tpu.memref_squeeze %dma_start3A_299 : memref<1x1x64xi32, #tpu.memory_space<vmem>> -> memref<64xi32, #tpu.memory_space<vmem>>
        %dma_start3A_301 = arith.constant 0 : i32
        %dma_start3A_302 = arith.constant 0 : i32
        %dma_start3A_303 = tpu.memref_slice %arg12[%dma_start3A_301, %dma_start3A_302] : memref<10000x64xi32, #tpu.memory_space<vmem_shared>> -> memref<10000x64xi32, #tpu.memory_space<vmem_shared>>
        tpu.enqueue_indirect_dma source(%dma_start3A_303 : memref<10000x64xi32, #tpu.memory_space<vmem_shared>>) target(%arg8 : memref<64x64xi32, #tpu.memory_space<vmem>>) offsets(%dma_start3A_300 : memref<64xi32, #tpu.memory_space<vmem>>) semaphore(%arg13 : memref<!tpu.dma_semaphore, #tpu.memory_space<semaphore_mem>>)
      } else {
      }
      %mul3A_257 = arith.constant 2 : i32
      %mul3A_258 = arith.muli %mul3A_257, %scan3A_224 : i32
      %add3A_259 = arith.constant 1 : i32
      %add3A_260 = arith.addi %mul3A_258, %add3A_259 : i32
      %dma_wait3A_261 = arith.constant 0 : i32
      %dma_wait3A_262 = arith.constant 0 : i32
      %dma_wait3A_263 = tpu.memref_slice %arg6[%add3A_260, %dma_wait3A_261, %dma_wait3A_262] : memref<32x2x64xi32, #tpu.memory_space<vmem>> -> memref<1x1x64xi32, #tpu.memory_space<vmem>>
      %dma_wait3A_264 = tpu.memref_squeeze %dma_wait3A_263 : memref<1x1x64xi32, #tpu.memory_space<vmem>> -> memref<64xi32, #tpu.memory_space<vmem>>
      %dma_wait3A_265 = arith.constant 0 : i32
      %dma_wait3A_266 = arith.constant 0 : i32
      %dma_wait3A_267 = tpu.memref_slice %arg12[%dma_wait3A_265, %dma_wait3A_266] : memref<10000x64xi32, #tpu.memory_space<vmem_shared>> -> memref<10000x64xi32, #tpu.memory_space<vmem_shared>>
      tpu.wait_indirect_dma semaphore(%arg14 : memref<!tpu.dma_semaphore, #tpu.memory_space<semaphore_mem>>) src(%dma_wait3A_267 : memref<10000x64xi32, #tpu.memory_space<vmem_shared>>) dst(%arg9 : memref<64x64xi32, #tpu.memory_space<vmem>>)
      %dma_wait3A_268 = arith.constant 1 : i32
      %dma_wait3A_269 = arith.constant 0 : i32
      %dma_wait3A_270 = tpu.memref_slice %arg6[%add3A_260, %dma_wait3A_268, %dma_wait3A_269] : memref<32x2x64xi32, #tpu.memory_space<vmem>> -> memref<1x1x64xi32, #tpu.memory_space<vmem>>
      %dma_wait3A_271 = tpu.memref_squeeze %dma_wait3A_270 : memref<1x1x64xi32, #tpu.memory_space<vmem>> -> memref<64xi32, #tpu.memory_space<vmem>>
      %dma_wait3A_272 = arith.constant 0 : i32
      %dma_wait3A_273 = arith.constant 0 : i32
      %dma_wait3A_274 = tpu.memref_slice %arg12[%dma_wait3A_272, %dma_wait3A_273] : memref<10000x64xi32, #tpu.memory_space<vmem_shared>> -> memref<10000x64xi32, #tpu.memory_space<vmem_shared>>
      tpu.wait_indirect_dma semaphore(%arg14 : memref<!tpu.dma_semaphore, #tpu.memory_space<semaphore_mem>>) src(%dma_wait3A_274 : memref<10000x64xi32, #tpu.memory_space<vmem_shared>>) dst(%arg10 : memref<64x64xi32, #tpu.memory_space<vmem>>)
      %parallel_loop3A_275 = arith.constant 0 : i32
      %parallel_loop3A_276 = arith.constant 64 : i32
      %parallel_loop3A_277 = arith.constant 1 : i32
      %parallel_loop3A_278:8 = scf.for %parallel_loop3A_286 = %parallel_loop3A_275 to %parallel_loop3A_276 step %parallel_loop3A_277 iter_args(%parallel_loop3A_287 = %parallel_loop3A_250#0, %parallel_loop3A_288 = %parallel_loop3A_250#1, %parallel_loop3A_289 = %parallel_loop3A_250#2, %parallel_loop3A_290 = %parallel_loop3A_250#3, %parallel_loop3A_291 = %parallel_loop3A_250#4, %parallel_loop3A_292 = %parallel_loop3A_250#5, %parallel_loop3A_293 = %parallel_loop3A_250#6, %parallel_loop3A_294 = %parallel_loop3A_250#7) -> (vector<16xf32>, vector<16xf32>, vector<16xf32>, vector<16xf32>, vector<16xf32>, vector<16xf32>, vector<16xf32>, vector<16xf32>)  : i32 {
        %parallel_loop3A_295 = arith.index_cast %parallel_loop3A_286 : i32 to index
        %parallel_loop3A_296 = arith.constant 0 : index
        %parallel_loop3A_297 = tpu.vector_load %arg9[%parallel_loop3A_295, %parallel_loop3A_296] {strides = array<i32>} : memref<64x64xi32, #tpu.memory_space<vmem>>, vector<1x16xi32>,
        %parallel_loop3A_298 = vector.shape_cast %parallel_loop3A_297 : vector<1x16xi32> to vector<16xi32>
        %parallel_loop3A_299 = arith.index_cast %parallel_loop3A_286 : i32 to index
        %parallel_loop3A_300 = arith.constant 0 : index
        %parallel_loop3A_301 = tpu.vector_load %arg10[%parallel_loop3A_299, %parallel_loop3A_300] {strides = array<i32>} : memref<64x64xi32, #tpu.memory_space<vmem>>, vector<1x16xi32>,
        %parallel_loop3A_302 = vector.shape_cast %parallel_loop3A_301 : vector<1x16xi32> to vector<16xi32>
        %parallel_loop3A_303 = arith.constant -65536 : i32
        %parallel_loop3A_304 = vector.broadcast %parallel_loop3A_303 : i32 to vector<16xi32>
        %parallel_loop3A_305 = arith.andi %parallel_loop3A_298, %parallel_loop3A_304 : vector<16xi32>
        %parallel_loop3A_306 = tpu.bitcast %parallel_loop3A_305 : vector<16xi32> -> vector<16xf32>
        %parallel_loop3A_307 = arith.constant -65536 : i32
        %parallel_loop3A_308 = vector.broadcast %parallel_loop3A_307 : i32 to vector<16xi32>
        %parallel_loop3A_309 = arith.andi %parallel_loop3A_302, %parallel_loop3A_308 : vector<16xi32>
        %parallel_loop3A_310 = tpu.bitcast %parallel_loop3A_309 : vector<16xi32> -> vector<16xf32>
        %parallel_loop3A_311 = arith.constant 16 : i32
        %parallel_loop3A_312 = vector.broadcast %parallel_loop3A_311 : i32 to vector<16xi32>
        %parallel_loop3A_313 = arith.shli %parallel_loop3A_298, %parallel_loop3A_312 : vector<16xi32>
        %parallel_loop3A_314 = tpu.bitcast %parallel_loop3A_313 : vector<16xi32> -> vector<16xf32>
        %parallel_loop3A_315 = arith.constant 16 : i32
        %parallel_loop3A_316 = vector.broadcast %parallel_loop3A_315 : i32 to vector<16xi32>
        %parallel_loop3A_317 = arith.shli %parallel_loop3A_302, %parallel_loop3A_316 : vector<16xi32>
        %parallel_loop3A_318 = tpu.bitcast %parallel_loop3A_317 : vector<16xi32> -> vector<16xf32>
        %parallel_loop3A_319 = arith.subf %parallel_loop3A_306, %parallel_loop3A_310 : vector<16xf32>
        %parallel_loop3A_320 = arith.subf %parallel_loop3A_314, %parallel_loop3A_318 : vector<16xf32>
        %parallel_loop3A_321 = arith.mulf %parallel_loop3A_319, %parallel_loop3A_319 : vector<16xf32>
        %parallel_loop3A_322 = arith.addf %parallel_loop3A_287, %parallel_loop3A_321 : vector<16xf32>
        %parallel_loop3A_323 = arith.mulf %parallel_loop3A_320, %parallel_loop3A_320 : vector<16xf32>
        %parallel_loop3A_324 = arith.addf %parallel_loop3A_288, %parallel_loop3A_323 : vector<16xf32>
        %parallel_loop3A_325 = arith.index_cast %parallel_loop3A_286 : i32 to index
        %parallel_loop3A_326 = arith.constant 16 : index
        %parallel_loop3A_327 = tpu.vector_load %arg9[%parallel_loop3A_325, %parallel_loop3A_326] {strides = array<i32>} : memref<64x64xi32, #tpu.memory_space<vmem>>, vector<1x16xi32>,
        %parallel_loop3A_328 = vector.shape_cast %parallel_loop3A_327 : vector<1x16xi32> to vector<16xi32>
        %parallel_loop3A_329 = arith.index_cast %parallel_loop3A_286 : i32 to index
        %parallel_loop3A_330 = arith.constant 16 : index
        %parallel_loop3A_331 = tpu.vector_load %arg10[%parallel_loop3A_329, %parallel_loop3A_330] {strides = array<i32>} : memref<64x64xi32, #tpu.memory_space<vmem>>, vector<1x16xi32>,
        %parallel_loop3A_332 = vector.shape_cast %parallel_loop3A_331 : vector<1x16xi32> to vector<16xi32>
        %parallel_loop3A_333 = arith.constant -65536 : i32
        %parallel_loop3A_334 = vector.broadcast %parallel_loop3A_333 : i32 to vector<16xi32>
        %parallel_loop3A_335 = arith.andi %parallel_loop3A_328, %parallel_loop3A_334 : vector<16xi32>
        %parallel_loop3A_336 = tpu.bitcast %parallel_loop3A_335 : vector<16xi32> -> vector<16xf32>
        %parallel_loop3A_337 = arith.constant -65536 : i32
        %parallel_loop3A_338 = vector.broadcast %parallel_loop3A_337 : i32 to vector<16xi32>
        %parallel_loop3A_339 = arith.andi %parallel_loop3A_332, %parallel_loop3A_338 : vector<16xi32>
        %parallel_loop3A_340 = tpu.bitcast %parallel_loop3A_339 : vector<16xi32> -> vector<16xf32>
        %parallel_loop3A_341 = arith.constant 16 : i32
        %parallel_loop3A_342 = vector.broadcast %parallel_loop3A_341 : i32 to vector<16xi32>
        %parallel_loop3A_343 = arith.shli %parallel_loop3A_328, %parallel_loop3A_342 : vector<16xi32>
        %parallel_loop3A_344 = tpu.bitcast %parallel_loop3A_343 : vector<16xi32> -> vector<16xf32>
        %parallel_loop3A_345 = arith.constant 16 : i32
        %parallel_loop3A_346 = vector.broadcast %parallel_loop3A_345 : i32 to vector<16xi32>
        %parallel_loop3A_347 = arith.shli %parallel_loop3A_332, %parallel_loop3A_346 : vector<16xi32>
        %parallel_loop3A_348 = tpu.bitcast %parallel_loop3A_347 : vector<16xi32> -> vector<16xf32>
        %parallel_loop3A_349 = arith.subf %parallel_loop3A_336, %parallel_loop3A_340 : vector<16xf32>
        %parallel_loop3A_350 = arith.subf %parallel_loop3A_344, %parallel_loop3A_348 : vector<16xf32>
        %parallel_loop3A_351 = arith.mulf %parallel_loop3A_349, %parallel_loop3A_349 : vector<16xf32>
        %parallel_loop3A_352 = arith.addf %parallel_loop3A_289, %parallel_loop3A_351 : vector<16xf32>
        %parallel_loop3A_353 = arith.mulf %parallel_loop3A_350, %parallel_loop3A_350 : vector<16xf32>
        %parallel_loop3A_354 = arith.addf %parallel_loop3A_290, %parallel_loop3A_353 : vector<16xf32>
        %parallel_loop3A_355 = arith.index_cast %parallel_loop3A_286 : i32 to index
        %parallel_loop3A_356 = arith.constant 32 : index
        %parallel_loop3A_357 = tpu.vector_load %arg9[%parallel_loop3A_355, %parallel_loop3A_356] {strides = array<i32>} : memref<64x64xi32, #tpu.memory_space<vmem>>, vector<1x16xi32>,
        %parallel_loop3A_358 = vector.shape_cast %parallel_loop3A_357 : vector<1x16xi32> to vector<16xi32>
        %parallel_loop3A_359 = arith.index_cast %parallel_loop3A_286 : i32 to index
        %parallel_loop3A_360 = arith.constant 32 : index
        %parallel_loop3A_361 = tpu.vector_load %arg10[%parallel_loop3A_359, %parallel_loop3A_360] {strides = array<i32>} : memref<64x64xi32, #tpu.memory_space<vmem>>, vector<1x16xi32>,
        %parallel_loop3A_362 = vector.shape_cast %parallel_loop3A_361 : vector<1x16xi32> to vector<16xi32>
        %parallel_loop3A_363 = arith.constant -65536 : i32
        %parallel_loop3A_364 = vector.broadcast %parallel_loop3A_363 : i32 to vector<16xi32>
        %parallel_loop3A_365 = arith.andi %parallel_loop3A_358, %parallel_loop3A_364 : vector<16xi32>
        %parallel_loop3A_366 = tpu.bitcast %parallel_loop3A_365 : vector<16xi32> -> vector<16xf32>
        %parallel_loop3A_367 = arith.constant -65536 : i32
        %parallel_loop3A_368 = vector.broadcast %parallel_loop3A_367 : i32 to vector<16xi32>
        %parallel_loop3A_369 = arith.andi %parallel_loop3A_362, %parallel_loop3A_368 : vector<16xi32>
        %parallel_loop3A_370 = tpu.bitcast %parallel_loop3A_369 : vector<16xi32> -> vector<16xf32>
        %parallel_loop3A_371 = arith.constant 16 : i32
        %parallel_loop3A_372 = vector.broadcast %parallel_loop3A_371 : i32 to vector<16xi32>
        %parallel_loop3A_373 = arith.shli %parallel_loop3A_358, %parallel_loop3A_372 : vector<16xi32>
        %parallel_loop3A_374 = tpu.bitcast %parallel_loop3A_373 : vector<16xi32> -> vector<16xf32>
        %parallel_loop3A_375 = arith.constant 16 : i32
        %parallel_loop3A_376 = vector.broadcast %parallel_loop3A_375 : i32 to vector<16xi32>
        %parallel_loop3A_377 = arith.shli %parallel_loop3A_362, %parallel_loop3A_376 : vector<16xi32>
        %parallel_loop3A_378 = tpu.bitcast %parallel_loop3A_377 : vector<16xi32> -> vector<16xf32>
        %parallel_loop3A_379 = arith.subf %parallel_loop3A_366, %parallel_loop3A_370 : vector<16xf32>
        %parallel_loop3A_380 = arith.subf %parallel_loop3A_374, %parallel_loop3A_378 : vector<16xf32>
        %parallel_loop3A_381 = arith.mulf %parallel_loop3A_379, %parallel_loop3A_379 : vector<16xf32>
        %parallel_loop3A_382 = arith.addf %parallel_loop3A_291, %parallel_loop3A_381 : vector<16xf32>
        %parallel_loop3A_383 = arith.mulf %parallel_loop3A_380, %parallel_loop3A_380 : vector<16xf32>
        %parallel_loop3A_384 = arith.addf %parallel_loop3A_292, %parallel_loop3A_383 : vector<16xf32>
        %parallel_loop3A_385 = arith.index_cast %parallel_loop3A_286 : i32 to index
        %parallel_loop3A_386 = arith.constant 48 : index
        %parallel_loop3A_387 = tpu.vector_load %arg9[%parallel_loop3A_385, %parallel_loop3A_386] {strides = array<i32>} : memref<64x64xi32, #tpu.memory_space<vmem>>, vector<1x16xi32>,
        %parallel_loop3A_388 = vector.shape_cast %parallel_loop3A_387 : vector<1x16xi32> to vector<16xi32>
        %parallel_loop3A_389 = arith.index_cast %parallel_loop3A_286 : i32 to index
        %parallel_loop3A_390 = arith.constant 48 : index
        %parallel_loop3A_391 = tpu.vector_load %arg10[%parallel_loop3A_389, %parallel_loop3A_390] {strides = array<i32>} : memref<64x64xi32, #tpu.memory_space<vmem>>, vector<1x16xi32>,
        %parallel_loop3A_392 = vector.shape_cast %parallel_loop3A_391 : vector<1x16xi32> to vector<16xi32>
        %parallel_loop3A_393 = arith.constant -65536 : i32
        %parallel_loop3A_394 = vector.broadcast %parallel_loop3A_393 : i32 to vector<16xi32>
        %parallel_loop3A_395 = arith.andi %parallel_loop3A_388, %parallel_loop3A_394 : vector<16xi32>
        %parallel_loop3A_396 = tpu.bitcast %parallel_loop3A_395 : vector<16xi32> -> vector<16xf32>
        %parallel_loop3A_397 = arith.constant -65536 : i32
        %parallel_loop3A_398 = vector.broadcast %parallel_loop3A_397 : i32 to vector<16xi32>
        %parallel_loop3A_399 = arith.andi %parallel_loop3A_392, %parallel_loop3A_398 : vector<16xi32>
        %parallel_loop3A_400 = tpu.bitcast %parallel_loop3A_399 : vector<16xi32> -> vector<16xf32>
        %parallel_loop3A_401 = arith.constant 16 : i32
        %parallel_loop3A_402 = vector.broadcast %parallel_loop3A_401 : i32 to vector<16xi32>
        %parallel_loop3A_403 = arith.shli %parallel_loop3A_388, %parallel_loop3A_402 : vector<16xi32>
        %parallel_loop3A_404 = tpu.bitcast %parallel_loop3A_403 : vector<16xi32> -> vector<16xf32>
        %parallel_loop3A_405 = arith.constant 16 : i32
        %parallel_loop3A_406 = vector.broadcast %parallel_loop3A_405 : i32 to vector<16xi32>
        %parallel_loop3A_407 = arith.shli %parallel_loop3A_392, %parallel_loop3A_406 : vector<16xi32>
        %parallel_loop3A_408 = tpu.bitcast %parallel_loop3A_407 : vector<16xi32> -> vector<16xf32>
        %parallel_loop3A_409 = arith.subf %parallel_loop3A_396, %parallel_loop3A_400 : vector<16xf32>
        %parallel_loop3A_410 = arith.subf %parallel_loop3A_404, %parallel_loop3A_408 : vector<16xf32>
        %parallel_loop3A_411 = arith.mulf %parallel_loop3A_409, %parallel_loop3A_409 : vector<16xf32>
        %parallel_loop3A_412 = arith.addf %parallel_loop3A_293, %parallel_loop3A_411 : vector<16xf32>
        %parallel_loop3A_413 = arith.mulf %parallel_loop3A_410, %parallel_loop3A_410 : vector<16xf32>
        %parallel_loop3A_414 = arith.addf %parallel_loop3A_294, %parallel_loop3A_413 : vector<16xf32>
        scf.yield %parallel_loop3A_322, %parallel_loop3A_324, %parallel_loop3A_352, %parallel_loop3A_354, %parallel_loop3A_382, %parallel_loop3A_384, %parallel_loop3A_412, %parallel_loop3A_414 : vector<16xf32>, vector<16xf32>, vector<16xf32>, vector<16xf32>, vector<16xf32>, vector<16xf32>, vector<16xf32>, vector<16xf32>
      } {sc.loop_unroll_factor = 1 : i64, sc.parallel_access}
      %add3A_279 = arith.constant 1 : i32
      %add3A_280 = arith.addi %scan3A_224, %add3A_279 : i32
      %lt3A_281 = arith.constant 16 : i32
      %lt3A_282 = arith.cmpi slt, %add3A_280, %lt3A_281 : i32
      %convert_element_type3A_283 = arith.extui %lt3A_282 : i1 to i32
      %cond3A_284 = arith.constant 0 : i32
      %cond3A_285 = arith.cmpi ne, %convert_element_type3A_283, %cond3A_284 : i32
      scf.if %cond3A_285 {
        %mul3A_286 = arith.constant 2 : i32
        %mul3A_287 = arith.muli %mul3A_286, %scan3A_224 : i32
        %add3A_288 = arith.constant 3 : i32
        %add3A_289 = arith.addi %mul3A_287, %add3A_288 : i32
        %dma_start3A_290 = arith.constant 0 : i32
        %dma_start3A_291 = arith.constant 0 : i32
        %dma_start3A_292 = tpu.memref_slice %arg6[%add3A_289, %dma_start3A_290, %dma_start3A_291] : memref<32x2x64xi32, #tpu.memory_space<vmem>> -> memref<1x1x64xi32, #tpu.memory_space<vmem>>
        %dma_start3A_293 = tpu.memref_squeeze %dma_start3A_292 : memref<1x1x64xi32, #tpu.memory_space<vmem>> -> memref<64xi32, #tpu.memory_space<vmem>>
        %dma_start3A_294 = arith.constant 0 : i32
        %dma_start3A_295 = arith.constant 0 : i32
        %dma_start3A_296 = tpu.memref_slice %arg12[%dma_start3A_294, %dma_start3A_295] : memref<10000x64xi32, #tpu.memory_space<vmem_shared>> -> memref<10000x64xi32, #tpu.memory_space<vmem_shared>>
        tpu.enqueue_indirect_dma source(%dma_start3A_296 : memref<10000x64xi32, #tpu.memory_space<vmem_shared>>) target(%arg9 : memref<64x64xi32, #tpu.memory_space<vmem>>) offsets(%dma_start3A_293 : memref<64xi32, #tpu.memory_space<vmem>>) semaphore(%arg14 : memref<!tpu.dma_semaphore, #tpu.memory_space<semaphore_mem>>)
        %dma_start3A_297 = arith.constant 1 : i32
        %dma_start3A_298 = arith.constant 0 : i32
        %dma_start3A_299 = tpu.memref_slice %arg6[%add3A_289, %dma_start3A_297, %dma_start3A_298] : memref<32x2x64xi32, #tpu.memory_space<vmem>> -> memref<1x1x64xi32, #tpu.memory_space<vmem>>
        %dma_start3A_300 = tpu.memref_squeeze %dma_start3A_299 : memref<1x1x64xi32, #tpu.memory_space<vmem>> -> memref<64xi32, #tpu.memory_space<vmem>>
        %dma_start3A_301 = arith.constant 0 : i32
        %dma_start3A_302 = arith.constant 0 : i32
        %dma_start3A_303 = tpu.memref_slice %arg12[%dma_start3A_301, %dma_start3A_302] : memref<10000x64xi32, #tpu.memory_space<vmem_shared>> -> memref<10000x64xi32, #tpu.memory_space<vmem_shared>>
        tpu.enqueue_indirect_dma source(%dma_start3A_303 : memref<10000x64xi32, #tpu.memory_space<vmem_shared>>) target(%arg10 : memref<64x64xi32, #tpu.memory_space<vmem>>) offsets(%dma_start3A_300 : memref<64xi32, #tpu.memory_space<vmem>>) semaphore(%arg14 : memref<!tpu.dma_semaphore, #tpu.memory_space<semaphore_mem>>)
      } else {
      }
      scf.yield %parallel_loop3A_278#0, %parallel_loop3A_278#1, %parallel_loop3A_278#2, %parallel_loop3A_278#3, %parallel_loop3A_278#4, %parallel_loop3A_278#5, %parallel_loop3A_278#6, %parallel_loop3A_278#7 : vector<16xf32>, vector<16xf32>, vector<16xf32>, vector<16xf32>, vector<16xf32>, vector<16xf32>, vector<16xf32>, vector<16xf32>
    }
    %scan3A_94 = arith.constant 16 : i32
    %run_scoped3A_95 = arith.constant 2 : i32
    "tpu.region"() ({
      %run_scoped3A_224 = tpu.sem_alloc : memref<!tpu.dma_semaphore, #tpu.memory_space<semaphore_mem>>
      %dma_start3A_225 = arith.constant 0 : i32
      %dma_start3A_226 = arith.constant 0 : i32
      %dma_start3A_227 = arith.constant 0 : i32
      %dma_start3A_228 = tpu.memref_slice %arg3[%add3A, %run_scoped3A_95, %dma_start3A_225, %dma_start3A_226, %dma_start3A_227] : memref<32x5x32x2x64xi32, #tpu.memory_space<hbm>> -> memref<1x1x32x2x64xi32, #tpu.memory_space<hbm>>
      %dma_start3A_229 = tpu.memref_squeeze %dma_start3A_228 : memref<1x1x32x2x64xi32, #tpu.memory_space<hbm>> -> memref<32x2x64xi32, #tpu.memory_space<hbm>>
      %dma_start3A_230 = arith.constant 0 : i32
      %dma_start3A_231 = arith.constant 0 : i32
      %dma_start3A_232 = arith.constant 0 : i32
      %dma_start3A_233 = tpu.memref_slice %arg3[%add3A, %run_scoped3A_95, %dma_start3A_230, %dma_start3A_231, %dma_start3A_232] : memref<32x5x32x2x64xi32, #tpu.memory_space<hbm>> -> memref<1x1x32x2x64xi32, #tpu.memory_space<hbm>>
      %dma_start3A_234 = tpu.memref_squeeze %dma_start3A_233 : memref<1x1x32x2x64xi32, #tpu.memory_space<hbm>> -> memref<32x2x64xi32, #tpu.memory_space<hbm>>
      tpu.enqueue_dma source(%dma_start3A_234 : memref<32x2x64xi32, #tpu.memory_space<hbm>>) target(%arg6 : memref<32x2x64xi32, #tpu.memory_space<vmem>>) target_semaphore(%run_scoped3A_224 : memref<!tpu.dma_semaphore, #tpu.memory_space<semaphore_mem>>)
      %dma_wait3A = arith.constant 0 : i32
      %dma_wait3A_235 = arith.constant 0 : i32
      %dma_wait3A_236 = arith.constant 0 : i32
      %dma_wait3A_237 = tpu.memref_slice %arg3[%add3A, %run_scoped3A_95, %dma_wait3A, %dma_wait3A_235, %dma_wait3A_236] : memref<32x5x32x2x64xi32, #tpu.memory_space<hbm>> -> memref<1x1x32x2x64xi32, #tpu.memory_space<hbm>>
      %dma_wait3A_238 = tpu.memref_squeeze %dma_wait3A_237 : memref<1x1x32x2x64xi32, #tpu.memory_space<hbm>> -> memref<32x2x64xi32, #tpu.memory_space<hbm>>
      %dma_wait3A_239 = arith.constant 0 : i32
      %dma_wait3A_240 = arith.constant 0 : i32
      %dma_wait3A_241 = arith.constant 0 : i32
      %dma_wait3A_242 = tpu.memref_slice %arg3[%add3A, %run_scoped3A_95, %dma_wait3A_239, %dma_wait3A_240, %dma_wait3A_241] : memref<32x5x32x2x64xi32, #tpu.memory_space<hbm>> -> memref<1x1x32x2x64xi32, #tpu.memory_space<hbm>>
      %dma_wait3A_243 = tpu.memref_squeeze %dma_wait3A_242 : memref<1x1x32x2x64xi32, #tpu.memory_space<hbm>> -> memref<32x2x64xi32, #tpu.memory_space<hbm>>
      tpu.wait_dma2 semaphore(%run_scoped3A_224 : memref<!tpu.dma_semaphore, #tpu.memory_space<semaphore_mem>>) src(%dma_wait3A_243 : memref<32x2x64xi32, #tpu.memory_space<hbm>>) dst(%arg6 : memref<32x2x64xi32, #tpu.memory_space<vmem>>)
      tpu.yield
    }) : () -> ()
    %dma_start3A_96 = arith.constant 0 : i32
    %dma_start3A_97 = arith.constant 0 : i32
    %dma_start3A_98 = arith.constant 0 : i32
    %dma_start3A_99 = tpu.memref_slice %arg6[%dma_start3A_96, %dma_start3A_97, %dma_start3A_98] : memref<32x2x64xi32, #tpu.memory_space<vmem>> -> memref<1x1x64xi32, #tpu.memory_space<vmem>>
    %dma_start3A_100 = tpu.memref_squeeze %dma_start3A_99 : memref<1x1x64xi32, #tpu.memory_space<vmem>> -> memref<64xi32, #tpu.memory_space<vmem>>
    %dma_start3A_101 = arith.constant 0 : i32
    %dma_start3A_102 = arith.constant 0 : i32
    %dma_start3A_103 = tpu.memref_slice %arg12[%dma_start3A_101, %dma_start3A_102] : memref<10000x64xi32, #tpu.memory_space<vmem_shared>> -> memref<10000x64xi32, #tpu.memory_space<vmem_shared>>
    tpu.enqueue_indirect_dma source(%dma_start3A_103 : memref<10000x64xi32, #tpu.memory_space<vmem_shared>>) target(%arg7 : memref<64x64xi32, #tpu.memory_space<vmem>>) offsets(%dma_start3A_100 : memref<64xi32, #tpu.memory_space<vmem>>) semaphore(%arg13 : memref<!tpu.dma_semaphore, #tpu.memory_space<semaphore_mem>>)
    %dma_start3A_104 = arith.constant 0 : i32
    %dma_start3A_105 = arith.constant 1 : i32
    %dma_start3A_106 = arith.constant 0 : i32
    %dma_start3A_107 = tpu.memref_slice %arg6[%dma_start3A_104, %dma_start3A_105, %dma_start3A_106] : memref<32x2x64xi32, #tpu.memory_space<vmem>> -> memref<1x1x64xi32, #tpu.memory_space<vmem>>
    %dma_start3A_108 = tpu.memref_squeeze %dma_start3A_107 : memref<1x1x64xi32, #tpu.memory_space<vmem>> -> memref<64xi32, #tpu.memory_space<vmem>>
    %dma_start3A_109 = arith.constant 0 : i32
    %dma_start3A_110 = arith.constant 0 : i32
    %dma_start3A_111 = tpu.memref_slice %arg12[%dma_start3A_109, %dma_start3A_110] : memref<10000x64xi32, #tpu.memory_space<vmem_shared>> -> memref<10000x64xi32, #tpu.memory_space<vmem_shared>>
    tpu.enqueue_indirect_dma source(%dma_start3A_111 : memref<10000x64xi32, #tpu.memory_space<vmem_shared>>) target(%arg8 : memref<64x64xi32, #tpu.memory_space<vmem>>) offsets(%dma_start3A_108 : memref<64xi32, #tpu.memory_space<vmem>>) semaphore(%arg13 : memref<!tpu.dma_semaphore, #tpu.memory_space<semaphore_mem>>)
    %dma_start3A_112 = arith.constant 1 : i32
    %dma_start3A_113 = arith.constant 0 : i32
    %dma_start3A_114 = arith.constant 0 : i32
    %dma_start3A_115 = tpu.memref_slice %arg6[%dma_start3A_112, %dma_start3A_113, %dma_start3A_114] : memref<32x2x64xi32, #tpu.memory_space<vmem>> -> memref<1x1x64xi32, #tpu.memory_space<vmem>>
    %dma_start3A_116 = tpu.memref_squeeze %dma_start3A_115 : memref<1x1x64xi32, #tpu.memory_space<vmem>> -> memref<64xi32, #tpu.memory_space<vmem>>
    %dma_start3A_117 = arith.constant 0 : i32
    %dma_start3A_118 = arith.constant 0 : i32
    %dma_start3A_119 = tpu.memref_slice %arg12[%dma_start3A_117, %dma_start3A_118] : memref<10000x64xi32, #tpu.memory_space<vmem_shared>> -> memref<10000x64xi32, #tpu.memory_space<vmem_shared>>
    tpu.enqueue_indirect_dma source(%dma_start3A_119 : memref<10000x64xi32, #tpu.memory_space<vmem_shared>>) target(%arg9 : memref<64x64xi32, #tpu.memory_space<vmem>>) offsets(%dma_start3A_116 : memref<64xi32, #tpu.memory_space<vmem>>) semaphore(%arg14 : memref<!tpu.dma_semaphore, #tpu.memory_space<semaphore_mem>>)
    %dma_start3A_120 = arith.constant 1 : i32
    %dma_start3A_121 = arith.constant 1 : i32
    %dma_start3A_122 = arith.constant 0 : i32
    %dma_start3A_123 = tpu.memref_slice %arg6[%dma_start3A_120, %dma_start3A_121, %dma_start3A_122] : memref<32x2x64xi32, #tpu.memory_space<vmem>> -> memref<1x1x64xi32, #tpu.memory_space<vmem>>
    %dma_start3A_124 = tpu.memref_squeeze %dma_start3A_123 : memref<1x1x64xi32, #tpu.memory_space<vmem>> -> memref<64xi32, #tpu.memory_space<vmem>>
    %dma_start3A_125 = arith.constant 0 : i32
    %dma_start3A_126 = arith.constant 0 : i32
    %dma_start3A_127 = tpu.memref_slice %arg12[%dma_start3A_125, %dma_start3A_126] : memref<10000x64xi32, #tpu.memory_space<vmem_shared>> -> memref<10000x64xi32, #tpu.memory_space<vmem_shared>>
    tpu.enqueue_indirect_dma source(%dma_start3A_127 : memref<10000x64xi32, #tpu.memory_space<vmem_shared>>) target(%arg10 : memref<64x64xi32, #tpu.memory_space<vmem>>) offsets(%dma_start3A_124 : memref<64xi32, #tpu.memory_space<vmem>>) semaphore(%arg14 : memref<!tpu.dma_semaphore, #tpu.memory_space<semaphore_mem>>)
    %scan3A_128 = arith.constant 0 : i32
    %scan3A_129 = arith.constant 16 : i32
    %scan3A_130 = arith.addi %scan3A_128, %scan3A_129 : i32
    %scan3A_131 = arith.constant 1 : i32
    %scan3A_132:8 = scf.for %scan3A_224 = %scan3A_128 to %scan3A_130 step %scan3A_131 iter_args(%scan3A_225 = %scan3A_93#0, %scan3A_226 = %scan3A_93#1, %scan3A_227 = %scan3A_93#2, %scan3A_228 = %scan3A_93#3, %scan3A_229 = %scan3A_93#4, %scan3A_230 = %scan3A_93#5, %scan3A_231 = %scan3A_93#6, %scan3A_232 = %scan3A_93#7) -> (vector<16xf32>, vector<16xf32>, vector<16xf32>, vector<16xf32>, vector<16xf32>, vector<16xf32>, vector<16xf32>, vector<16xf32>)  : i32 {
      %mul3A_233 = arith.constant 2 : i32
      %mul3A_234 = arith.muli %mul3A_233, %scan3A_224 : i32
      %dma_wait3A = arith.constant 0 : i32
      %dma_wait3A_235 = arith.constant 0 : i32
      %dma_wait3A_236 = tpu.memref_slice %arg6[%mul3A_234, %dma_wait3A, %dma_wait3A_235] : memref<32x2x64xi32, #tpu.memory_space<vmem>> -> memref<1x1x64xi32, #tpu.memory_space<vmem>>
      %dma_wait3A_237 = tpu.memref_squeeze %dma_wait3A_236 : memref<1x1x64xi32, #tpu.memory_space<vmem>> -> memref<64xi32, #tpu.memory_space<vmem>>
      %dma_wait3A_238 = arith.constant 0 : i32
      %dma_wait3A_239 = arith.constant 0 : i32
      %dma_wait3A_240 = tpu.memref_slice %arg12[%dma_wait3A_238, %dma_wait3A_239] : memref<10000x64xi32, #tpu.memory_space<vmem_shared>> -> memref<10000x64xi32, #tpu.memory_space<vmem_shared>>
      tpu.wait_indirect_dma semaphore(%arg13 : memref<!tpu.dma_semaphore, #tpu.memory_space<semaphore_mem>>) src(%dma_wait3A_240 : memref<10000x64xi32, #tpu.memory_space<vmem_shared>>) dst(%arg7 : memref<64x64xi32, #tpu.memory_space<vmem>>)
      %dma_wait3A_241 = arith.constant 1 : i32
      %dma_wait3A_242 = arith.constant 0 : i32
      %dma_wait3A_243 = tpu.memref_slice %arg6[%mul3A_234, %dma_wait3A_241, %dma_wait3A_242] : memref<32x2x64xi32, #tpu.memory_space<vmem>> -> memref<1x1x64xi32, #tpu.memory_space<vmem>>
      %dma_wait3A_244 = tpu.memref_squeeze %dma_wait3A_243 : memref<1x1x64xi32, #tpu.memory_space<vmem>> -> memref<64xi32, #tpu.memory_space<vmem>>
      %dma_wait3A_245 = arith.constant 0 : i32
      %dma_wait3A_246 = arith.constant 0 : i32
      %dma_wait3A_247 = tpu.memref_slice %arg12[%dma_wait3A_245, %dma_wait3A_246] : memref<10000x64xi32, #tpu.memory_space<vmem_shared>> -> memref<10000x64xi32, #tpu.memory_space<vmem_shared>>
      tpu.wait_indirect_dma semaphore(%arg13 : memref<!tpu.dma_semaphore, #tpu.memory_space<semaphore_mem>>) src(%dma_wait3A_247 : memref<10000x64xi32, #tpu.memory_space<vmem_shared>>) dst(%arg8 : memref<64x64xi32, #tpu.memory_space<vmem>>)
      %parallel_loop3A = arith.constant 0 : i32
      %parallel_loop3A_248 = arith.constant 64 : i32
      %parallel_loop3A_249 = arith.constant 1 : i32
      %parallel_loop3A_250:8 = scf.for %parallel_loop3A_286 = %parallel_loop3A to %parallel_loop3A_248 step %parallel_loop3A_249 iter_args(%parallel_loop3A_287 = %scan3A_225, %parallel_loop3A_288 = %scan3A_226, %parallel_loop3A_289 = %scan3A_227, %parallel_loop3A_290 = %scan3A_228, %parallel_loop3A_291 = %scan3A_229, %parallel_loop3A_292 = %scan3A_230, %parallel_loop3A_293 = %scan3A_231, %parallel_loop3A_294 = %scan3A_232) -> (vector<16xf32>, vector<16xf32>, vector<16xf32>, vector<16xf32>, vector<16xf32>, vector<16xf32>, vector<16xf32>, vector<16xf32>)  : i32 {
        %parallel_loop3A_295 = arith.index_cast %parallel_loop3A_286 : i32 to index
        %parallel_loop3A_296 = arith.constant 0 : index
        %parallel_loop3A_297 = tpu.vector_load %arg7[%parallel_loop3A_295, %parallel_loop3A_296] {strides = array<i32>} : memref<64x64xi32, #tpu.memory_space<vmem>>, vector<1x16xi32>,
        %parallel_loop3A_298 = vector.shape_cast %parallel_loop3A_297 : vector<1x16xi32> to vector<16xi32>
        %parallel_loop3A_299 = arith.index_cast %parallel_loop3A_286 : i32 to index
        %parallel_loop3A_300 = arith.constant 0 : index
        %parallel_loop3A_301 = tpu.vector_load %arg8[%parallel_loop3A_299, %parallel_loop3A_300] {strides = array<i32>} : memref<64x64xi32, #tpu.memory_space<vmem>>, vector<1x16xi32>,
        %parallel_loop3A_302 = vector.shape_cast %parallel_loop3A_301 : vector<1x16xi32> to vector<16xi32>
        %parallel_loop3A_303 = arith.constant -65536 : i32
        %parallel_loop3A_304 = vector.broadcast %parallel_loop3A_303 : i32 to vector<16xi32>
        %parallel_loop3A_305 = arith.andi %parallel_loop3A_298, %parallel_loop3A_304 : vector<16xi32>
        %parallel_loop3A_306 = tpu.bitcast %parallel_loop3A_305 : vector<16xi32> -> vector<16xf32>
        %parallel_loop3A_307 = arith.constant -65536 : i32
        %parallel_loop3A_308 = vector.broadcast %parallel_loop3A_307 : i32 to vector<16xi32>
        %parallel_loop3A_309 = arith.andi %parallel_loop3A_302, %parallel_loop3A_308 : vector<16xi32>
        %parallel_loop3A_310 = tpu.bitcast %parallel_loop3A_309 : vector<16xi32> -> vector<16xf32>
        %parallel_loop3A_311 = arith.constant 16 : i32
        %parallel_loop3A_312 = vector.broadcast %parallel_loop3A_311 : i32 to vector<16xi32>
        %parallel_loop3A_313 = arith.shli %parallel_loop3A_298, %parallel_loop3A_312 : vector<16xi32>
        %parallel_loop3A_314 = tpu.bitcast %parallel_loop3A_313 : vector<16xi32> -> vector<16xf32>
        %parallel_loop3A_315 = arith.constant 16 : i32
        %parallel_loop3A_316 = vector.broadcast %parallel_loop3A_315 : i32 to vector<16xi32>
        %parallel_loop3A_317 = arith.shli %parallel_loop3A_302, %parallel_loop3A_316 : vector<16xi32>
        %parallel_loop3A_318 = tpu.bitcast %parallel_loop3A_317 : vector<16xi32> -> vector<16xf32>
        %parallel_loop3A_319 = arith.subf %parallel_loop3A_306, %parallel_loop3A_310 : vector<16xf32>
        %parallel_loop3A_320 = arith.subf %parallel_loop3A_314, %parallel_loop3A_318 : vector<16xf32>
        %parallel_loop3A_321 = arith.mulf %parallel_loop3A_319, %parallel_loop3A_319 : vector<16xf32>
        %parallel_loop3A_322 = arith.addf %parallel_loop3A_287, %parallel_loop3A_321 : vector<16xf32>
        %parallel_loop3A_323 = arith.mulf %parallel_loop3A_320, %parallel_loop3A_320 : vector<16xf32>
        %parallel_loop3A_324 = arith.addf %parallel_loop3A_288, %parallel_loop3A_323 : vector<16xf32>
        %parallel_loop3A_325 = arith.index_cast %parallel_loop3A_286 : i32 to index
        %parallel_loop3A_326 = arith.constant 16 : index
        %parallel_loop3A_327 = tpu.vector_load %arg7[%parallel_loop3A_325, %parallel_loop3A_326] {strides = array<i32>} : memref<64x64xi32, #tpu.memory_space<vmem>>, vector<1x16xi32>,
        %parallel_loop3A_328 = vector.shape_cast %parallel_loop3A_327 : vector<1x16xi32> to vector<16xi32>
        %parallel_loop3A_329 = arith.index_cast %parallel_loop3A_286 : i32 to index
        %parallel_loop3A_330 = arith.constant 16 : index
        %parallel_loop3A_331 = tpu.vector_load %arg8[%parallel_loop3A_329, %parallel_loop3A_330] {strides = array<i32>} : memref<64x64xi32, #tpu.memory_space<vmem>>, vector<1x16xi32>,
        %parallel_loop3A_332 = vector.shape_cast %parallel_loop3A_331 : vector<1x16xi32> to vector<16xi32>
        %parallel_loop3A_333 = arith.constant -65536 : i32
        %parallel_loop3A_334 = vector.broadcast %parallel_loop3A_333 : i32 to vector<16xi32>
        %parallel_loop3A_335 = arith.andi %parallel_loop3A_328, %parallel_loop3A_334 : vector<16xi32>
        %parallel_loop3A_336 = tpu.bitcast %parallel_loop3A_335 : vector<16xi32> -> vector<16xf32>
        %parallel_loop3A_337 = arith.constant -65536 : i32
        %parallel_loop3A_338 = vector.broadcast %parallel_loop3A_337 : i32 to vector<16xi32>
        %parallel_loop3A_339 = arith.andi %parallel_loop3A_332, %parallel_loop3A_338 : vector<16xi32>
        %parallel_loop3A_340 = tpu.bitcast %parallel_loop3A_339 : vector<16xi32> -> vector<16xf32>
        %parallel_loop3A_341 = arith.constant 16 : i32
        %parallel_loop3A_342 = vector.broadcast %parallel_loop3A_341 : i32 to vector<16xi32>
        %parallel_loop3A_343 = arith.shli %parallel_loop3A_328, %parallel_loop3A_342 : vector<16xi32>
        %parallel_loop3A_344 = tpu.bitcast %parallel_loop3A_343 : vector<16xi32> -> vector<16xf32>
        %parallel_loop3A_345 = arith.constant 16 : i32
        %parallel_loop3A_346 = vector.broadcast %parallel_loop3A_345 : i32 to vector<16xi32>
        %parallel_loop3A_347 = arith.shli %parallel_loop3A_332, %parallel_loop3A_346 : vector<16xi32>
        %parallel_loop3A_348 = tpu.bitcast %parallel_loop3A_347 : vector<16xi32> -> vector<16xf32>
        %parallel_loop3A_349 = arith.subf %parallel_loop3A_336, %parallel_loop3A_340 : vector<16xf32>
        %parallel_loop3A_350 = arith.subf %parallel_loop3A_344, %parallel_loop3A_348 : vector<16xf32>
        %parallel_loop3A_351 = arith.mulf %parallel_loop3A_349, %parallel_loop3A_349 : vector<16xf32>
        %parallel_loop3A_352 = arith.addf %parallel_loop3A_289, %parallel_loop3A_351 : vector<16xf32>
        %parallel_loop3A_353 = arith.mulf %parallel_loop3A_350, %parallel_loop3A_350 : vector<16xf32>
        %parallel_loop3A_354 = arith.addf %parallel_loop3A_290, %parallel_loop3A_353 : vector<16xf32>
        %parallel_loop3A_355 = arith.index_cast %parallel_loop3A_286 : i32 to index
        %parallel_loop3A_356 = arith.constant 32 : index
        %parallel_loop3A_357 = tpu.vector_load %arg7[%parallel_loop3A_355, %parallel_loop3A_356] {strides = array<i32>} : memref<64x64xi32, #tpu.memory_space<vmem>>, vector<1x16xi32>,
        %parallel_loop3A_358 = vector.shape_cast %parallel_loop3A_357 : vector<1x16xi32> to vector<16xi32>
        %parallel_loop3A_359 = arith.index_cast %parallel_loop3A_286 : i32 to index
        %parallel_loop3A_360 = arith.constant 32 : index
        %parallel_loop3A_361 = tpu.vector_load %arg8[%parallel_loop3A_359, %parallel_loop3A_360] {strides = array<i32>} : memref<64x64xi32, #tpu.memory_space<vmem>>, vector<1x16xi32>,
        %parallel_loop3A_362 = vector.shape_cast %parallel_loop3A_361 : vector<1x16xi32> to vector<16xi32>
        %parallel_loop3A_363 = arith.constant -65536 : i32
        %parallel_loop3A_364 = vector.broadcast %parallel_loop3A_363 : i32 to vector<16xi32>
        %parallel_loop3A_365 = arith.andi %parallel_loop3A_358, %parallel_loop3A_364 : vector<16xi32>
        %parallel_loop3A_366 = tpu.bitcast %parallel_loop3A_365 : vector<16xi32> -> vector<16xf32>
        %parallel_loop3A_367 = arith.constant -65536 : i32
        %parallel_loop3A_368 = vector.broadcast %parallel_loop3A_367 : i32 to vector<16xi32>
        %parallel_loop3A_369 = arith.andi %parallel_loop3A_362, %parallel_loop3A_368 : vector<16xi32>
        %parallel_loop3A_370 = tpu.bitcast %parallel_loop3A_369 : vector<16xi32> -> vector<16xf32>
        %parallel_loop3A_371 = arith.constant 16 : i32
        %parallel_loop3A_372 = vector.broadcast %parallel_loop3A_371 : i32 to vector<16xi32>
        %parallel_loop3A_373 = arith.shli %parallel_loop3A_358, %parallel_loop3A_372 : vector<16xi32>
        %parallel_loop3A_374 = tpu.bitcast %parallel_loop3A_373 : vector<16xi32> -> vector<16xf32>
        %parallel_loop3A_375 = arith.constant 16 : i32
        %parallel_loop3A_376 = vector.broadcast %parallel_loop3A_375 : i32 to vector<16xi32>
        %parallel_loop3A_377 = arith.shli %parallel_loop3A_362, %parallel_loop3A_376 : vector<16xi32>
        %parallel_loop3A_378 = tpu.bitcast %parallel_loop3A_377 : vector<16xi32> -> vector<16xf32>
        %parallel_loop3A_379 = arith.subf %parallel_loop3A_366, %parallel_loop3A_370 : vector<16xf32>
        %parallel_loop3A_380 = arith.subf %parallel_loop3A_374, %parallel_loop3A_378 : vector<16xf32>
        %parallel_loop3A_381 = arith.mulf %parallel_loop3A_379, %parallel_loop3A_379 : vector<16xf32>
        %parallel_loop3A_382 = arith.addf %parallel_loop3A_291, %parallel_loop3A_381 : vector<16xf32>
        %parallel_loop3A_383 = arith.mulf %parallel_loop3A_380, %parallel_loop3A_380 : vector<16xf32>
        %parallel_loop3A_384 = arith.addf %parallel_loop3A_292, %parallel_loop3A_383 : vector<16xf32>
        %parallel_loop3A_385 = arith.index_cast %parallel_loop3A_286 : i32 to index
        %parallel_loop3A_386 = arith.constant 48 : index
        %parallel_loop3A_387 = tpu.vector_load %arg7[%parallel_loop3A_385, %parallel_loop3A_386] {strides = array<i32>} : memref<64x64xi32, #tpu.memory_space<vmem>>, vector<1x16xi32>,
        %parallel_loop3A_388 = vector.shape_cast %parallel_loop3A_387 : vector<1x16xi32> to vector<16xi32>
        %parallel_loop3A_389 = arith.index_cast %parallel_loop3A_286 : i32 to index
        %parallel_loop3A_390 = arith.constant 48 : index
        %parallel_loop3A_391 = tpu.vector_load %arg8[%parallel_loop3A_389, %parallel_loop3A_390] {strides = array<i32>} : memref<64x64xi32, #tpu.memory_space<vmem>>, vector<1x16xi32>,
        %parallel_loop3A_392 = vector.shape_cast %parallel_loop3A_391 : vector<1x16xi32> to vector<16xi32>
        %parallel_loop3A_393 = arith.constant -65536 : i32
        %parallel_loop3A_394 = vector.broadcast %parallel_loop3A_393 : i32 to vector<16xi32>
        %parallel_loop3A_395 = arith.andi %parallel_loop3A_388, %parallel_loop3A_394 : vector<16xi32>
        %parallel_loop3A_396 = tpu.bitcast %parallel_loop3A_395 : vector<16xi32> -> vector<16xf32>
        %parallel_loop3A_397 = arith.constant -65536 : i32
        %parallel_loop3A_398 = vector.broadcast %parallel_loop3A_397 : i32 to vector<16xi32>
        %parallel_loop3A_399 = arith.andi %parallel_loop3A_392, %parallel_loop3A_398 : vector<16xi32>
        %parallel_loop3A_400 = tpu.bitcast %parallel_loop3A_399 : vector<16xi32> -> vector<16xf32>
        %parallel_loop3A_401 = arith.constant 16 : i32
        %parallel_loop3A_402 = vector.broadcast %parallel_loop3A_401 : i32 to vector<16xi32>
        %parallel_loop3A_403 = arith.shli %parallel_loop3A_388, %parallel_loop3A_402 : vector<16xi32>
        %parallel_loop3A_404 = tpu.bitcast %parallel_loop3A_403 : vector<16xi32> -> vector<16xf32>
        %parallel_loop3A_405 = arith.constant 16 : i32
        %parallel_loop3A_406 = vector.broadcast %parallel_loop3A_405 : i32 to vector<16xi32>
        %parallel_loop3A_407 = arith.shli %parallel_loop3A_392, %parallel_loop3A_406 : vector<16xi32>
        %parallel_loop3A_408 = tpu.bitcast %parallel_loop3A_407 : vector<16xi32> -> vector<16xf32>
        %parallel_loop3A_409 = arith.subf %parallel_loop3A_396, %parallel_loop3A_400 : vector<16xf32>
        %parallel_loop3A_410 = arith.subf %parallel_loop3A_404, %parallel_loop3A_408 : vector<16xf32>
        %parallel_loop3A_411 = arith.mulf %parallel_loop3A_409, %parallel_loop3A_409 : vector<16xf32>
        %parallel_loop3A_412 = arith.addf %parallel_loop3A_293, %parallel_loop3A_411 : vector<16xf32>
        %parallel_loop3A_413 = arith.mulf %parallel_loop3A_410, %parallel_loop3A_410 : vector<16xf32>
        %parallel_loop3A_414 = arith.addf %parallel_loop3A_294, %parallel_loop3A_413 : vector<16xf32>
        scf.yield %parallel_loop3A_322, %parallel_loop3A_324, %parallel_loop3A_352, %parallel_loop3A_354, %parallel_loop3A_382, %parallel_loop3A_384, %parallel_loop3A_412, %parallel_loop3A_414 : vector<16xf32>, vector<16xf32>, vector<16xf32>, vector<16xf32>, vector<16xf32>, vector<16xf32>, vector<16xf32>, vector<16xf32>
      } {sc.loop_unroll_factor = 1 : i64, sc.parallel_access}
      %add3A_251 = arith.constant 1 : i32
      %add3A_252 = arith.addi %scan3A_224, %add3A_251 : i32
      %lt3A = arith.constant 16 : i32
      %lt3A_253 = arith.cmpi slt, %add3A_252, %lt3A : i32
      %convert_element_type3A_254 = arith.extui %lt3A_253 : i1 to i32
      %cond3A_255 = arith.constant 0 : i32
      %cond3A_256 = arith.cmpi ne, %convert_element_type3A_254, %cond3A_255 : i32
      scf.if %cond3A_256 {
        %mul3A_286 = arith.constant 2 : i32
        %mul3A_287 = arith.muli %mul3A_286, %scan3A_224 : i32
        %add3A_288 = arith.constant 2 : i32
        %add3A_289 = arith.addi %mul3A_287, %add3A_288 : i32
        %dma_start3A_290 = arith.constant 0 : i32
        %dma_start3A_291 = arith.constant 0 : i32
        %dma_start3A_292 = tpu.memref_slice %arg6[%add3A_289, %dma_start3A_290, %dma_start3A_291] : memref<32x2x64xi32, #tpu.memory_space<vmem>> -> memref<1x1x64xi32, #tpu.memory_space<vmem>>
        %dma_start3A_293 = tpu.memref_squeeze %dma_start3A_292 : memref<1x1x64xi32, #tpu.memory_space<vmem>> -> memref<64xi32, #tpu.memory_space<vmem>>
        %dma_start3A_294 = arith.constant 0 : i32
        %dma_start3A_295 = arith.constant 0 : i32
        %dma_start3A_296 = tpu.memref_slice %arg12[%dma_start3A_294, %dma_start3A_295] : memref<10000x64xi32, #tpu.memory_space<vmem_shared>> -> memref<10000x64xi32, #tpu.memory_space<vmem_shared>>
        tpu.enqueue_indirect_dma source(%dma_start3A_296 : memref<10000x64xi32, #tpu.memory_space<vmem_shared>>) target(%arg7 : memref<64x64xi32, #tpu.memory_space<vmem>>) offsets(%dma_start3A_293 : memref<64xi32, #tpu.memory_space<vmem>>) semaphore(%arg13 : memref<!tpu.dma_semaphore, #tpu.memory_space<semaphore_mem>>)
        %dma_start3A_297 = arith.constant 1 : i32
        %dma_start3A_298 = arith.constant 0 : i32
        %dma_start3A_299 = tpu.memref_slice %arg6[%add3A_289, %dma_start3A_297, %dma_start3A_298] : memref<32x2x64xi32, #tpu.memory_space<vmem>> -> memref<1x1x64xi32, #tpu.memory_space<vmem>>
        %dma_start3A_300 = tpu.memref_squeeze %dma_start3A_299 : memref<1x1x64xi32, #tpu.memory_space<vmem>> -> memref<64xi32, #tpu.memory_space<vmem>>
        %dma_start3A_301 = arith.constant 0 : i32
        %dma_start3A_302 = arith.constant 0 : i32
        %dma_start3A_303 = tpu.memref_slice %arg12[%dma_start3A_301, %dma_start3A_302] : memref<10000x64xi32, #tpu.memory_space<vmem_shared>> -> memref<10000x64xi32, #tpu.memory_space<vmem_shared>>
        tpu.enqueue_indirect_dma source(%dma_start3A_303 : memref<10000x64xi32, #tpu.memory_space<vmem_shared>>) target(%arg8 : memref<64x64xi32, #tpu.memory_space<vmem>>) offsets(%dma_start3A_300 : memref<64xi32, #tpu.memory_space<vmem>>) semaphore(%arg13 : memref<!tpu.dma_semaphore, #tpu.memory_space<semaphore_mem>>)
      } else {
      }
      %mul3A_257 = arith.constant 2 : i32
      %mul3A_258 = arith.muli %mul3A_257, %scan3A_224 : i32
      %add3A_259 = arith.constant 1 : i32
      %add3A_260 = arith.addi %mul3A_258, %add3A_259 : i32
      %dma_wait3A_261 = arith.constant 0 : i32
      %dma_wait3A_262 = arith.constant 0 : i32
      %dma_wait3A_263 = tpu.memref_slice %arg6[%add3A_260, %dma_wait3A_261, %dma_wait3A_262] : memref<32x2x64xi32, #tpu.memory_space<vmem>> -> memref<1x1x64xi32, #tpu.memory_space<vmem>>
      %dma_wait3A_264 = tpu.memref_squeeze %dma_wait3A_263 : memref<1x1x64xi32, #tpu.memory_space<vmem>> -> memref<64xi32, #tpu.memory_space<vmem>>
      %dma_wait3A_265 = arith.constant 0 : i32
      %dma_wait3A_266 = arith.constant 0 : i32
      %dma_wait3A_267 = tpu.memref_slice %arg12[%dma_wait3A_265, %dma_wait3A_266] : memref<10000x64xi32, #tpu.memory_space<vmem_shared>> -> memref<10000x64xi32, #tpu.memory_space<vmem_shared>>
      tpu.wait_indirect_dma semaphore(%arg14 : memref<!tpu.dma_semaphore, #tpu.memory_space<semaphore_mem>>) src(%dma_wait3A_267 : memref<10000x64xi32, #tpu.memory_space<vmem_shared>>) dst(%arg9 : memref<64x64xi32, #tpu.memory_space<vmem>>)
      %dma_wait3A_268 = arith.constant 1 : i32
      %dma_wait3A_269 = arith.constant 0 : i32
      %dma_wait3A_270 = tpu.memref_slice %arg6[%add3A_260, %dma_wait3A_268, %dma_wait3A_269] : memref<32x2x64xi32, #tpu.memory_space<vmem>> -> memref<1x1x64xi32, #tpu.memory_space<vmem>>
      %dma_wait3A_271 = tpu.memref_squeeze %dma_wait3A_270 : memref<1x1x64xi32, #tpu.memory_space<vmem>> -> memref<64xi32, #tpu.memory_space<vmem>>
      %dma_wait3A_272 = arith.constant 0 : i32
      %dma_wait3A_273 = arith.constant 0 : i32
      %dma_wait3A_274 = tpu.memref_slice %arg12[%dma_wait3A_272, %dma_wait3A_273] : memref<10000x64xi32, #tpu.memory_space<vmem_shared>> -> memref<10000x64xi32, #tpu.memory_space<vmem_shared>>
      tpu.wait_indirect_dma semaphore(%arg14 : memref<!tpu.dma_semaphore, #tpu.memory_space<semaphore_mem>>) src(%dma_wait3A_274 : memref<10000x64xi32, #tpu.memory_space<vmem_shared>>) dst(%arg10 : memref<64x64xi32, #tpu.memory_space<vmem>>)
      %parallel_loop3A_275 = arith.constant 0 : i32
      %parallel_loop3A_276 = arith.constant 64 : i32
      %parallel_loop3A_277 = arith.constant 1 : i32
      %parallel_loop3A_278:8 = scf.for %parallel_loop3A_286 = %parallel_loop3A_275 to %parallel_loop3A_276 step %parallel_loop3A_277 iter_args(%parallel_loop3A_287 = %parallel_loop3A_250#0, %parallel_loop3A_288 = %parallel_loop3A_250#1, %parallel_loop3A_289 = %parallel_loop3A_250#2, %parallel_loop3A_290 = %parallel_loop3A_250#3, %parallel_loop3A_291 = %parallel_loop3A_250#4, %parallel_loop3A_292 = %parallel_loop3A_250#5, %parallel_loop3A_293 = %parallel_loop3A_250#6, %parallel_loop3A_294 = %parallel_loop3A_250#7) -> (vector<16xf32>, vector<16xf32>, vector<16xf32>, vector<16xf32>, vector<16xf32>, vector<16xf32>, vector<16xf32>, vector<16xf32>)  : i32 {
        %parallel_loop3A_295 = arith.index_cast %parallel_loop3A_286 : i32 to index
        %parallel_loop3A_296 = arith.constant 0 : index
        %parallel_loop3A_297 = tpu.vector_load %arg9[%parallel_loop3A_295, %parallel_loop3A_296] {strides = array<i32>} : memref<64x64xi32, #tpu.memory_space<vmem>>, vector<1x16xi32>,
        %parallel_loop3A_298 = vector.shape_cast %parallel_loop3A_297 : vector<1x16xi32> to vector<16xi32>
        %parallel_loop3A_299 = arith.index_cast %parallel_loop3A_286 : i32 to index
        %parallel_loop3A_300 = arith.constant 0 : index
        %parallel_loop3A_301 = tpu.vector_load %arg10[%parallel_loop3A_299, %parallel_loop3A_300] {strides = array<i32>} : memref<64x64xi32, #tpu.memory_space<vmem>>, vector<1x16xi32>,
        %parallel_loop3A_302 = vector.shape_cast %parallel_loop3A_301 : vector<1x16xi32> to vector<16xi32>
        %parallel_loop3A_303 = arith.constant -65536 : i32
        %parallel_loop3A_304 = vector.broadcast %parallel_loop3A_303 : i32 to vector<16xi32>
        %parallel_loop3A_305 = arith.andi %parallel_loop3A_298, %parallel_loop3A_304 : vector<16xi32>
        %parallel_loop3A_306 = tpu.bitcast %parallel_loop3A_305 : vector<16xi32> -> vector<16xf32>
        %parallel_loop3A_307 = arith.constant -65536 : i32
        %parallel_loop3A_308 = vector.broadcast %parallel_loop3A_307 : i32 to vector<16xi32>
        %parallel_loop3A_309 = arith.andi %parallel_loop3A_302, %parallel_loop3A_308 : vector<16xi32>
        %parallel_loop3A_310 = tpu.bitcast %parallel_loop3A_309 : vector<16xi32> -> vector<16xf32>
        %parallel_loop3A_311 = arith.constant 16 : i32
        %parallel_loop3A_312 = vector.broadcast %parallel_loop3A_311 : i32 to vector<16xi32>
        %parallel_loop3A_313 = arith.shli %parallel_loop3A_298, %parallel_loop3A_312 : vector<16xi32>
        %parallel_loop3A_314 = tpu.bitcast %parallel_loop3A_313 : vector<16xi32> -> vector<16xf32>
        %parallel_loop3A_315 = arith.constant 16 : i32
        %parallel_loop3A_316 = vector.broadcast %parallel_loop3A_315 : i32 to vector<16xi32>
        %parallel_loop3A_317 = arith.shli %parallel_loop3A_302, %parallel_loop3A_316 : vector<16xi32>
        %parallel_loop3A_318 = tpu.bitcast %parallel_loop3A_317 : vector<16xi32> -> vector<16xf32>
        %parallel_loop3A_319 = arith.subf %parallel_loop3A_306, %parallel_loop3A_310 : vector<16xf32>
        %parallel_loop3A_320 = arith.subf %parallel_loop3A_314, %parallel_loop3A_318 : vector<16xf32>
        %parallel_loop3A_321 = arith.mulf %parallel_loop3A_319, %parallel_loop3A_319 : vector<16xf32>
        %parallel_loop3A_322 = arith.addf %parallel_loop3A_287, %parallel_loop3A_321 : vector<16xf32>
        %parallel_loop3A_323 = arith.mulf %parallel_loop3A_320, %parallel_loop3A_320 : vector<16xf32>
        %parallel_loop3A_324 = arith.addf %parallel_loop3A_288, %parallel_loop3A_323 : vector<16xf32>
        %parallel_loop3A_325 = arith.index_cast %parallel_loop3A_286 : i32 to index
        %parallel_loop3A_326 = arith.constant 16 : index
        %parallel_loop3A_327 = tpu.vector_load %arg9[%parallel_loop3A_325, %parallel_loop3A_326] {strides = array<i32>} : memref<64x64xi32, #tpu.memory_space<vmem>>, vector<1x16xi32>,
        %parallel_loop3A_328 = vector.shape_cast %parallel_loop3A_327 : vector<1x16xi32> to vector<16xi32>
        %parallel_loop3A_329 = arith.index_cast %parallel_loop3A_286 : i32 to index
        %parallel_loop3A_330 = arith.constant 16 : index
        %parallel_loop3A_331 = tpu.vector_load %arg10[%parallel_loop3A_329, %parallel_loop3A_330] {strides = array<i32>} : memref<64x64xi32, #tpu.memory_space<vmem>>, vector<1x16xi32>,
        %parallel_loop3A_332 = vector.shape_cast %parallel_loop3A_331 : vector<1x16xi32> to vector<16xi32>
        %parallel_loop3A_333 = arith.constant -65536 : i32
        %parallel_loop3A_334 = vector.broadcast %parallel_loop3A_333 : i32 to vector<16xi32>
        %parallel_loop3A_335 = arith.andi %parallel_loop3A_328, %parallel_loop3A_334 : vector<16xi32>
        %parallel_loop3A_336 = tpu.bitcast %parallel_loop3A_335 : vector<16xi32> -> vector<16xf32>
        %parallel_loop3A_337 = arith.constant -65536 : i32
        %parallel_loop3A_338 = vector.broadcast %parallel_loop3A_337 : i32 to vector<16xi32>
        %parallel_loop3A_339 = arith.andi %parallel_loop3A_332, %parallel_loop3A_338 : vector<16xi32>
        %parallel_loop3A_340 = tpu.bitcast %parallel_loop3A_339 : vector<16xi32> -> vector<16xf32>
        %parallel_loop3A_341 = arith.constant 16 : i32
        %parallel_loop3A_342 = vector.broadcast %parallel_loop3A_341 : i32 to vector<16xi32>
        %parallel_loop3A_343 = arith.shli %parallel_loop3A_328, %parallel_loop3A_342 : vector<16xi32>
        %parallel_loop3A_344 = tpu.bitcast %parallel_loop3A_343 : vector<16xi32> -> vector<16xf32>
        %parallel_loop3A_345 = arith.constant 16 : i32
        %parallel_loop3A_346 = vector.broadcast %parallel_loop3A_345 : i32 to vector<16xi32>
        %parallel_loop3A_347 = arith.shli %parallel_loop3A_332, %parallel_loop3A_346 : vector<16xi32>
        %parallel_loop3A_348 = tpu.bitcast %parallel_loop3A_347 : vector<16xi32> -> vector<16xf32>
        %parallel_loop3A_349 = arith.subf %parallel_loop3A_336, %parallel_loop3A_340 : vector<16xf32>
        %parallel_loop3A_350 = arith.subf %parallel_loop3A_344, %parallel_loop3A_348 : vector<16xf32>
        %parallel_loop3A_351 = arith.mulf %parallel_loop3A_349, %parallel_loop3A_349 : vector<16xf32>
        %parallel_loop3A_352 = arith.addf %parallel_loop3A_289, %parallel_loop3A_351 : vector<16xf32>
        %parallel_loop3A_353 = arith.mulf %parallel_loop3A_350, %parallel_loop3A_350 : vector<16xf32>
        %parallel_loop3A_354 = arith.addf %parallel_loop3A_290, %parallel_loop3A_353 : vector<16xf32>
        %parallel_loop3A_355 = arith.index_cast %parallel_loop3A_286 : i32 to index
        %parallel_loop3A_356 = arith.constant 32 : index
        %parallel_loop3A_357 = tpu.vector_load %arg9[%parallel_loop3A_355, %parallel_loop3A_356] {strides = array<i32>} : memref<64x64xi32, #tpu.memory_space<vmem>>, vector<1x16xi32>,
        %parallel_loop3A_358 = vector.shape_cast %parallel_loop3A_357 : vector<1x16xi32> to vector<16xi32>
        %parallel_loop3A_359 = arith.index_cast %parallel_loop3A_286 : i32 to index
        %parallel_loop3A_360 = arith.constant 32 : index
        %parallel_loop3A_361 = tpu.vector_load %arg10[%parallel_loop3A_359, %parallel_loop3A_360] {strides = array<i32>} : memref<64x64xi32, #tpu.memory_space<vmem>>, vector<1x16xi32>,
        %parallel_loop3A_362 = vector.shape_cast %parallel_loop3A_361 : vector<1x16xi32> to vector<16xi32>
        %parallel_loop3A_363 = arith.constant -65536 : i32
        %parallel_loop3A_364 = vector.broadcast %parallel_loop3A_363 : i32 to vector<16xi32>
        %parallel_loop3A_365 = arith.andi %parallel_loop3A_358, %parallel_loop3A_364 : vector<16xi32>
        %parallel_loop3A_366 = tpu.bitcast %parallel_loop3A_365 : vector<16xi32> -> vector<16xf32>
        %parallel_loop3A_367 = arith.constant -65536 : i32
        %parallel_loop3A_368 = vector.broadcast %parallel_loop3A_367 : i32 to vector<16xi32>
        %parallel_loop3A_369 = arith.andi %parallel_loop3A_362, %parallel_loop3A_368 : vector<16xi32>
        %parallel_loop3A_370 = tpu.bitcast %parallel_loop3A_369 : vector<16xi32> -> vector<16xf32>
        %parallel_loop3A_371 = arith.constant 16 : i32
        %parallel_loop3A_372 = vector.broadcast %parallel_loop3A_371 : i32 to vector<16xi32>
        %parallel_loop3A_373 = arith.shli %parallel_loop3A_358, %parallel_loop3A_372 : vector<16xi32>
        %parallel_loop3A_374 = tpu.bitcast %parallel_loop3A_373 : vector<16xi32> -> vector<16xf32>
        %parallel_loop3A_375 = arith.constant 16 : i32
        %parallel_loop3A_376 = vector.broadcast %parallel_loop3A_375 : i32 to vector<16xi32>
        %parallel_loop3A_377 = arith.shli %parallel_loop3A_362, %parallel_loop3A_376 : vector<16xi32>
        %parallel_loop3A_378 = tpu.bitcast %parallel_loop3A_377 : vector<16xi32> -> vector<16xf32>
        %parallel_loop3A_379 = arith.subf %parallel_loop3A_366, %parallel_loop3A_370 : vector<16xf32>
        %parallel_loop3A_380 = arith.subf %parallel_loop3A_374, %parallel_loop3A_378 : vector<16xf32>
        %parallel_loop3A_381 = arith.mulf %parallel_loop3A_379, %parallel_loop3A_379 : vector<16xf32>
        %parallel_loop3A_382 = arith.addf %parallel_loop3A_291, %parallel_loop3A_381 : vector<16xf32>
        %parallel_loop3A_383 = arith.mulf %parallel_loop3A_380, %parallel_loop3A_380 : vector<16xf32>
        %parallel_loop3A_384 = arith.addf %parallel_loop3A_292, %parallel_loop3A_383 : vector<16xf32>
        %parallel_loop3A_385 = arith.index_cast %parallel_loop3A_286 : i32 to index
        %parallel_loop3A_386 = arith.constant 48 : index
        %parallel_loop3A_387 = tpu.vector_load %arg9[%parallel_loop3A_385, %parallel_loop3A_386] {strides = array<i32>} : memref<64x64xi32, #tpu.memory_space<vmem>>, vector<1x16xi32>,
        %parallel_loop3A_388 = vector.shape_cast %parallel_loop3A_387 : vector<1x16xi32> to vector<16xi32>
        %parallel_loop3A_389 = arith.index_cast %parallel_loop3A_286 : i32 to index
        %parallel_loop3A_390 = arith.constant 48 : index
        %parallel_loop3A_391 = tpu.vector_load %arg10[%parallel_loop3A_389, %parallel_loop3A_390] {strides = array<i32>} : memref<64x64xi32, #tpu.memory_space<vmem>>, vector<1x16xi32>,
        %parallel_loop3A_392 = vector.shape_cast %parallel_loop3A_391 : vector<1x16xi32> to vector<16xi32>
        %parallel_loop3A_393 = arith.constant -65536 : i32
        %parallel_loop3A_394 = vector.broadcast %parallel_loop3A_393 : i32 to vector<16xi32>
        %parallel_loop3A_395 = arith.andi %parallel_loop3A_388, %parallel_loop3A_394 : vector<16xi32>
        %parallel_loop3A_396 = tpu.bitcast %parallel_loop3A_395 : vector<16xi32> -> vector<16xf32>
        %parallel_loop3A_397 = arith.constant -65536 : i32
        %parallel_loop3A_398 = vector.broadcast %parallel_loop3A_397 : i32 to vector<16xi32>
        %parallel_loop3A_399 = arith.andi %parallel_loop3A_392, %parallel_loop3A_398 : vector<16xi32>
        %parallel_loop3A_400 = tpu.bitcast %parallel_loop3A_399 : vector<16xi32> -> vector<16xf32>
        %parallel_loop3A_401 = arith.constant 16 : i32
        %parallel_loop3A_402 = vector.broadcast %parallel_loop3A_401 : i32 to vector<16xi32>
        %parallel_loop3A_403 = arith.shli %parallel_loop3A_388, %parallel_loop3A_402 : vector<16xi32>
        %parallel_loop3A_404 = tpu.bitcast %parallel_loop3A_403 : vector<16xi32> -> vector<16xf32>
        %parallel_loop3A_405 = arith.constant 16 : i32
        %parallel_loop3A_406 = vector.broadcast %parallel_loop3A_405 : i32 to vector<16xi32>
        %parallel_loop3A_407 = arith.shli %parallel_loop3A_392, %parallel_loop3A_406 : vector<16xi32>
        %parallel_loop3A_408 = tpu.bitcast %parallel_loop3A_407 : vector<16xi32> -> vector<16xf32>
        %parallel_loop3A_409 = arith.subf %parallel_loop3A_396, %parallel_loop3A_400 : vector<16xf32>
        %parallel_loop3A_410 = arith.subf %parallel_loop3A_404, %parallel_loop3A_408 : vector<16xf32>
        %parallel_loop3A_411 = arith.mulf %parallel_loop3A_409, %parallel_loop3A_409 : vector<16xf32>
        %parallel_loop3A_412 = arith.addf %parallel_loop3A_293, %parallel_loop3A_411 : vector<16xf32>
        %parallel_loop3A_413 = arith.mulf %parallel_loop3A_410, %parallel_loop3A_410 : vector<16xf32>
        %parallel_loop3A_414 = arith.addf %parallel_loop3A_294, %parallel_loop3A_413 : vector<16xf32>
        scf.yield %parallel_loop3A_322, %parallel_loop3A_324, %parallel_loop3A_352, %parallel_loop3A_354, %parallel_loop3A_382, %parallel_loop3A_384, %parallel_loop3A_412, %parallel_loop3A_414 : vector<16xf32>, vector<16xf32>, vector<16xf32>, vector<16xf32>, vector<16xf32>, vector<16xf32>, vector<16xf32>, vector<16xf32>
      } {sc.loop_unroll_factor = 1 : i64, sc.parallel_access}
      %add3A_279 = arith.constant 1 : i32
      %add3A_280 = arith.addi %scan3A_224, %add3A_279 : i32
      %lt3A_281 = arith.constant 16 : i32
      %lt3A_282 = arith.cmpi slt, %add3A_280, %lt3A_281 : i32
      %convert_element_type3A_283 = arith.extui %lt3A_282 : i1 to i32
      %cond3A_284 = arith.constant 0 : i32
      %cond3A_285 = arith.cmpi ne, %convert_element_type3A_283, %cond3A_284 : i32
      scf.if %cond3A_285 {
        %mul3A_286 = arith.constant 2 : i32
        %mul3A_287 = arith.muli %mul3A_286, %scan3A_224 : i32
        %add3A_288 = arith.constant 3 : i32
        %add3A_289 = arith.addi %mul3A_287, %add3A_288 : i32
        %dma_start3A_290 = arith.constant 0 : i32
        %dma_start3A_291 = arith.constant 0 : i32
        %dma_start3A_292 = tpu.memref_slice %arg6[%add3A_289, %dma_start3A_290, %dma_start3A_291] : memref<32x2x64xi32, #tpu.memory_space<vmem>> -> memref<1x1x64xi32, #tpu.memory_space<vmem>>
        %dma_start3A_293 = tpu.memref_squeeze %dma_start3A_292 : memref<1x1x64xi32, #tpu.memory_space<vmem>> -> memref<64xi32, #tpu.memory_space<vmem>>
        %dma_start3A_294 = arith.constant 0 : i32
        %dma_start3A_295 = arith.constant 0 : i32
        %dma_start3A_296 = tpu.memref_slice %arg12[%dma_start3A_294, %dma_start3A_295] : memref<10000x64xi32, #tpu.memory_space<vmem_shared>> -> memref<10000x64xi32, #tpu.memory_space<vmem_shared>>
        tpu.enqueue_indirect_dma source(%dma_start3A_296 : memref<10000x64xi32, #tpu.memory_space<vmem_shared>>) target(%arg9 : memref<64x64xi32, #tpu.memory_space<vmem>>) offsets(%dma_start3A_293 : memref<64xi32, #tpu.memory_space<vmem>>) semaphore(%arg14 : memref<!tpu.dma_semaphore, #tpu.memory_space<semaphore_mem>>)
        %dma_start3A_297 = arith.constant 1 : i32
        %dma_start3A_298 = arith.constant 0 : i32
        %dma_start3A_299 = tpu.memref_slice %arg6[%add3A_289, %dma_start3A_297, %dma_start3A_298] : memref<32x2x64xi32, #tpu.memory_space<vmem>> -> memref<1x1x64xi32, #tpu.memory_space<vmem>>
        %dma_start3A_300 = tpu.memref_squeeze %dma_start3A_299 : memref<1x1x64xi32, #tpu.memory_space<vmem>> -> memref<64xi32, #tpu.memory_space<vmem>>
        %dma_start3A_301 = arith.constant 0 : i32
        %dma_start3A_302 = arith.constant 0 : i32
        %dma_start3A_303 = tpu.memref_slice %arg12[%dma_start3A_301, %dma_start3A_302] : memref<10000x64xi32, #tpu.memory_space<vmem_shared>> -> memref<10000x64xi32, #tpu.memory_space<vmem_shared>>
        tpu.enqueue_indirect_dma source(%dma_start3A_303 : memref<10000x64xi32, #tpu.memory_space<vmem_shared>>) target(%arg10 : memref<64x64xi32, #tpu.memory_space<vmem>>) offsets(%dma_start3A_300 : memref<64xi32, #tpu.memory_space<vmem>>) semaphore(%arg14 : memref<!tpu.dma_semaphore, #tpu.memory_space<semaphore_mem>>)
      } else {
      }
      scf.yield %parallel_loop3A_278#0, %parallel_loop3A_278#1, %parallel_loop3A_278#2, %parallel_loop3A_278#3, %parallel_loop3A_278#4, %parallel_loop3A_278#5, %parallel_loop3A_278#6, %parallel_loop3A_278#7 : vector<16xf32>, vector<16xf32>, vector<16xf32>, vector<16xf32>, vector<16xf32>, vector<16xf32>, vector<16xf32>, vector<16xf32>
    }
    %scan3A_133 = arith.constant 16 : i32
    %run_scoped3A_134 = arith.constant 3 : i32
    "tpu.region"() ({
      %run_scoped3A_224 = tpu.sem_alloc : memref<!tpu.dma_semaphore, #tpu.memory_space<semaphore_mem>>
      %dma_start3A_225 = arith.constant 0 : i32
      %dma_start3A_226 = arith.constant 0 : i32
      %dma_start3A_227 = arith.constant 0 : i32
      %dma_start3A_228 = tpu.memref_slice %arg3[%add3A, %run_scoped3A_134, %dma_start3A_225, %dma_start3A_226, %dma_start3A_227] : memref<32x5x32x2x64xi32, #tpu.memory_space<hbm>> -> memref<1x1x32x2x64xi32, #tpu.memory_space<hbm>>
      %dma_start3A_229 = tpu.memref_squeeze %dma_start3A_228 : memref<1x1x32x2x64xi32, #tpu.memory_space<hbm>> -> memref<32x2x64xi32, #tpu.memory_space<hbm>>
      %dma_start3A_230 = arith.constant 0 : i32
      %dma_start3A_231 = arith.constant 0 : i32
      %dma_start3A_232 = arith.constant 0 : i32
      %dma_start3A_233 = tpu.memref_slice %arg3[%add3A, %run_scoped3A_134, %dma_start3A_230, %dma_start3A_231, %dma_start3A_232] : memref<32x5x32x2x64xi32, #tpu.memory_space<hbm>> -> memref<1x1x32x2x64xi32, #tpu.memory_space<hbm>>
      %dma_start3A_234 = tpu.memref_squeeze %dma_start3A_233 : memref<1x1x32x2x64xi32, #tpu.memory_space<hbm>> -> memref<32x2x64xi32, #tpu.memory_space<hbm>>
      tpu.enqueue_dma source(%dma_start3A_234 : memref<32x2x64xi32, #tpu.memory_space<hbm>>) target(%arg6 : memref<32x2x64xi32, #tpu.memory_space<vmem>>) target_semaphore(%run_scoped3A_224 : memref<!tpu.dma_semaphore, #tpu.memory_space<semaphore_mem>>)
      %dma_wait3A = arith.constant 0 : i32
      %dma_wait3A_235 = arith.constant 0 : i32
      %dma_wait3A_236 = arith.constant 0 : i32
      %dma_wait3A_237 = tpu.memref_slice %arg3[%add3A, %run_scoped3A_134, %dma_wait3A, %dma_wait3A_235, %dma_wait3A_236] : memref<32x5x32x2x64xi32, #tpu.memory_space<hbm>> -> memref<1x1x32x2x64xi32, #tpu.memory_space<hbm>>
      %dma_wait3A_238 = tpu.memref_squeeze %dma_wait3A_237 : memref<1x1x32x2x64xi32, #tpu.memory_space<hbm>> -> memref<32x2x64xi32, #tpu.memory_space<hbm>>
      %dma_wait3A_239 = arith.constant 0 : i32
      %dma_wait3A_240 = arith.constant 0 : i32
      %dma_wait3A_241 = arith.constant 0 : i32
      %dma_wait3A_242 = tpu.memref_slice %arg3[%add3A, %run_scoped3A_134, %dma_wait3A_239, %dma_wait3A_240, %dma_wait3A_241] : memref<32x5x32x2x64xi32, #tpu.memory_space<hbm>> -> memref<1x1x32x2x64xi32, #tpu.memory_space<hbm>>
      %dma_wait3A_243 = tpu.memref_squeeze %dma_wait3A_242 : memref<1x1x32x2x64xi32, #tpu.memory_space<hbm>> -> memref<32x2x64xi32, #tpu.memory_space<hbm>>
      tpu.wait_dma2 semaphore(%run_scoped3A_224 : memref<!tpu.dma_semaphore, #tpu.memory_space<semaphore_mem>>) src(%dma_wait3A_243 : memref<32x2x64xi32, #tpu.memory_space<hbm>>) dst(%arg6 : memref<32x2x64xi32, #tpu.memory_space<vmem>>)
      tpu.yield
    }) : () -> ()
    %dma_start3A_135 = arith.constant 0 : i32
    %dma_start3A_136 = arith.constant 0 : i32
    %dma_start3A_137 = arith.constant 0 : i32
    %dma_start3A_138 = tpu.memref_slice %arg6[%dma_start3A_135, %dma_start3A_136, %dma_start3A_137] : memref<32x2x64xi32, #tpu.memory_space<vmem>> -> memref<1x1x64xi32, #tpu.memory_space<vmem>>
    %dma_start3A_139 = tpu.memref_squeeze %dma_start3A_138 : memref<1x1x64xi32, #tpu.memory_space<vmem>> -> memref<64xi32, #tpu.memory_space<vmem>>
    %dma_start3A_140 = arith.constant 0 : i32
    %dma_start3A_141 = arith.constant 0 : i32
    %dma_start3A_142 = tpu.memref_slice %arg12[%dma_start3A_140, %dma_start3A_141] : memref<10000x64xi32, #tpu.memory_space<vmem_shared>> -> memref<10000x64xi32, #tpu.memory_space<vmem_shared>>
    tpu.enqueue_indirect_dma source(%dma_start3A_142 : memref<10000x64xi32, #tpu.memory_space<vmem_shared>>) target(%arg7 : memref<64x64xi32, #tpu.memory_space<vmem>>) offsets(%dma_start3A_139 : memref<64xi32, #tpu.memory_space<vmem>>) semaphore(%arg13 : memref<!tpu.dma_semaphore, #tpu.memory_space<semaphore_mem>>)
    %dma_start3A_143 = arith.constant 0 : i32
    %dma_start3A_144 = arith.constant 1 : i32
    %dma_start3A_145 = arith.constant 0 : i32
    %dma_start3A_146 = tpu.memref_slice %arg6[%dma_start3A_143, %dma_start3A_144, %dma_start3A_145] : memref<32x2x64xi32, #tpu.memory_space<vmem>> -> memref<1x1x64xi32, #tpu.memory_space<vmem>>
    %dma_start3A_147 = tpu.memref_squeeze %dma_start3A_146 : memref<1x1x64xi32, #tpu.memory_space<vmem>> -> memref<64xi32, #tpu.memory_space<vmem>>
    %dma_start3A_148 = arith.constant 0 : i32
    %dma_start3A_149 = arith.constant 0 : i32
    %dma_start3A_150 = tpu.memref_slice %arg12[%dma_start3A_148, %dma_start3A_149] : memref<10000x64xi32, #tpu.memory_space<vmem_shared>> -> memref<10000x64xi32, #tpu.memory_space<vmem_shared>>
    tpu.enqueue_indirect_dma source(%dma_start3A_150 : memref<10000x64xi32, #tpu.memory_space<vmem_shared>>) target(%arg8 : memref<64x64xi32, #tpu.memory_space<vmem>>) offsets(%dma_start3A_147 : memref<64xi32, #tpu.memory_space<vmem>>) semaphore(%arg13 : memref<!tpu.dma_semaphore, #tpu.memory_space<semaphore_mem>>)
    %dma_start3A_151 = arith.constant 1 : i32
    %dma_start3A_152 = arith.constant 0 : i32
    %dma_start3A_153 = arith.constant 0 : i32
    %dma_start3A_154 = tpu.memref_slice %arg6[%dma_start3A_151, %dma_start3A_152, %dma_start3A_153] : memref<32x2x64xi32, #tpu.memory_space<vmem>> -> memref<1x1x64xi32, #tpu.memory_space<vmem>>
    %dma_start3A_155 = tpu.memref_squeeze %dma_start3A_154 : memref<1x1x64xi32, #tpu.memory_space<vmem>> -> memref<64xi32, #tpu.memory_space<vmem>>
    %dma_start3A_156 = arith.constant 0 : i32
    %dma_start3A_157 = arith.constant 0 : i32
    %dma_start3A_158 = tpu.memref_slice %arg12[%dma_start3A_156, %dma_start3A_157] : memref<10000x64xi32, #tpu.memory_space<vmem_shared>> -> memref<10000x64xi32, #tpu.memory_space<vmem_shared>>
    tpu.enqueue_indirect_dma source(%dma_start3A_158 : memref<10000x64xi32, #tpu.memory_space<vmem_shared>>) target(%arg9 : memref<64x64xi32, #tpu.memory_space<vmem>>) offsets(%dma_start3A_155 : memref<64xi32, #tpu.memory_space<vmem>>) semaphore(%arg14 : memref<!tpu.dma_semaphore, #tpu.memory_space<semaphore_mem>>)
    %dma_start3A_159 = arith.constant 1 : i32
    %dma_start3A_160 = arith.constant 1 : i32
    %dma_start3A_161 = arith.constant 0 : i32
    %dma_start3A_162 = tpu.memref_slice %arg6[%dma_start3A_159, %dma_start3A_160, %dma_start3A_161] : memref<32x2x64xi32, #tpu.memory_space<vmem>> -> memref<1x1x64xi32, #tpu.memory_space<vmem>>
    %dma_start3A_163 = tpu.memref_squeeze %dma_start3A_162 : memref<1x1x64xi32, #tpu.memory_space<vmem>> -> memref<64xi32, #tpu.memory_space<vmem>>
    %dma_start3A_164 = arith.constant 0 : i32
    %dma_start3A_165 = arith.constant 0 : i32
    %dma_start3A_166 = tpu.memref_slice %arg12[%dma_start3A_164, %dma_start3A_165] : memref<10000x64xi32, #tpu.memory_space<vmem_shared>> -> memref<10000x64xi32, #tpu.memory_space<vmem_shared>>
    tpu.enqueue_indirect_dma source(%dma_start3A_166 : memref<10000x64xi32, #tpu.memory_space<vmem_shared>>) target(%arg10 : memref<64x64xi32, #tpu.memory_space<vmem>>) offsets(%dma_start3A_163 : memref<64xi32, #tpu.memory_space<vmem>>) semaphore(%arg14 : memref<!tpu.dma_semaphore, #tpu.memory_space<semaphore_mem>>)
    %scan3A_167 = arith.constant 0 : i32
    %scan3A_168 = arith.constant 16 : i32
    %scan3A_169 = arith.addi %scan3A_167, %scan3A_168 : i32
    %scan3A_170 = arith.constant 1 : i32
    %scan3A_171:8 = scf.for %scan3A_224 = %scan3A_167 to %scan3A_169 step %scan3A_170 iter_args(%scan3A_225 = %scan3A_132#0, %scan3A_226 = %scan3A_132#1, %scan3A_227 = %scan3A_132#2, %scan3A_228 = %scan3A_132#3, %scan3A_229 = %scan3A_132#4, %scan3A_230 = %scan3A_132#5, %scan3A_231 = %scan3A_132#6, %scan3A_232 = %scan3A_132#7) -> (vector<16xf32>, vector<16xf32>, vector<16xf32>, vector<16xf32>, vector<16xf32>, vector<16xf32>, vector<16xf32>, vector<16xf32>)  : i32 {
      %mul3A_233 = arith.constant 2 : i32
      %mul3A_234 = arith.muli %mul3A_233, %scan3A_224 : i32
      %dma_wait3A = arith.constant 0 : i32
      %dma_wait3A_235 = arith.constant 0 : i32
      %dma_wait3A_236 = tpu.memref_slice %arg6[%mul3A_234, %dma_wait3A, %dma_wait3A_235] : memref<32x2x64xi32, #tpu.memory_space<vmem>> -> memref<1x1x64xi32, #tpu.memory_space<vmem>>
      %dma_wait3A_237 = tpu.memref_squeeze %dma_wait3A_236 : memref<1x1x64xi32, #tpu.memory_space<vmem>> -> memref<64xi32, #tpu.memory_space<vmem>>
      %dma_wait3A_238 = arith.constant 0 : i32
      %dma_wait3A_239 = arith.constant 0 : i32
      %dma_wait3A_240 = tpu.memref_slice %arg12[%dma_wait3A_238, %dma_wait3A_239] : memref<10000x64xi32, #tpu.memory_space<vmem_shared>> -> memref<10000x64xi32, #tpu.memory_space<vmem_shared>>
      tpu.wait_indirect_dma semaphore(%arg13 : memref<!tpu.dma_semaphore, #tpu.memory_space<semaphore_mem>>) src(%dma_wait3A_240 : memref<10000x64xi32, #tpu.memory_space<vmem_shared>>) dst(%arg7 : memref<64x64xi32, #tpu.memory_space<vmem>>)
      %dma_wait3A_241 = arith.constant 1 : i32
      %dma_wait3A_242 = arith.constant 0 : i32
      %dma_wait3A_243 = tpu.memref_slice %arg6[%mul3A_234, %dma_wait3A_241, %dma_wait3A_242] : memref<32x2x64xi32, #tpu.memory_space<vmem>> -> memref<1x1x64xi32, #tpu.memory_space<vmem>>
      %dma_wait3A_244 = tpu.memref_squeeze %dma_wait3A_243 : memref<1x1x64xi32, #tpu.memory_space<vmem>> -> memref<64xi32, #tpu.memory_space<vmem>>
      %dma_wait3A_245 = arith.constant 0 : i32
      %dma_wait3A_246 = arith.constant 0 : i32
      %dma_wait3A_247 = tpu.memref_slice %arg12[%dma_wait3A_245, %dma_wait3A_246] : memref<10000x64xi32, #tpu.memory_space<vmem_shared>> -> memref<10000x64xi32, #tpu.memory_space<vmem_shared>>
      tpu.wait_indirect_dma semaphore(%arg13 : memref<!tpu.dma_semaphore, #tpu.memory_space<semaphore_mem>>) src(%dma_wait3A_247 : memref<10000x64xi32, #tpu.memory_space<vmem_shared>>) dst(%arg8 : memref<64x64xi32, #tpu.memory_space<vmem>>)
      %parallel_loop3A = arith.constant 0 : i32
      %parallel_loop3A_248 = arith.constant 64 : i32
      %parallel_loop3A_249 = arith.constant 1 : i32
      %parallel_loop3A_250:8 = scf.for %parallel_loop3A_286 = %parallel_loop3A to %parallel_loop3A_248 step %parallel_loop3A_249 iter_args(%parallel_loop3A_287 = %scan3A_225, %parallel_loop3A_288 = %scan3A_226, %parallel_loop3A_289 = %scan3A_227, %parallel_loop3A_290 = %scan3A_228, %parallel_loop3A_291 = %scan3A_229, %parallel_loop3A_292 = %scan3A_230, %parallel_loop3A_293 = %scan3A_231, %parallel_loop3A_294 = %scan3A_232) -> (vector<16xf32>, vector<16xf32>, vector<16xf32>, vector<16xf32>, vector<16xf32>, vector<16xf32>, vector<16xf32>, vector<16xf32>)  : i32 {
        %parallel_loop3A_295 = arith.index_cast %parallel_loop3A_286 : i32 to index
        %parallel_loop3A_296 = arith.constant 0 : index
        %parallel_loop3A_297 = tpu.vector_load %arg7[%parallel_loop3A_295, %parallel_loop3A_296] {strides = array<i32>} : memref<64x64xi32, #tpu.memory_space<vmem>>, vector<1x16xi32>,
        %parallel_loop3A_298 = vector.shape_cast %parallel_loop3A_297 : vector<1x16xi32> to vector<16xi32>
        %parallel_loop3A_299 = arith.index_cast %parallel_loop3A_286 : i32 to index
        %parallel_loop3A_300 = arith.constant 0 : index
        %parallel_loop3A_301 = tpu.vector_load %arg8[%parallel_loop3A_299, %parallel_loop3A_300] {strides = array<i32>} : memref<64x64xi32, #tpu.memory_space<vmem>>, vector<1x16xi32>,
        %parallel_loop3A_302 = vector.shape_cast %parallel_loop3A_301 : vector<1x16xi32> to vector<16xi32>
        %parallel_loop3A_303 = arith.constant -65536 : i32
        %parallel_loop3A_304 = vector.broadcast %parallel_loop3A_303 : i32 to vector<16xi32>
        %parallel_loop3A_305 = arith.andi %parallel_loop3A_298, %parallel_loop3A_304 : vector<16xi32>
        %parallel_loop3A_306 = tpu.bitcast %parallel_loop3A_305 : vector<16xi32> -> vector<16xf32>
        %parallel_loop3A_307 = arith.constant -65536 : i32
        %parallel_loop3A_308 = vector.broadcast %parallel_loop3A_307 : i32 to vector<16xi32>
        %parallel_loop3A_309 = arith.andi %parallel_loop3A_302, %parallel_loop3A_308 : vector<16xi32>
        %parallel_loop3A_310 = tpu.bitcast %parallel_loop3A_309 : vector<16xi32> -> vector<16xf32>
        %parallel_loop3A_311 = arith.constant 16 : i32
        %parallel_loop3A_312 = vector.broadcast %parallel_loop3A_311 : i32 to vector<16xi32>
        %parallel_loop3A_313 = arith.shli %parallel_loop3A_298, %parallel_loop3A_312 : vector<16xi32>
        %parallel_loop3A_314 = tpu.bitcast %parallel_loop3A_313 : vector<16xi32> -> vector<16xf32>
        %parallel_loop3A_315 = arith.constant 16 : i32
        %parallel_loop3A_316 = vector.broadcast %parallel_loop3A_315 : i32 to vector<16xi32>
        %parallel_loop3A_317 = arith.shli %parallel_loop3A_302, %parallel_loop3A_316 : vector<16xi32>
        %parallel_loop3A_318 = tpu.bitcast %parallel_loop3A_317 : vector<16xi32> -> vector<16xf32>
        %parallel_loop3A_319 = arith.subf %parallel_loop3A_306, %parallel_loop3A_310 : vector<16xf32>
        %parallel_loop3A_320 = arith.subf %parallel_loop3A_314, %parallel_loop3A_318 : vector<16xf32>
        %parallel_loop3A_321 = arith.mulf %parallel_loop3A_319, %parallel_loop3A_319 : vector<16xf32>
        %parallel_loop3A_322 = arith.addf %parallel_loop3A_287, %parallel_loop3A_321 : vector<16xf32>
        %parallel_loop3A_323 = arith.mulf %parallel_loop3A_320, %parallel_loop3A_320 : vector<16xf32>
        %parallel_loop3A_324 = arith.addf %parallel_loop3A_288, %parallel_loop3A_323 : vector<16xf32>
        %parallel_loop3A_325 = arith.index_cast %parallel_loop3A_286 : i32 to index
        %parallel_loop3A_326 = arith.constant 16 : index
        %parallel_loop3A_327 = tpu.vector_load %arg7[%parallel_loop3A_325, %parallel_loop3A_326] {strides = array<i32>} : memref<64x64xi32, #tpu.memory_space<vmem>>, vector<1x16xi32>,
        %parallel_loop3A_328 = vector.shape_cast %parallel_loop3A_327 : vector<1x16xi32> to vector<16xi32>
        %parallel_loop3A_329 = arith.index_cast %parallel_loop3A_286 : i32 to index
        %parallel_loop3A_330 = arith.constant 16 : index
        %parallel_loop3A_331 = tpu.vector_load %arg8[%parallel_loop3A_329, %parallel_loop3A_330] {strides = array<i32>} : memref<64x64xi32, #tpu.memory_space<vmem>>, vector<1x16xi32>,
        %parallel_loop3A_332 = vector.shape_cast %parallel_loop3A_331 : vector<1x16xi32> to vector<16xi32>
        %parallel_loop3A_333 = arith.constant -65536 : i32
        %parallel_loop3A_334 = vector.broadcast %parallel_loop3A_333 : i32 to vector<16xi32>
        %parallel_loop3A_335 = arith.andi %parallel_loop3A_328, %parallel_loop3A_334 : vector<16xi32>
        %parallel_loop3A_336 = tpu.bitcast %parallel_loop3A_335 : vector<16xi32> -> vector<16xf32>
        %parallel_loop3A_337 = arith.constant -65536 : i32
        %parallel_loop3A_338 = vector.broadcast %parallel_loop3A_337 : i32 to vector<16xi32>
        %parallel_loop3A_339 = arith.andi %parallel_loop3A_332, %parallel_loop3A_338 : vector<16xi32>
        %parallel_loop3A_340 = tpu.bitcast %parallel_loop3A_339 : vector<16xi32> -> vector<16xf32>
        %parallel_loop3A_341 = arith.constant 16 : i32
        %parallel_loop3A_342 = vector.broadcast %parallel_loop3A_341 : i32 to vector<16xi32>
        %parallel_loop3A_343 = arith.shli %parallel_loop3A_328, %parallel_loop3A_342 : vector<16xi32>
        %parallel_loop3A_344 = tpu.bitcast %parallel_loop3A_343 : vector<16xi32> -> vector<16xf32>
        %parallel_loop3A_345 = arith.constant 16 : i32
        %parallel_loop3A_346 = vector.broadcast %parallel_loop3A_345 : i32 to vector<16xi32>
        %parallel_loop3A_347 = arith.shli %parallel_loop3A_332, %parallel_loop3A_346 : vector<16xi32>
        %parallel_loop3A_348 = tpu.bitcast %parallel_loop3A_347 : vector<16xi32> -> vector<16xf32>
        %parallel_loop3A_349 = arith.subf %parallel_loop3A_336, %parallel_loop3A_340 : vector<16xf32>
        %parallel_loop3A_350 = arith.subf %parallel_loop3A_344, %parallel_loop3A_348 : vector<16xf32>
        %parallel_loop3A_351 = arith.mulf %parallel_loop3A_349, %parallel_loop3A_349 : vector<16xf32>
        %parallel_loop3A_352 = arith.addf %parallel_loop3A_289, %parallel_loop3A_351 : vector<16xf32>
        %parallel_loop3A_353 = arith.mulf %parallel_loop3A_350, %parallel_loop3A_350 : vector<16xf32>
        %parallel_loop3A_354 = arith.addf %parallel_loop3A_290, %parallel_loop3A_353 : vector<16xf32>
        %parallel_loop3A_355 = arith.index_cast %parallel_loop3A_286 : i32 to index
        %parallel_loop3A_356 = arith.constant 32 : index
        %parallel_loop3A_357 = tpu.vector_load %arg7[%parallel_loop3A_355, %parallel_loop3A_356] {strides = array<i32>} : memref<64x64xi32, #tpu.memory_space<vmem>>, vector<1x16xi32>,
        %parallel_loop3A_358 = vector.shape_cast %parallel_loop3A_357 : vector<1x16xi32> to vector<16xi32>
        %parallel_loop3A_359 = arith.index_cast %parallel_loop3A_286 : i32 to index
        %parallel_loop3A_360 = arith.constant 32 : index
        %parallel_loop3A_361 = tpu.vector_load %arg8[%parallel_loop3A_359, %parallel_loop3A_360] {strides = array<i32>} : memref<64x64xi32, #tpu.memory_space<vmem>>, vector<1x16xi32>,
        %parallel_loop3A_362 = vector.shape_cast %parallel_loop3A_361 : vector<1x16xi32> to vector<16xi32>
        %parallel_loop3A_363 = arith.constant -65536 : i32
        %parallel_loop3A_364 = vector.broadcast %parallel_loop3A_363 : i32 to vector<16xi32>
        %parallel_loop3A_365 = arith.andi %parallel_loop3A_358, %parallel_loop3A_364 : vector<16xi32>
        %parallel_loop3A_366 = tpu.bitcast %parallel_loop3A_365 : vector<16xi32> -> vector<16xf32>
        %parallel_loop3A_367 = arith.constant -65536 : i32
        %parallel_loop3A_368 = vector.broadcast %parallel_loop3A_367 : i32 to vector<16xi32>
        %parallel_loop3A_369 = arith.andi %parallel_loop3A_362, %parallel_loop3A_368 : vector<16xi32>
        %parallel_loop3A_370 = tpu.bitcast %parallel_loop3A_369 : vector<16xi32> -> vector<16xf32>
        %parallel_loop3A_371 = arith.constant 16 : i32
        %parallel_loop3A_372 = vector.broadcast %parallel_loop3A_371 : i32 to vector<16xi32>
        %parallel_loop3A_373 = arith.shli %parallel_loop3A_358, %parallel_loop3A_372 : vector<16xi32>
        %parallel_loop3A_374 = tpu.bitcast %parallel_loop3A_373 : vector<16xi32> -> vector<16xf32>
        %parallel_loop3A_375 = arith.constant 16 : i32
        %parallel_loop3A_376 = vector.broadcast %parallel_loop3A_375 : i32 to vector<16xi32>
        %parallel_loop3A_377 = arith.shli %parallel_loop3A_362, %parallel_loop3A_376 : vector<16xi32>
        %parallel_loop3A_378 = tpu.bitcast %parallel_loop3A_377 : vector<16xi32> -> vector<16xf32>
        %parallel_loop3A_379 = arith.subf %parallel_loop3A_366, %parallel_loop3A_370 : vector<16xf32>
        %parallel_loop3A_380 = arith.subf %parallel_loop3A_374, %parallel_loop3A_378 : vector<16xf32>
        %parallel_loop3A_381 = arith.mulf %parallel_loop3A_379, %parallel_loop3A_379 : vector<16xf32>
        %parallel_loop3A_382 = arith.addf %parallel_loop3A_291, %parallel_loop3A_381 : vector<16xf32>
        %parallel_loop3A_383 = arith.mulf %parallel_loop3A_380, %parallel_loop3A_380 : vector<16xf32>
        %parallel_loop3A_384 = arith.addf %parallel_loop3A_292, %parallel_loop3A_383 : vector<16xf32>
        %parallel_loop3A_385 = arith.index_cast %parallel_loop3A_286 : i32 to index
        %parallel_loop3A_386 = arith.constant 48 : index
        %parallel_loop3A_387 = tpu.vector_load %arg7[%parallel_loop3A_385, %parallel_loop3A_386] {strides = array<i32>} : memref<64x64xi32, #tpu.memory_space<vmem>>, vector<1x16xi32>,
        %parallel_loop3A_388 = vector.shape_cast %parallel_loop3A_387 : vector<1x16xi32> to vector<16xi32>
        %parallel_loop3A_389 = arith.index_cast %parallel_loop3A_286 : i32 to index
        %parallel_loop3A_390 = arith.constant 48 : index
        %parallel_loop3A_391 = tpu.vector_load %arg8[%parallel_loop3A_389, %parallel_loop3A_390] {strides = array<i32>} : memref<64x64xi32, #tpu.memory_space<vmem>>, vector<1x16xi32>,
        %parallel_loop3A_392 = vector.shape_cast %parallel_loop3A_391 : vector<1x16xi32> to vector<16xi32>
        %parallel_loop3A_393 = arith.constant -65536 : i32
        %parallel_loop3A_394 = vector.broadcast %parallel_loop3A_393 : i32 to vector<16xi32>
        %parallel_loop3A_395 = arith.andi %parallel_loop3A_388, %parallel_loop3A_394 : vector<16xi32>
        %parallel_loop3A_396 = tpu.bitcast %parallel_loop3A_395 : vector<16xi32> -> vector<16xf32>
        %parallel_loop3A_397 = arith.constant -65536 : i32
        %parallel_loop3A_398 = vector.broadcast %parallel_loop3A_397 : i32 to vector<16xi32>
        %parallel_loop3A_399 = arith.andi %parallel_loop3A_392, %parallel_loop3A_398 : vector<16xi32>
        %parallel_loop3A_400 = tpu.bitcast %parallel_loop3A_399 : vector<16xi32> -> vector<16xf32>
        %parallel_loop3A_401 = arith.constant 16 : i32
        %parallel_loop3A_402 = vector.broadcast %parallel_loop3A_401 : i32 to vector<16xi32>
        %parallel_loop3A_403 = arith.shli %parallel_loop3A_388, %parallel_loop3A_402 : vector<16xi32>
        %parallel_loop3A_404 = tpu.bitcast %parallel_loop3A_403 : vector<16xi32> -> vector<16xf32>
        %parallel_loop3A_405 = arith.constant 16 : i32
        %parallel_loop3A_406 = vector.broadcast %parallel_loop3A_405 : i32 to vector<16xi32>
        %parallel_loop3A_407 = arith.shli %parallel_loop3A_392, %parallel_loop3A_406 : vector<16xi32>
        %parallel_loop3A_408 = tpu.bitcast %parallel_loop3A_407 : vector<16xi32> -> vector<16xf32>
        %parallel_loop3A_409 = arith.subf %parallel_loop3A_396, %parallel_loop3A_400 : vector<16xf32>
        %parallel_loop3A_410 = arith.subf %parallel_loop3A_404, %parallel_loop3A_408 : vector<16xf32>
        %parallel_loop3A_411 = arith.mulf %parallel_loop3A_409, %parallel_loop3A_409 : vector<16xf32>
        %parallel_loop3A_412 = arith.addf %parallel_loop3A_293, %parallel_loop3A_411 : vector<16xf32>
        %parallel_loop3A_413 = arith.mulf %parallel_loop3A_410, %parallel_loop3A_410 : vector<16xf32>
        %parallel_loop3A_414 = arith.addf %parallel_loop3A_294, %parallel_loop3A_413 : vector<16xf32>
        scf.yield %parallel_loop3A_322, %parallel_loop3A_324, %parallel_loop3A_352, %parallel_loop3A_354, %parallel_loop3A_382, %parallel_loop3A_384, %parallel_loop3A_412, %parallel_loop3A_414 : vector<16xf32>, vector<16xf32>, vector<16xf32>, vector<16xf32>, vector<16xf32>, vector<16xf32>, vector<16xf32>, vector<16xf32>
      } {sc.loop_unroll_factor = 1 : i64, sc.parallel_access}
      %add3A_251 = arith.constant 1 : i32
      %add3A_252 = arith.addi %scan3A_224, %add3A_251 : i32
      %lt3A = arith.constant 16 : i32
      %lt3A_253 = arith.cmpi slt, %add3A_252, %lt3A : i32
      %convert_element_type3A_254 = arith.extui %lt3A_253 : i1 to i32
      %cond3A_255 = arith.constant 0 : i32
      %cond3A_256 = arith.cmpi ne, %convert_element_type3A_254, %cond3A_255 : i32
      scf.if %cond3A_256 {
        %mul3A_286 = arith.constant 2 : i32
        %mul3A_287 = arith.muli %mul3A_286, %scan3A_224 : i32
        %add3A_288 = arith.constant 2 : i32
        %add3A_289 = arith.addi %mul3A_287, %add3A_288 : i32
        %dma_start3A_290 = arith.constant 0 : i32
        %dma_start3A_291 = arith.constant 0 : i32
        %dma_start3A_292 = tpu.memref_slice %arg6[%add3A_289, %dma_start3A_290, %dma_start3A_291] : memref<32x2x64xi32, #tpu.memory_space<vmem>> -> memref<1x1x64xi32, #tpu.memory_space<vmem>>
        %dma_start3A_293 = tpu.memref_squeeze %dma_start3A_292 : memref<1x1x64xi32, #tpu.memory_space<vmem>> -> memref<64xi32, #tpu.memory_space<vmem>>
        %dma_start3A_294 = arith.constant 0 : i32
        %dma_start3A_295 = arith.constant 0 : i32
        %dma_start3A_296 = tpu.memref_slice %arg12[%dma_start3A_294, %dma_start3A_295] : memref<10000x64xi32, #tpu.memory_space<vmem_shared>> -> memref<10000x64xi32, #tpu.memory_space<vmem_shared>>
        tpu.enqueue_indirect_dma source(%dma_start3A_296 : memref<10000x64xi32, #tpu.memory_space<vmem_shared>>) target(%arg7 : memref<64x64xi32, #tpu.memory_space<vmem>>) offsets(%dma_start3A_293 : memref<64xi32, #tpu.memory_space<vmem>>) semaphore(%arg13 : memref<!tpu.dma_semaphore, #tpu.memory_space<semaphore_mem>>)
        %dma_start3A_297 = arith.constant 1 : i32
        %dma_start3A_298 = arith.constant 0 : i32
        %dma_start3A_299 = tpu.memref_slice %arg6[%add3A_289, %dma_start3A_297, %dma_start3A_298] : memref<32x2x64xi32, #tpu.memory_space<vmem>> -> memref<1x1x64xi32, #tpu.memory_space<vmem>>
        %dma_start3A_300 = tpu.memref_squeeze %dma_start3A_299 : memref<1x1x64xi32, #tpu.memory_space<vmem>> -> memref<64xi32, #tpu.memory_space<vmem>>
        %dma_start3A_301 = arith.constant 0 : i32
        %dma_start3A_302 = arith.constant 0 : i32
        %dma_start3A_303 = tpu.memref_slice %arg12[%dma_start3A_301, %dma_start3A_302] : memref<10000x64xi32, #tpu.memory_space<vmem_shared>> -> memref<10000x64xi32, #tpu.memory_space<vmem_shared>>
        tpu.enqueue_indirect_dma source(%dma_start3A_303 : memref<10000x64xi32, #tpu.memory_space<vmem_shared>>) target(%arg8 : memref<64x64xi32, #tpu.memory_space<vmem>>) offsets(%dma_start3A_300 : memref<64xi32, #tpu.memory_space<vmem>>) semaphore(%arg13 : memref<!tpu.dma_semaphore, #tpu.memory_space<semaphore_mem>>)
      } else {
      }
      %mul3A_257 = arith.constant 2 : i32
      %mul3A_258 = arith.muli %mul3A_257, %scan3A_224 : i32
      %add3A_259 = arith.constant 1 : i32
      %add3A_260 = arith.addi %mul3A_258, %add3A_259 : i32
      %dma_wait3A_261 = arith.constant 0 : i32
      %dma_wait3A_262 = arith.constant 0 : i32
      %dma_wait3A_263 = tpu.memref_slice %arg6[%add3A_260, %dma_wait3A_261, %dma_wait3A_262] : memref<32x2x64xi32, #tpu.memory_space<vmem>> -> memref<1x1x64xi32, #tpu.memory_space<vmem>>
      %dma_wait3A_264 = tpu.memref_squeeze %dma_wait3A_263 : memref<1x1x64xi32, #tpu.memory_space<vmem>> -> memref<64xi32, #tpu.memory_space<vmem>>
      %dma_wait3A_265 = arith.constant 0 : i32
      %dma_wait3A_266 = arith.constant 0 : i32
      %dma_wait3A_267 = tpu.memref_slice %arg12[%dma_wait3A_265, %dma_wait3A_266] : memref<10000x64xi32, #tpu.memory_space<vmem_shared>> -> memref<10000x64xi32, #tpu.memory_space<vmem_shared>>
      tpu.wait_indirect_dma semaphore(%arg14 : memref<!tpu.dma_semaphore, #tpu.memory_space<semaphore_mem>>) src(%dma_wait3A_267 : memref<10000x64xi32, #tpu.memory_space<vmem_shared>>) dst(%arg9 : memref<64x64xi32, #tpu.memory_space<vmem>>)
      %dma_wait3A_268 = arith.constant 1 : i32
      %dma_wait3A_269 = arith.constant 0 : i32
      %dma_wait3A_270 = tpu.memref_slice %arg6[%add3A_260, %dma_wait3A_268, %dma_wait3A_269] : memref<32x2x64xi32, #tpu.memory_space<vmem>> -> memref<1x1x64xi32, #tpu.memory_space<vmem>>
      %dma_wait3A_271 = tpu.memref_squeeze %dma_wait3A_270 : memref<1x1x64xi32, #tpu.memory_space<vmem>> -> memref<64xi32, #tpu.memory_space<vmem>>
      %dma_wait3A_272 = arith.constant 0 : i32
      %dma_wait3A_273 = arith.constant 0 : i32
      %dma_wait3A_274 = tpu.memref_slice %arg12[%dma_wait3A_272, %dma_wait3A_273] : memref<10000x64xi32, #tpu.memory_space<vmem_shared>> -> memref<10000x64xi32, #tpu.memory_space<vmem_shared>>
      tpu.wait_indirect_dma semaphore(%arg14 : memref<!tpu.dma_semaphore, #tpu.memory_space<semaphore_mem>>) src(%dma_wait3A_274 : memref<10000x64xi32, #tpu.memory_space<vmem_shared>>) dst(%arg10 : memref<64x64xi32, #tpu.memory_space<vmem>>)
      %parallel_loop3A_275 = arith.constant 0 : i32
      %parallel_loop3A_276 = arith.constant 64 : i32
      %parallel_loop3A_277 = arith.constant 1 : i32
      %parallel_loop3A_278:8 = scf.for %parallel_loop3A_286 = %parallel_loop3A_275 to %parallel_loop3A_276 step %parallel_loop3A_277 iter_args(%parallel_loop3A_287 = %parallel_loop3A_250#0, %parallel_loop3A_288 = %parallel_loop3A_250#1, %parallel_loop3A_289 = %parallel_loop3A_250#2, %parallel_loop3A_290 = %parallel_loop3A_250#3, %parallel_loop3A_291 = %parallel_loop3A_250#4, %parallel_loop3A_292 = %parallel_loop3A_250#5, %parallel_loop3A_293 = %parallel_loop3A_250#6, %parallel_loop3A_294 = %parallel_loop3A_250#7) -> (vector<16xf32>, vector<16xf32>, vector<16xf32>, vector<16xf32>, vector<16xf32>, vector<16xf32>, vector<16xf32>, vector<16xf32>)  : i32 {
        %parallel_loop3A_295 = arith.index_cast %parallel_loop3A_286 : i32 to index
        %parallel_loop3A_296 = arith.constant 0 : index
        %parallel_loop3A_297 = tpu.vector_load %arg9[%parallel_loop3A_295, %parallel_loop3A_296] {strides = array<i32>} : memref<64x64xi32, #tpu.memory_space<vmem>>, vector<1x16xi32>,
        %parallel_loop3A_298 = vector.shape_cast %parallel_loop3A_297 : vector<1x16xi32> to vector<16xi32>
        %parallel_loop3A_299 = arith.index_cast %parallel_loop3A_286 : i32 to index
        %parallel_loop3A_300 = arith.constant 0 : index
        %parallel_loop3A_301 = tpu.vector_load %arg10[%parallel_loop3A_299, %parallel_loop3A_300] {strides = array<i32>} : memref<64x64xi32, #tpu.memory_space<vmem>>, vector<1x16xi32>,
        %parallel_loop3A_302 = vector.shape_cast %parallel_loop3A_301 : vector<1x16xi32> to vector<16xi32>
        %parallel_loop3A_303 = arith.constant -65536 : i32
        %parallel_loop3A_304 = vector.broadcast %parallel_loop3A_303 : i32 to vector<16xi32>
        %parallel_loop3A_305 = arith.andi %parallel_loop3A_298, %parallel_loop3A_304 : vector<16xi32>
        %parallel_loop3A_306 = tpu.bitcast %parallel_loop3A_305 : vector<16xi32> -> vector<16xf32>
        %parallel_loop3A_307 = arith.constant -65536 : i32
        %parallel_loop3A_308 = vector.broadcast %parallel_loop3A_307 : i32 to vector<16xi32>
        %parallel_loop3A_309 = arith.andi %parallel_loop3A_302, %parallel_loop3A_308 : vector<16xi32>
        %parallel_loop3A_310 = tpu.bitcast %parallel_loop3A_309 : vector<16xi32> -> vector<16xf32>
        %parallel_loop3A_311 = arith.constant 16 : i32
        %parallel_loop3A_312 = vector.broadcast %parallel_loop3A_311 : i32 to vector<16xi32>
        %parallel_loop3A_313 = arith.shli %parallel_loop3A_298, %parallel_loop3A_312 : vector<16xi32>
        %parallel_loop3A_314 = tpu.bitcast %parallel_loop3A_313 : vector<16xi32> -> vector<16xf32>
        %parallel_loop3A_315 = arith.constant 16 : i32
        %parallel_loop3A_316 = vector.broadcast %parallel_loop3A_315 : i32 to vector<16xi32>
        %parallel_loop3A_317 = arith.shli %parallel_loop3A_302, %parallel_loop3A_316 : vector<16xi32>
        %parallel_loop3A_318 = tpu.bitcast %parallel_loop3A_317 : vector<16xi32> -> vector<16xf32>
        %parallel_loop3A_319 = arith.subf %parallel_loop3A_306, %parallel_loop3A_310 : vector<16xf32>
        %parallel_loop3A_320 = arith.subf %parallel_loop3A_314, %parallel_loop3A_318 : vector<16xf32>
        %parallel_loop3A_321 = arith.mulf %parallel_loop3A_319, %parallel_loop3A_319 : vector<16xf32>
        %parallel_loop3A_322 = arith.addf %parallel_loop3A_287, %parallel_loop3A_321 : vector<16xf32>
        %parallel_loop3A_323 = arith.mulf %parallel_loop3A_320, %parallel_loop3A_320 : vector<16xf32>
        %parallel_loop3A_324 = arith.addf %parallel_loop3A_288, %parallel_loop3A_323 : vector<16xf32>
        %parallel_loop3A_325 = arith.index_cast %parallel_loop3A_286 : i32 to index
        %parallel_loop3A_326 = arith.constant 16 : index
        %parallel_loop3A_327 = tpu.vector_load %arg9[%parallel_loop3A_325, %parallel_loop3A_326] {strides = array<i32>} : memref<64x64xi32, #tpu.memory_space<vmem>>, vector<1x16xi32>,
        %parallel_loop3A_328 = vector.shape_cast %parallel_loop3A_327 : vector<1x16xi32> to vector<16xi32>
        %parallel_loop3A_329 = arith.index_cast %parallel_loop3A_286 : i32 to index
        %parallel_loop3A_330 = arith.constant 16 : index
        %parallel_loop3A_331 = tpu.vector_load %arg10[%parallel_loop3A_329, %parallel_loop3A_330] {strides = array<i32>} : memref<64x64xi32, #tpu.memory_space<vmem>>, vector<1x16xi32>,
        %parallel_loop3A_332 = vector.shape_cast %parallel_loop3A_331 : vector<1x16xi32> to vector<16xi32>
        %parallel_loop3A_333 = arith.constant -65536 : i32
        %parallel_loop3A_334 = vector.broadcast %parallel_loop3A_333 : i32 to vector<16xi32>
        %parallel_loop3A_335 = arith.andi %parallel_loop3A_328, %parallel_loop3A_334 : vector<16xi32>
        %parallel_loop3A_336 = tpu.bitcast %parallel_loop3A_335 : vector<16xi32> -> vector<16xf32>
        %parallel_loop3A_337 = arith.constant -65536 : i32
        %parallel_loop3A_338 = vector.broadcast %parallel_loop3A_337 : i32 to vector<16xi32>
        %parallel_loop3A_339 = arith.andi %parallel_loop3A_332, %parallel_loop3A_338 : vector<16xi32>
        %parallel_loop3A_340 = tpu.bitcast %parallel_loop3A_339 : vector<16xi32> -> vector<16xf32>
        %parallel_loop3A_341 = arith.constant 16 : i32
        %parallel_loop3A_342 = vector.broadcast %parallel_loop3A_341 : i32 to vector<16xi32>
        %parallel_loop3A_343 = arith.shli %parallel_loop3A_328, %parallel_loop3A_342 : vector<16xi32>
        %parallel_loop3A_344 = tpu.bitcast %parallel_loop3A_343 : vector<16xi32> -> vector<16xf32>
        %parallel_loop3A_345 = arith.constant 16 : i32
        %parallel_loop3A_346 = vector.broadcast %parallel_loop3A_345 : i32 to vector<16xi32>
        %parallel_loop3A_347 = arith.shli %parallel_loop3A_332, %parallel_loop3A_346 : vector<16xi32>
        %parallel_loop3A_348 = tpu.bitcast %parallel_loop3A_347 : vector<16xi32> -> vector<16xf32>
        %parallel_loop3A_349 = arith.subf %parallel_loop3A_336, %parallel_loop3A_340 : vector<16xf32>
        %parallel_loop3A_350 = arith.subf %parallel_loop3A_344, %parallel_loop3A_348 : vector<16xf32>
        %parallel_loop3A_351 = arith.mulf %parallel_loop3A_349, %parallel_loop3A_349 : vector<16xf32>
        %parallel_loop3A_352 = arith.addf %parallel_loop3A_289, %parallel_loop3A_351 : vector<16xf32>
        %parallel_loop3A_353 = arith.mulf %parallel_loop3A_350, %parallel_loop3A_350 : vector<16xf32>
        %parallel_loop3A_354 = arith.addf %parallel_loop3A_290, %parallel_loop3A_353 : vector<16xf32>
        %parallel_loop3A_355 = arith.index_cast %parallel_loop3A_286 : i32 to index
        %parallel_loop3A_356 = arith.constant 32 : index
        %parallel_loop3A_357 = tpu.vector_load %arg9[%parallel_loop3A_355, %parallel_loop3A_356] {strides = array<i32>} : memref<64x64xi32, #tpu.memory_space<vmem>>, vector<1x16xi32>,
        %parallel_loop3A_358 = vector.shape_cast %parallel_loop3A_357 : vector<1x16xi32> to vector<16xi32>
        %parallel_loop3A_359 = arith.index_cast %parallel_loop3A_286 : i32 to index
        %parallel_loop3A_360 = arith.constant 32 : index
        %parallel_loop3A_361 = tpu.vector_load %arg10[%parallel_loop3A_359, %parallel_loop3A_360] {strides = array<i32>} : memref<64x64xi32, #tpu.memory_space<vmem>>, vector<1x16xi32>,
        %parallel_loop3A_362 = vector.shape_cast %parallel_loop3A_361 : vector<1x16xi32> to vector<16xi32>
        %parallel_loop3A_363 = arith.constant -65536 : i32
        %parallel_loop3A_364 = vector.broadcast %parallel_loop3A_363 : i32 to vector<16xi32>
        %parallel_loop3A_365 = arith.andi %parallel_loop3A_358, %parallel_loop3A_364 : vector<16xi32>
        %parallel_loop3A_366 = tpu.bitcast %parallel_loop3A_365 : vector<16xi32> -> vector<16xf32>
        %parallel_loop3A_367 = arith.constant -65536 : i32
        %parallel_loop3A_368 = vector.broadcast %parallel_loop3A_367 : i32 to vector<16xi32>
        %parallel_loop3A_369 = arith.andi %parallel_loop3A_362, %parallel_loop3A_368 : vector<16xi32>
        %parallel_loop3A_370 = tpu.bitcast %parallel_loop3A_369 : vector<16xi32> -> vector<16xf32>
        %parallel_loop3A_371 = arith.constant 16 : i32
        %parallel_loop3A_372 = vector.broadcast %parallel_loop3A_371 : i32 to vector<16xi32>
        %parallel_loop3A_373 = arith.shli %parallel_loop3A_358, %parallel_loop3A_372 : vector<16xi32>
        %parallel_loop3A_374 = tpu.bitcast %parallel_loop3A_373 : vector<16xi32> -> vector<16xf32>
        %parallel_loop3A_375 = arith.constant 16 : i32
        %parallel_loop3A_376 = vector.broadcast %parallel_loop3A_375 : i32 to vector<16xi32>
        %parallel_loop3A_377 = arith.shli %parallel_loop3A_362, %parallel_loop3A_376 : vector<16xi32>
        %parallel_loop3A_378 = tpu.bitcast %parallel_loop3A_377 : vector<16xi32> -> vector<16xf32>
        %parallel_loop3A_379 = arith.subf %parallel_loop3A_366, %parallel_loop3A_370 : vector<16xf32>
        %parallel_loop3A_380 = arith.subf %parallel_loop3A_374, %parallel_loop3A_378 : vector<16xf32>
        %parallel_loop3A_381 = arith.mulf %parallel_loop3A_379, %parallel_loop3A_379 : vector<16xf32>
        %parallel_loop3A_382 = arith.addf %parallel_loop3A_291, %parallel_loop3A_381 : vector<16xf32>
        %parallel_loop3A_383 = arith.mulf %parallel_loop3A_380, %parallel_loop3A_380 : vector<16xf32>
        %parallel_loop3A_384 = arith.addf %parallel_loop3A_292, %parallel_loop3A_383 : vector<16xf32>
        %parallel_loop3A_385 = arith.index_cast %parallel_loop3A_286 : i32 to index
        %parallel_loop3A_386 = arith.constant 48 : index
        %parallel_loop3A_387 = tpu.vector_load %arg9[%parallel_loop3A_385, %parallel_loop3A_386] {strides = array<i32>} : memref<64x64xi32, #tpu.memory_space<vmem>>, vector<1x16xi32>,
        %parallel_loop3A_388 = vector.shape_cast %parallel_loop3A_387 : vector<1x16xi32> to vector<16xi32>
        %parallel_loop3A_389 = arith.index_cast %parallel_loop3A_286 : i32 to index
        %parallel_loop3A_390 = arith.constant 48 : index
        %parallel_loop3A_391 = tpu.vector_load %arg10[%parallel_loop3A_389, %parallel_loop3A_390] {strides = array<i32>} : memref<64x64xi32, #tpu.memory_space<vmem>>, vector<1x16xi32>,
        %parallel_loop3A_392 = vector.shape_cast %parallel_loop3A_391 : vector<1x16xi32> to vector<16xi32>
        %parallel_loop3A_393 = arith.constant -65536 : i32
        %parallel_loop3A_394 = vector.broadcast %parallel_loop3A_393 : i32 to vector<16xi32>
        %parallel_loop3A_395 = arith.andi %parallel_loop3A_388, %parallel_loop3A_394 : vector<16xi32>
        %parallel_loop3A_396 = tpu.bitcast %parallel_loop3A_395 : vector<16xi32> -> vector<16xf32>
        %parallel_loop3A_397 = arith.constant -65536 : i32
        %parallel_loop3A_398 = vector.broadcast %parallel_loop3A_397 : i32 to vector<16xi32>
        %parallel_loop3A_399 = arith.andi %parallel_loop3A_392, %parallel_loop3A_398 : vector<16xi32>
        %parallel_loop3A_400 = tpu.bitcast %parallel_loop3A_399 : vector<16xi32> -> vector<16xf32>
        %parallel_loop3A_401 = arith.constant 16 : i32
        %parallel_loop3A_402 = vector.broadcast %parallel_loop3A_401 : i32 to vector<16xi32>
        %parallel_loop3A_403 = arith.shli %parallel_loop3A_388, %parallel_loop3A_402 : vector<16xi32>
        %parallel_loop3A_404 = tpu.bitcast %parallel_loop3A_403 : vector<16xi32> -> vector<16xf32>
        %parallel_loop3A_405 = arith.constant 16 : i32
        %parallel_loop3A_406 = vector.broadcast %parallel_loop3A_405 : i32 to vector<16xi32>
        %parallel_loop3A_407 = arith.shli %parallel_loop3A_392, %parallel_loop3A_406 : vector<16xi32>
        %parallel_loop3A_408 = tpu.bitcast %parallel_loop3A_407 : vector<16xi32> -> vector<16xf32>
        %parallel_loop3A_409 = arith.subf %parallel_loop3A_396, %parallel_loop3A_400 : vector<16xf32>
        %parallel_loop3A_410 = arith.subf %parallel_loop3A_404, %parallel_loop3A_408 : vector<16xf32>
        %parallel_loop3A_411 = arith.mulf %parallel_loop3A_409, %parallel_loop3A_409 : vector<16xf32>
        %parallel_loop3A_412 = arith.addf %parallel_loop3A_293, %parallel_loop3A_411 : vector<16xf32>
        %parallel_loop3A_413 = arith.mulf %parallel_loop3A_410, %parallel_loop3A_410 : vector<16xf32>
        %parallel_loop3A_414 = arith.addf %parallel_loop3A_294, %parallel_loop3A_413 : vector<16xf32>
        scf.yield %parallel_loop3A_322, %parallel_loop3A_324, %parallel_loop3A_352, %parallel_loop3A_354, %parallel_loop3A_382, %parallel_loop3A_384, %parallel_loop3A_412, %parallel_loop3A_414 : vector<16xf32>, vector<16xf32>, vector<16xf32>, vector<16xf32>, vector<16xf32>, vector<16xf32>, vector<16xf32>, vector<16xf32>
      } {sc.loop_unroll_factor = 1 : i64, sc.parallel_access}
      %add3A_279 = arith.constant 1 : i32
      %add3A_280 = arith.addi %scan3A_224, %add3A_279 : i32
      %lt3A_281 = arith.constant 16 : i32
      %lt3A_282 = arith.cmpi slt, %add3A_280, %lt3A_281 : i32
      %convert_element_type3A_283 = arith.extui %lt3A_282 : i1 to i32
      %cond3A_284 = arith.constant 0 : i32
      %cond3A_285 = arith.cmpi ne, %convert_element_type3A_283, %cond3A_284 : i32
      scf.if %cond3A_285 {
        %mul3A_286 = arith.constant 2 : i32
        %mul3A_287 = arith.muli %mul3A_286, %scan3A_224 : i32
        %add3A_288 = arith.constant 3 : i32
        %add3A_289 = arith.addi %mul3A_287, %add3A_288 : i32
        %dma_start3A_290 = arith.constant 0 : i32
        %dma_start3A_291 = arith.constant 0 : i32
        %dma_start3A_292 = tpu.memref_slice %arg6[%add3A_289, %dma_start3A_290, %dma_start3A_291] : memref<32x2x64xi32, #tpu.memory_space<vmem>> -> memref<1x1x64xi32, #tpu.memory_space<vmem>>
        %dma_start3A_293 = tpu.memref_squeeze %dma_start3A_292 : memref<1x1x64xi32, #tpu.memory_space<vmem>> -> memref<64xi32, #tpu.memory_space<vmem>>
        %dma_start3A_294 = arith.constant 0 : i32
        %dma_start3A_295 = arith.constant 0 : i32
        %dma_start3A_296 = tpu.memref_slice %arg12[%dma_start3A_294, %dma_start3A_295] : memref<10000x64xi32, #tpu.memory_space<vmem_shared>> -> memref<10000x64xi32, #tpu.memory_space<vmem_shared>>
        tpu.enqueue_indirect_dma source(%dma_start3A_296 : memref<10000x64xi32, #tpu.memory_space<vmem_shared>>) target(%arg9 : memref<64x64xi32, #tpu.memory_space<vmem>>) offsets(%dma_start3A_293 : memref<64xi32, #tpu.memory_space<vmem>>) semaphore(%arg14 : memref<!tpu.dma_semaphore, #tpu.memory_space<semaphore_mem>>)
        %dma_start3A_297 = arith.constant 1 : i32
        %dma_start3A_298 = arith.constant 0 : i32
        %dma_start3A_299 = tpu.memref_slice %arg6[%add3A_289, %dma_start3A_297, %dma_start3A_298] : memref<32x2x64xi32, #tpu.memory_space<vmem>> -> memref<1x1x64xi32, #tpu.memory_space<vmem>>
        %dma_start3A_300 = tpu.memref_squeeze %dma_start3A_299 : memref<1x1x64xi32, #tpu.memory_space<vmem>> -> memref<64xi32, #tpu.memory_space<vmem>>
        %dma_start3A_301 = arith.constant 0 : i32
        %dma_start3A_302 = arith.constant 0 : i32
        %dma_start3A_303 = tpu.memref_slice %arg12[%dma_start3A_301, %dma_start3A_302] : memref<10000x64xi32, #tpu.memory_space<vmem_shared>> -> memref<10000x64xi32, #tpu.memory_space<vmem_shared>>
        tpu.enqueue_indirect_dma source(%dma_start3A_303 : memref<10000x64xi32, #tpu.memory_space<vmem_shared>>) target(%arg10 : memref<64x64xi32, #tpu.memory_space<vmem>>) offsets(%dma_start3A_300 : memref<64xi32, #tpu.memory_space<vmem>>) semaphore(%arg14 : memref<!tpu.dma_semaphore, #tpu.memory_space<semaphore_mem>>)
      } else {
      }
      scf.yield %parallel_loop3A_278#0, %parallel_loop3A_278#1, %parallel_loop3A_278#2, %parallel_loop3A_278#3, %parallel_loop3A_278#4, %parallel_loop3A_278#5, %parallel_loop3A_278#6, %parallel_loop3A_278#7 : vector<16xf32>, vector<16xf32>, vector<16xf32>, vector<16xf32>, vector<16xf32>, vector<16xf32>, vector<16xf32>, vector<16xf32>
    }
    %scan3A_172 = arith.constant 16 : i32
    %run_scoped3A_173 = arith.constant 4 : i32
    "tpu.region"() ({
      %run_scoped3A_224 = tpu.sem_alloc : memref<!tpu.dma_semaphore, #tpu.memory_space<semaphore_mem>>
      %dma_start3A_225 = arith.constant 0 : i32
      %dma_start3A_226 = arith.constant 0 : i32
      %dma_start3A_227 = arith.constant 0 : i32
      %dma_start3A_228 = tpu.memref_slice %arg3[%add3A, %run_scoped3A_173, %dma_start3A_225, %dma_start3A_226, %dma_start3A_227] : memref<32x5x32x2x64xi32, #tpu.memory_space<hbm>> -> memref<1x1x32x2x64xi32, #tpu.memory_space<hbm>>
      %dma_start3A_229 = tpu.memref_squeeze %dma_start3A_228 : memref<1x1x32x2x64xi32, #tpu.memory_space<hbm>> -> memref<32x2x64xi32, #tpu.memory_space<hbm>>
      %dma_start3A_230 = arith.constant 0 : i32
      %dma_start3A_231 = arith.constant 0 : i32
      %dma_start3A_232 = arith.constant 0 : i32
      %dma_start3A_233 = tpu.memref_slice %arg3[%add3A, %run_scoped3A_173, %dma_start3A_230, %dma_start3A_231, %dma_start3A_232] : memref<32x5x32x2x64xi32, #tpu.memory_space<hbm>> -> memref<1x1x32x2x64xi32, #tpu.memory_space<hbm>>
      %dma_start3A_234 = tpu.memref_squeeze %dma_start3A_233 : memref<1x1x32x2x64xi32, #tpu.memory_space<hbm>> -> memref<32x2x64xi32, #tpu.memory_space<hbm>>
      tpu.enqueue_dma source(%dma_start3A_234 : memref<32x2x64xi32, #tpu.memory_space<hbm>>) target(%arg6 : memref<32x2x64xi32, #tpu.memory_space<vmem>>) target_semaphore(%run_scoped3A_224 : memref<!tpu.dma_semaphore, #tpu.memory_space<semaphore_mem>>)
      %dma_wait3A = arith.constant 0 : i32
      %dma_wait3A_235 = arith.constant 0 : i32
      %dma_wait3A_236 = arith.constant 0 : i32
      %dma_wait3A_237 = tpu.memref_slice %arg3[%add3A, %run_scoped3A_173, %dma_wait3A, %dma_wait3A_235, %dma_wait3A_236] : memref<32x5x32x2x64xi32, #tpu.memory_space<hbm>> -> memref<1x1x32x2x64xi32, #tpu.memory_space<hbm>>
      %dma_wait3A_238 = tpu.memref_squeeze %dma_wait3A_237 : memref<1x1x32x2x64xi32, #tpu.memory_space<hbm>> -> memref<32x2x64xi32, #tpu.memory_space<hbm>>
      %dma_wait3A_239 = arith.constant 0 : i32
      %dma_wait3A_240 = arith.constant 0 : i32
      %dma_wait3A_241 = arith.constant 0 : i32
      %dma_wait3A_242 = tpu.memref_slice %arg3[%add3A, %run_scoped3A_173, %dma_wait3A_239, %dma_wait3A_240, %dma_wait3A_241] : memref<32x5x32x2x64xi32, #tpu.memory_space<hbm>> -> memref<1x1x32x2x64xi32, #tpu.memory_space<hbm>>
      %dma_wait3A_243 = tpu.memref_squeeze %dma_wait3A_242 : memref<1x1x32x2x64xi32, #tpu.memory_space<hbm>> -> memref<32x2x64xi32, #tpu.memory_space<hbm>>
      tpu.wait_dma2 semaphore(%run_scoped3A_224 : memref<!tpu.dma_semaphore, #tpu.memory_space<semaphore_mem>>) src(%dma_wait3A_243 : memref<32x2x64xi32, #tpu.memory_space<hbm>>) dst(%arg6 : memref<32x2x64xi32, #tpu.memory_space<vmem>>)
      tpu.yield
    }) : () -> ()
    %dma_start3A_174 = arith.constant 0 : i32
    %dma_start3A_175 = arith.constant 0 : i32
    %dma_start3A_176 = arith.constant 0 : i32
    %dma_start3A_177 = tpu.memref_slice %arg6[%dma_start3A_174, %dma_start3A_175, %dma_start3A_176] : memref<32x2x64xi32, #tpu.memory_space<vmem>> -> memref<1x1x64xi32, #tpu.memory_space<vmem>>
    %dma_start3A_178 = tpu.memref_squeeze %dma_start3A_177 : memref<1x1x64xi32, #tpu.memory_space<vmem>> -> memref<64xi32, #tpu.memory_space<vmem>>
    %dma_start3A_179 = arith.constant 0 : i32
    %dma_start3A_180 = arith.constant 0 : i32
    %dma_start3A_181 = tpu.memref_slice %arg12[%dma_start3A_179, %dma_start3A_180] : memref<10000x64xi32, #tpu.memory_space<vmem_shared>> -> memref<10000x64xi32, #tpu.memory_space<vmem_shared>>
    tpu.enqueue_indirect_dma source(%dma_start3A_181 : memref<10000x64xi32, #tpu.memory_space<vmem_shared>>) target(%arg7 : memref<64x64xi32, #tpu.memory_space<vmem>>) offsets(%dma_start3A_178 : memref<64xi32, #tpu.memory_space<vmem>>) semaphore(%arg13 : memref<!tpu.dma_semaphore, #tpu.memory_space<semaphore_mem>>)
    %dma_start3A_182 = arith.constant 0 : i32
    %dma_start3A_183 = arith.constant 1 : i32
    %dma_start3A_184 = arith.constant 0 : i32
    %dma_start3A_185 = tpu.memref_slice %arg6[%dma_start3A_182, %dma_start3A_183, %dma_start3A_184] : memref<32x2x64xi32, #tpu.memory_space<vmem>> -> memref<1x1x64xi32, #tpu.memory_space<vmem>>
    %dma_start3A_186 = tpu.memref_squeeze %dma_start3A_185 : memref<1x1x64xi32, #tpu.memory_space<vmem>> -> memref<64xi32, #tpu.memory_space<vmem>>
    %dma_start3A_187 = arith.constant 0 : i32
    %dma_start3A_188 = arith.constant 0 : i32
    %dma_start3A_189 = tpu.memref_slice %arg12[%dma_start3A_187, %dma_start3A_188] : memref<10000x64xi32, #tpu.memory_space<vmem_shared>> -> memref<10000x64xi32, #tpu.memory_space<vmem_shared>>
    tpu.enqueue_indirect_dma source(%dma_start3A_189 : memref<10000x64xi32, #tpu.memory_space<vmem_shared>>) target(%arg8 : memref<64x64xi32, #tpu.memory_space<vmem>>) offsets(%dma_start3A_186 : memref<64xi32, #tpu.memory_space<vmem>>) semaphore(%arg13 : memref<!tpu.dma_semaphore, #tpu.memory_space<semaphore_mem>>)
    %dma_start3A_190 = arith.constant 1 : i32
    %dma_start3A_191 = arith.constant 0 : i32
    %dma_start3A_192 = arith.constant 0 : i32
    %dma_start3A_193 = tpu.memref_slice %arg6[%dma_start3A_190, %dma_start3A_191, %dma_start3A_192] : memref<32x2x64xi32, #tpu.memory_space<vmem>> -> memref<1x1x64xi32, #tpu.memory_space<vmem>>
    %dma_start3A_194 = tpu.memref_squeeze %dma_start3A_193 : memref<1x1x64xi32, #tpu.memory_space<vmem>> -> memref<64xi32, #tpu.memory_space<vmem>>
    %dma_start3A_195 = arith.constant 0 : i32
    %dma_start3A_196 = arith.constant 0 : i32
    %dma_start3A_197 = tpu.memref_slice %arg12[%dma_start3A_195, %dma_start3A_196] : memref<10000x64xi32, #tpu.memory_space<vmem_shared>> -> memref<10000x64xi32, #tpu.memory_space<vmem_shared>>
    tpu.enqueue_indirect_dma source(%dma_start3A_197 : memref<10000x64xi32, #tpu.memory_space<vmem_shared>>) target(%arg9 : memref<64x64xi32, #tpu.memory_space<vmem>>) offsets(%dma_start3A_194 : memref<64xi32, #tpu.memory_space<vmem>>) semaphore(%arg14 : memref<!tpu.dma_semaphore, #tpu.memory_space<semaphore_mem>>)
    %dma_start3A_198 = arith.constant 1 : i32
    %dma_start3A_199 = arith.constant 1 : i32
    %dma_start3A_200 = arith.constant 0 : i32
    %dma_start3A_201 = tpu.memref_slice %arg6[%dma_start3A_198, %dma_start3A_199, %dma_start3A_200] : memref<32x2x64xi32, #tpu.memory_space<vmem>> -> memref<1x1x64xi32, #tpu.memory_space<vmem>>
    %dma_start3A_202 = tpu.memref_squeeze %dma_start3A_201 : memref<1x1x64xi32, #tpu.memory_space<vmem>> -> memref<64xi32, #tpu.memory_space<vmem>>
    %dma_start3A_203 = arith.constant 0 : i32
    %dma_start3A_204 = arith.constant 0 : i32
    %dma_start3A_205 = tpu.memref_slice %arg12[%dma_start3A_203, %dma_start3A_204] : memref<10000x64xi32, #tpu.memory_space<vmem_shared>> -> memref<10000x64xi32, #tpu.memory_space<vmem_shared>>
    tpu.enqueue_indirect_dma source(%dma_start3A_205 : memref<10000x64xi32, #tpu.memory_space<vmem_shared>>) target(%arg10 : memref<64x64xi32, #tpu.memory_space<vmem>>) offsets(%dma_start3A_202 : memref<64xi32, #tpu.memory_space<vmem>>) semaphore(%arg14 : memref<!tpu.dma_semaphore, #tpu.memory_space<semaphore_mem>>)
    %scan3A_206 = arith.constant 0 : i32
    %scan3A_207 = arith.constant 16 : i32
    %scan3A_208 = arith.addi %scan3A_206, %scan3A_207 : i32
    %scan3A_209 = arith.constant 1 : i32
    %scan3A_210:8 = scf.for %scan3A_224 = %scan3A_206 to %scan3A_208 step %scan3A_209 iter_args(%scan3A_225 = %scan3A_171#0, %scan3A_226 = %scan3A_171#1, %scan3A_227 = %scan3A_171#2, %scan3A_228 = %scan3A_171#3, %scan3A_229 = %scan3A_171#4, %scan3A_230 = %scan3A_171#5, %scan3A_231 = %scan3A_171#6, %scan3A_232 = %scan3A_171#7) -> (vector<16xf32>, vector<16xf32>, vector<16xf32>, vector<16xf32>, vector<16xf32>, vector<16xf32>, vector<16xf32>, vector<16xf32>)  : i32 {
      %mul3A_233 = arith.constant 2 : i32
      %mul3A_234 = arith.muli %mul3A_233, %scan3A_224 : i32
      %dma_wait3A = arith.constant 0 : i32
      %dma_wait3A_235 = arith.constant 0 : i32
      %dma_wait3A_236 = tpu.memref_slice %arg6[%mul3A_234, %dma_wait3A, %dma_wait3A_235] : memref<32x2x64xi32, #tpu.memory_space<vmem>> -> memref<1x1x64xi32, #tpu.memory_space<vmem>>
      %dma_wait3A_237 = tpu.memref_squeeze %dma_wait3A_236 : memref<1x1x64xi32, #tpu.memory_space<vmem>> -> memref<64xi32, #tpu.memory_space<vmem>>
      %dma_wait3A_238 = arith.constant 0 : i32
      %dma_wait3A_239 = arith.constant 0 : i32
      %dma_wait3A_240 = tpu.memref_slice %arg12[%dma_wait3A_238, %dma_wait3A_239] : memref<10000x64xi32, #tpu.memory_space<vmem_shared>> -> memref<10000x64xi32, #tpu.memory_space<vmem_shared>>
      tpu.wait_indirect_dma semaphore(%arg13 : memref<!tpu.dma_semaphore, #tpu.memory_space<semaphore_mem>>) src(%dma_wait3A_240 : memref<10000x64xi32, #tpu.memory_space<vmem_shared>>) dst(%arg7 : memref<64x64xi32, #tpu.memory_space<vmem>>)
      %dma_wait3A_241 = arith.constant 1 : i32
      %dma_wait3A_242 = arith.constant 0 : i32
      %dma_wait3A_243 = tpu.memref_slice %arg6[%mul3A_234, %dma_wait3A_241, %dma_wait3A_242] : memref<32x2x64xi32, #tpu.memory_space<vmem>> -> memref<1x1x64xi32, #tpu.memory_space<vmem>>
      %dma_wait3A_244 = tpu.memref_squeeze %dma_wait3A_243 : memref<1x1x64xi32, #tpu.memory_space<vmem>> -> memref<64xi32, #tpu.memory_space<vmem>>
      %dma_wait3A_245 = arith.constant 0 : i32
      %dma_wait3A_246 = arith.constant 0 : i32
      %dma_wait3A_247 = tpu.memref_slice %arg12[%dma_wait3A_245, %dma_wait3A_246] : memref<10000x64xi32, #tpu.memory_space<vmem_shared>> -> memref<10000x64xi32, #tpu.memory_space<vmem_shared>>
      tpu.wait_indirect_dma semaphore(%arg13 : memref<!tpu.dma_semaphore, #tpu.memory_space<semaphore_mem>>) src(%dma_wait3A_247 : memref<10000x64xi32, #tpu.memory_space<vmem_shared>>) dst(%arg8 : memref<64x64xi32, #tpu.memory_space<vmem>>)
      %parallel_loop3A = arith.constant 0 : i32
      %parallel_loop3A_248 = arith.constant 64 : i32
      %parallel_loop3A_249 = arith.constant 1 : i32
      %parallel_loop3A_250:8 = scf.for %parallel_loop3A_286 = %parallel_loop3A to %parallel_loop3A_248 step %parallel_loop3A_249 iter_args(%parallel_loop3A_287 = %scan3A_225, %parallel_loop3A_288 = %scan3A_226, %parallel_loop3A_289 = %scan3A_227, %parallel_loop3A_290 = %scan3A_228, %parallel_loop3A_291 = %scan3A_229, %parallel_loop3A_292 = %scan3A_230, %parallel_loop3A_293 = %scan3A_231, %parallel_loop3A_294 = %scan3A_232) -> (vector<16xf32>, vector<16xf32>, vector<16xf32>, vector<16xf32>, vector<16xf32>, vector<16xf32>, vector<16xf32>, vector<16xf32>)  : i32 {
        %parallel_loop3A_295 = arith.index_cast %parallel_loop3A_286 : i32 to index
        %parallel_loop3A_296 = arith.constant 0 : index
        %parallel_loop3A_297 = tpu.vector_load %arg7[%parallel_loop3A_295, %parallel_loop3A_296] {strides = array<i32>} : memref<64x64xi32, #tpu.memory_space<vmem>>, vector<1x16xi32>,
        %parallel_loop3A_298 = vector.shape_cast %parallel_loop3A_297 : vector<1x16xi32> to vector<16xi32>
        %parallel_loop3A_299 = arith.index_cast %parallel_loop3A_286 : i32 to index
        %parallel_loop3A_300 = arith.constant 0 : index
        %parallel_loop3A_301 = tpu.vector_load %arg8[%parallel_loop3A_299, %parallel_loop3A_300] {strides = array<i32>} : memref<64x64xi32, #tpu.memory_space<vmem>>, vector<1x16xi32>,
        %parallel_loop3A_302 = vector.shape_cast %parallel_loop3A_301 : vector<1x16xi32> to vector<16xi32>
        %parallel_loop3A_303 = arith.constant -65536 : i32
        %parallel_loop3A_304 = vector.broadcast %parallel_loop3A_303 : i32 to vector<16xi32>
        %parallel_loop3A_305 = arith.andi %parallel_loop3A_298, %parallel_loop3A_304 : vector<16xi32>
        %parallel_loop3A_306 = tpu.bitcast %parallel_loop3A_305 : vector<16xi32> -> vector<16xf32>
        %parallel_loop3A_307 = arith.constant -65536 : i32
        %parallel_loop3A_308 = vector.broadcast %parallel_loop3A_307 : i32 to vector<16xi32>
        %parallel_loop3A_309 = arith.andi %parallel_loop3A_302, %parallel_loop3A_308 : vector<16xi32>
        %parallel_loop3A_310 = tpu.bitcast %parallel_loop3A_309 : vector<16xi32> -> vector<16xf32>
        %parallel_loop3A_311 = arith.constant 16 : i32
        %parallel_loop3A_312 = vector.broadcast %parallel_loop3A_311 : i32 to vector<16xi32>
        %parallel_loop3A_313 = arith.shli %parallel_loop3A_298, %parallel_loop3A_312 : vector<16xi32>
        %parallel_loop3A_314 = tpu.bitcast %parallel_loop3A_313 : vector<16xi32> -> vector<16xf32>
        %parallel_loop3A_315 = arith.constant 16 : i32
        %parallel_loop3A_316 = vector.broadcast %parallel_loop3A_315 : i32 to vector<16xi32>
        %parallel_loop3A_317 = arith.shli %parallel_loop3A_302, %parallel_loop3A_316 : vector<16xi32>
        %parallel_loop3A_318 = tpu.bitcast %parallel_loop3A_317 : vector<16xi32> -> vector<16xf32>
        %parallel_loop3A_319 = arith.subf %parallel_loop3A_306, %parallel_loop3A_310 : vector<16xf32>
        %parallel_loop3A_320 = arith.subf %parallel_loop3A_314, %parallel_loop3A_318 : vector<16xf32>
        %parallel_loop3A_321 = arith.mulf %parallel_loop3A_319, %parallel_loop3A_319 : vector<16xf32>
        %parallel_loop3A_322 = arith.addf %parallel_loop3A_287, %parallel_loop3A_321 : vector<16xf32>
        %parallel_loop3A_323 = arith.mulf %parallel_loop3A_320, %parallel_loop3A_320 : vector<16xf32>
        %parallel_loop3A_324 = arith.addf %parallel_loop3A_288, %parallel_loop3A_323 : vector<16xf32>
        %parallel_loop3A_325 = arith.index_cast %parallel_loop3A_286 : i32 to index
        %parallel_loop3A_326 = arith.constant 16 : index
        %parallel_loop3A_327 = tpu.vector_load %arg7[%parallel_loop3A_325, %parallel_loop3A_326] {strides = array<i32>} : memref<64x64xi32, #tpu.memory_space<vmem>>, vector<1x16xi32>,
        %parallel_loop3A_328 = vector.shape_cast %parallel_loop3A_327 : vector<1x16xi32> to vector<16xi32>
        %parallel_loop3A_329 = arith.index_cast %parallel_loop3A_286 : i32 to index
        %parallel_loop3A_330 = arith.constant 16 : index
        %parallel_loop3A_331 = tpu.vector_load %arg8[%parallel_loop3A_329, %parallel_loop3A_330] {strides = array<i32>} : memref<64x64xi32, #tpu.memory_space<vmem>>, vector<1x16xi32>,
        %parallel_loop3A_332 = vector.shape_cast %parallel_loop3A_331 : vector<1x16xi32> to vector<16xi32>
        %parallel_loop3A_333 = arith.constant -65536 : i32
        %parallel_loop3A_334 = vector.broadcast %parallel_loop3A_333 : i32 to vector<16xi32>
        %parallel_loop3A_335 = arith.andi %parallel_loop3A_328, %parallel_loop3A_334 : vector<16xi32>
        %parallel_loop3A_336 = tpu.bitcast %parallel_loop3A_335 : vector<16xi32> -> vector<16xf32>
        %parallel_loop3A_337 = arith.constant -65536 : i32
        %parallel_loop3A_338 = vector.broadcast %parallel_loop3A_337 : i32 to vector<16xi32>
        %parallel_loop3A_339 = arith.andi %parallel_loop3A_332, %parallel_loop3A_338 : vector<16xi32>
        %parallel_loop3A_340 = tpu.bitcast %parallel_loop3A_339 : vector<16xi32> -> vector<16xf32>
        %parallel_loop3A_341 = arith.constant 16 : i32
        %parallel_loop3A_342 = vector.broadcast %parallel_loop3A_341 : i32 to vector<16xi32>
        %parallel_loop3A_343 = arith.shli %parallel_loop3A_328, %parallel_loop3A_342 : vector<16xi32>
        %parallel_loop3A_344 = tpu.bitcast %parallel_loop3A_343 : vector<16xi32> -> vector<16xf32>
        %parallel_loop3A_345 = arith.constant 16 : i32
        %parallel_loop3A_346 = vector.broadcast %parallel_loop3A_345 : i32 to vector<16xi32>
        %parallel_loop3A_347 = arith.shli %parallel_loop3A_332, %parallel_loop3A_346 : vector<16xi32>
        %parallel_loop3A_348 = tpu.bitcast %parallel_loop3A_347 : vector<16xi32> -> vector<16xf32>
        %parallel_loop3A_349 = arith.subf %parallel_loop3A_336, %parallel_loop3A_340 : vector<16xf32>
        %parallel_loop3A_350 = arith.subf %parallel_loop3A_344, %parallel_loop3A_348 : vector<16xf32>
        %parallel_loop3A_351 = arith.mulf %parallel_loop3A_349, %parallel_loop3A_349 : vector<16xf32>
        %parallel_loop3A_352 = arith.addf %parallel_loop3A_289, %parallel_loop3A_351 : vector<16xf32>
        %parallel_loop3A_353 = arith.mulf %parallel_loop3A_350, %parallel_loop3A_350 : vector<16xf32>
        %parallel_loop3A_354 = arith.addf %parallel_loop3A_290, %parallel_loop3A_353 : vector<16xf32>
        %parallel_loop3A_355 = arith.index_cast %parallel_loop3A_286 : i32 to index
        %parallel_loop3A_356 = arith.constant 32 : index
        %parallel_loop3A_357 = tpu.vector_load %arg7[%parallel_loop3A_355, %parallel_loop3A_356] {strides = array<i32>} : memref<64x64xi32, #tpu.memory_space<vmem>>, vector<1x16xi32>,
        %parallel_loop3A_358 = vector.shape_cast %parallel_loop3A_357 : vector<1x16xi32> to vector<16xi32>
        %parallel_loop3A_359 = arith.index_cast %parallel_loop3A_286 : i32 to index
        %parallel_loop3A_360 = arith.constant 32 : index
        %parallel_loop3A_361 = tpu.vector_load %arg8[%parallel_loop3A_359, %parallel_loop3A_360] {strides = array<i32>} : memref<64x64xi32, #tpu.memory_space<vmem>>, vector<1x16xi32>,
        %parallel_loop3A_362 = vector.shape_cast %parallel_loop3A_361 : vector<1x16xi32> to vector<16xi32>
        %parallel_loop3A_363 = arith.constant -65536 : i32
        %parallel_loop3A_364 = vector.broadcast %parallel_loop3A_363 : i32 to vector<16xi32>
        %parallel_loop3A_365 = arith.andi %parallel_loop3A_358, %parallel_loop3A_364 : vector<16xi32>
        %parallel_loop3A_366 = tpu.bitcast %parallel_loop3A_365 : vector<16xi32> -> vector<16xf32>
        %parallel_loop3A_367 = arith.constant -65536 : i32
        %parallel_loop3A_368 = vector.broadcast %parallel_loop3A_367 : i32 to vector<16xi32>
        %parallel_loop3A_369 = arith.andi %parallel_loop3A_362, %parallel_loop3A_368 : vector<16xi32>
        %parallel_loop3A_370 = tpu.bitcast %parallel_loop3A_369 : vector<16xi32> -> vector<16xf32>
        %parallel_loop3A_371 = arith.constant 16 : i32
        %parallel_loop3A_372 = vector.broadcast %parallel_loop3A_371 : i32 to vector<16xi32>
        %parallel_loop3A_373 = arith.shli %parallel_loop3A_358, %parallel_loop3A_372 : vector<16xi32>
        %parallel_loop3A_374 = tpu.bitcast %parallel_loop3A_373 : vector<16xi32> -> vector<16xf32>
        %parallel_loop3A_375 = arith.constant 16 : i32
        %parallel_loop3A_376 = vector.broadcast %parallel_loop3A_375 : i32 to vector<16xi32>
        %parallel_loop3A_377 = arith.shli %parallel_loop3A_362, %parallel_loop3A_376 : vector<16xi32>
        %parallel_loop3A_378 = tpu.bitcast %parallel_loop3A_377 : vector<16xi32> -> vector<16xf32>
        %parallel_loop3A_379 = arith.subf %parallel_loop3A_366, %parallel_loop3A_370 : vector<16xf32>
        %parallel_loop3A_380 = arith.subf %parallel_loop3A_374, %parallel_loop3A_378 : vector<16xf32>
        %parallel_loop3A_381 = arith.mulf %parallel_loop3A_379, %parallel_loop3A_379 : vector<16xf32>
        %parallel_loop3A_382 = arith.addf %parallel_loop3A_291, %parallel_loop3A_381 : vector<16xf32>
        %parallel_loop3A_383 = arith.mulf %parallel_loop3A_380, %parallel_loop3A_380 : vector<16xf32>
        %parallel_loop3A_384 = arith.addf %parallel_loop3A_292, %parallel_loop3A_383 : vector<16xf32>
        %parallel_loop3A_385 = arith.index_cast %parallel_loop3A_286 : i32 to index
        %parallel_loop3A_386 = arith.constant 48 : index
        %parallel_loop3A_387 = tpu.vector_load %arg7[%parallel_loop3A_385, %parallel_loop3A_386] {strides = array<i32>} : memref<64x64xi32, #tpu.memory_space<vmem>>, vector<1x16xi32>,
        %parallel_loop3A_388 = vector.shape_cast %parallel_loop3A_387 : vector<1x16xi32> to vector<16xi32>
        %parallel_loop3A_389 = arith.index_cast %parallel_loop3A_286 : i32 to index
        %parallel_loop3A_390 = arith.constant 48 : index
        %parallel_loop3A_391 = tpu.vector_load %arg8[%parallel_loop3A_389, %parallel_loop3A_390] {strides = array<i32>} : memref<64x64xi32, #tpu.memory_space<vmem>>, vector<1x16xi32>,
        %parallel_loop3A_392 = vector.shape_cast %parallel_loop3A_391 : vector<1x16xi32> to vector<16xi32>
        %parallel_loop3A_393 = arith.constant -65536 : i32
        %parallel_loop3A_394 = vector.broadcast %parallel_loop3A_393 : i32 to vector<16xi32>
        %parallel_loop3A_395 = arith.andi %parallel_loop3A_388, %parallel_loop3A_394 : vector<16xi32>
        %parallel_loop3A_396 = tpu.bitcast %parallel_loop3A_395 : vector<16xi32> -> vector<16xf32>
        %parallel_loop3A_397 = arith.constant -65536 : i32
        %parallel_loop3A_398 = vector.broadcast %parallel_loop3A_397 : i32 to vector<16xi32>
        %parallel_loop3A_399 = arith.andi %parallel_loop3A_392, %parallel_loop3A_398 : vector<16xi32>
        %parallel_loop3A_400 = tpu.bitcast %parallel_loop3A_399 : vector<16xi32> -> vector<16xf32>
        %parallel_loop3A_401 = arith.constant 16 : i32
        %parallel_loop3A_402 = vector.broadcast %parallel_loop3A_401 : i32 to vector<16xi32>
        %parallel_loop3A_403 = arith.shli %parallel_loop3A_388, %parallel_loop3A_402 : vector<16xi32>
        %parallel_loop3A_404 = tpu.bitcast %parallel_loop3A_403 : vector<16xi32> -> vector<16xf32>
        %parallel_loop3A_405 = arith.constant 16 : i32
        %parallel_loop3A_406 = vector.broadcast %parallel_loop3A_405 : i32 to vector<16xi32>
        %parallel_loop3A_407 = arith.shli %parallel_loop3A_392, %parallel_loop3A_406 : vector<16xi32>
        %parallel_loop3A_408 = tpu.bitcast %parallel_loop3A_407 : vector<16xi32> -> vector<16xf32>
        %parallel_loop3A_409 = arith.subf %parallel_loop3A_396, %parallel_loop3A_400 : vector<16xf32>
        %parallel_loop3A_410 = arith.subf %parallel_loop3A_404, %parallel_loop3A_408 : vector<16xf32>
        %parallel_loop3A_411 = arith.mulf %parallel_loop3A_409, %parallel_loop3A_409 : vector<16xf32>
        %parallel_loop3A_412 = arith.addf %parallel_loop3A_293, %parallel_loop3A_411 : vector<16xf32>
        %parallel_loop3A_413 = arith.mulf %parallel_loop3A_410, %parallel_loop3A_410 : vector<16xf32>
        %parallel_loop3A_414 = arith.addf %parallel_loop3A_294, %parallel_loop3A_413 : vector<16xf32>
        scf.yield %parallel_loop3A_322, %parallel_loop3A_324, %parallel_loop3A_352, %parallel_loop3A_354, %parallel_loop3A_382, %parallel_loop3A_384, %parallel_loop3A_412, %parallel_loop3A_414 : vector<16xf32>, vector<16xf32>, vector<16xf32>, vector<16xf32>, vector<16xf32>, vector<16xf32>, vector<16xf32>, vector<16xf32>
      } {sc.loop_unroll_factor = 1 : i64, sc.parallel_access}
      %add3A_251 = arith.constant 1 : i32
      %add3A_252 = arith.addi %scan3A_224, %add3A_251 : i32
      %lt3A = arith.constant 16 : i32
      %lt3A_253 = arith.cmpi slt, %add3A_252, %lt3A : i32
      %convert_element_type3A_254 = arith.extui %lt3A_253 : i1 to i32
      %cond3A_255 = arith.constant 0 : i32
      %cond3A_256 = arith.cmpi ne, %convert_element_type3A_254, %cond3A_255 : i32
      scf.if %cond3A_256 {
        %mul3A_286 = arith.constant 2 : i32
        %mul3A_287 = arith.muli %mul3A_286, %scan3A_224 : i32
        %add3A_288 = arith.constant 2 : i32
        %add3A_289 = arith.addi %mul3A_287, %add3A_288 : i32
        %dma_start3A_290 = arith.constant 0 : i32
        %dma_start3A_291 = arith.constant 0 : i32
        %dma_start3A_292 = tpu.memref_slice %arg6[%add3A_289, %dma_start3A_290, %dma_start3A_291] : memref<32x2x64xi32, #tpu.memory_space<vmem>> -> memref<1x1x64xi32, #tpu.memory_space<vmem>>
        %dma_start3A_293 = tpu.memref_squeeze %dma_start3A_292 : memref<1x1x64xi32, #tpu.memory_space<vmem>> -> memref<64xi32, #tpu.memory_space<vmem>>
        %dma_start3A_294 = arith.constant 0 : i32
        %dma_start3A_295 = arith.constant 0 : i32
        %dma_start3A_296 = tpu.memref_slice %arg12[%dma_start3A_294, %dma_start3A_295] : memref<10000x64xi32, #tpu.memory_space<vmem_shared>> -> memref<10000x64xi32, #tpu.memory_space<vmem_shared>>
        tpu.enqueue_indirect_dma source(%dma_start3A_296 : memref<10000x64xi32, #tpu.memory_space<vmem_shared>>) target(%arg7 : memref<64x64xi32, #tpu.memory_space<vmem>>) offsets(%dma_start3A_293 : memref<64xi32, #tpu.memory_space<vmem>>) semaphore(%arg13 : memref<!tpu.dma_semaphore, #tpu.memory_space<semaphore_mem>>)
        %dma_start3A_297 = arith.constant 1 : i32
        %dma_start3A_298 = arith.constant 0 : i32
        %dma_start3A_299 = tpu.memref_slice %arg6[%add3A_289, %dma_start3A_297, %dma_start3A_298] : memref<32x2x64xi32, #tpu.memory_space<vmem>> -> memref<1x1x64xi32, #tpu.memory_space<vmem>>
        %dma_start3A_300 = tpu.memref_squeeze %dma_start3A_299 : memref<1x1x64xi32, #tpu.memory_space<vmem>> -> memref<64xi32, #tpu.memory_space<vmem>>
        %dma_start3A_301 = arith.constant 0 : i32
        %dma_start3A_302 = arith.constant 0 : i32
        %dma_start3A_303 = tpu.memref_slice %arg12[%dma_start3A_301, %dma_start3A_302] : memref<10000x64xi32, #tpu.memory_space<vmem_shared>> -> memref<10000x64xi32, #tpu.memory_space<vmem_shared>>
        tpu.enqueue_indirect_dma source(%dma_start3A_303 : memref<10000x64xi32, #tpu.memory_space<vmem_shared>>) target(%arg8 : memref<64x64xi32, #tpu.memory_space<vmem>>) offsets(%dma_start3A_300 : memref<64xi32, #tpu.memory_space<vmem>>) semaphore(%arg13 : memref<!tpu.dma_semaphore, #tpu.memory_space<semaphore_mem>>)
      } else {
      }
      %mul3A_257 = arith.constant 2 : i32
      %mul3A_258 = arith.muli %mul3A_257, %scan3A_224 : i32
      %add3A_259 = arith.constant 1 : i32
      %add3A_260 = arith.addi %mul3A_258, %add3A_259 : i32
      %dma_wait3A_261 = arith.constant 0 : i32
      %dma_wait3A_262 = arith.constant 0 : i32
      %dma_wait3A_263 = tpu.memref_slice %arg6[%add3A_260, %dma_wait3A_261, %dma_wait3A_262] : memref<32x2x64xi32, #tpu.memory_space<vmem>> -> memref<1x1x64xi32, #tpu.memory_space<vmem>>
      %dma_wait3A_264 = tpu.memref_squeeze %dma_wait3A_263 : memref<1x1x64xi32, #tpu.memory_space<vmem>> -> memref<64xi32, #tpu.memory_space<vmem>>
      %dma_wait3A_265 = arith.constant 0 : i32
      %dma_wait3A_266 = arith.constant 0 : i32
      %dma_wait3A_267 = tpu.memref_slice %arg12[%dma_wait3A_265, %dma_wait3A_266] : memref<10000x64xi32, #tpu.memory_space<vmem_shared>> -> memref<10000x64xi32, #tpu.memory_space<vmem_shared>>
      tpu.wait_indirect_dma semaphore(%arg14 : memref<!tpu.dma_semaphore, #tpu.memory_space<semaphore_mem>>) src(%dma_wait3A_267 : memref<10000x64xi32, #tpu.memory_space<vmem_shared>>) dst(%arg9 : memref<64x64xi32, #tpu.memory_space<vmem>>)
      %dma_wait3A_268 = arith.constant 1 : i32
      %dma_wait3A_269 = arith.constant 0 : i32
      %dma_wait3A_270 = tpu.memref_slice %arg6[%add3A_260, %dma_wait3A_268, %dma_wait3A_269] : memref<32x2x64xi32, #tpu.memory_space<vmem>> -> memref<1x1x64xi32, #tpu.memory_space<vmem>>
      %dma_wait3A_271 = tpu.memref_squeeze %dma_wait3A_270 : memref<1x1x64xi32, #tpu.memory_space<vmem>> -> memref<64xi32, #tpu.memory_space<vmem>>
      %dma_wait3A_272 = arith.constant 0 : i32
      %dma_wait3A_273 = arith.constant 0 : i32
      %dma_wait3A_274 = tpu.memref_slice %arg12[%dma_wait3A_272, %dma_wait3A_273] : memref<10000x64xi32, #tpu.memory_space<vmem_shared>> -> memref<10000x64xi32, #tpu.memory_space<vmem_shared>>
      tpu.wait_indirect_dma semaphore(%arg14 : memref<!tpu.dma_semaphore, #tpu.memory_space<semaphore_mem>>) src(%dma_wait3A_274 : memref<10000x64xi32, #tpu.memory_space<vmem_shared>>) dst(%arg10 : memref<64x64xi32, #tpu.memory_space<vmem>>)
      %parallel_loop3A_275 = arith.constant 0 : i32
      %parallel_loop3A_276 = arith.constant 64 : i32
      %parallel_loop3A_277 = arith.constant 1 : i32
      %parallel_loop3A_278:8 = scf.for %parallel_loop3A_286 = %parallel_loop3A_275 to %parallel_loop3A_276 step %parallel_loop3A_277 iter_args(%parallel_loop3A_287 = %parallel_loop3A_250#0, %parallel_loop3A_288 = %parallel_loop3A_250#1, %parallel_loop3A_289 = %parallel_loop3A_250#2, %parallel_loop3A_290 = %parallel_loop3A_250#3, %parallel_loop3A_291 = %parallel_loop3A_250#4, %parallel_loop3A_292 = %parallel_loop3A_250#5, %parallel_loop3A_293 = %parallel_loop3A_250#6, %parallel_loop3A_294 = %parallel_loop3A_250#7) -> (vector<16xf32>, vector<16xf32>, vector<16xf32>, vector<16xf32>, vector<16xf32>, vector<16xf32>, vector<16xf32>, vector<16xf32>)  : i32 {
        %parallel_loop3A_295 = arith.index_cast %parallel_loop3A_286 : i32 to index
        %parallel_loop3A_296 = arith.constant 0 : index
        %parallel_loop3A_297 = tpu.vector_load %arg9[%parallel_loop3A_295, %parallel_loop3A_296] {strides = array<i32>} : memref<64x64xi32, #tpu.memory_space<vmem>>, vector<1x16xi32>,
        %parallel_loop3A_298 = vector.shape_cast %parallel_loop3A_297 : vector<1x16xi32> to vector<16xi32>
        %parallel_loop3A_299 = arith.index_cast %parallel_loop3A_286 : i32 to index
        %parallel_loop3A_300 = arith.constant 0 : index
        %parallel_loop3A_301 = tpu.vector_load %arg10[%parallel_loop3A_299, %parallel_loop3A_300] {strides = array<i32>} : memref<64x64xi32, #tpu.memory_space<vmem>>, vector<1x16xi32>,
        %parallel_loop3A_302 = vector.shape_cast %parallel_loop3A_301 : vector<1x16xi32> to vector<16xi32>
        %parallel_loop3A_303 = arith.constant -65536 : i32
        %parallel_loop3A_304 = vector.broadcast %parallel_loop3A_303 : i32 to vector<16xi32>
        %parallel_loop3A_305 = arith.andi %parallel_loop3A_298, %parallel_loop3A_304 : vector<16xi32>
        %parallel_loop3A_306 = tpu.bitcast %parallel_loop3A_305 : vector<16xi32> -> vector<16xf32>
        %parallel_loop3A_307 = arith.constant -65536 : i32
        %parallel_loop3A_308 = vector.broadcast %parallel_loop3A_307 : i32 to vector<16xi32>
        %parallel_loop3A_309 = arith.andi %parallel_loop3A_302, %parallel_loop3A_308 : vector<16xi32>
        %parallel_loop3A_310 = tpu.bitcast %parallel_loop3A_309 : vector<16xi32> -> vector<16xf32>
        %parallel_loop3A_311 = arith.constant 16 : i32
        %parallel_loop3A_312 = vector.broadcast %parallel_loop3A_311 : i32 to vector<16xi32>
        %parallel_loop3A_313 = arith.shli %parallel_loop3A_298, %parallel_loop3A_312 : vector<16xi32>
        %parallel_loop3A_314 = tpu.bitcast %parallel_loop3A_313 : vector<16xi32> -> vector<16xf32>
        %parallel_loop3A_315 = arith.constant 16 : i32
        %parallel_loop3A_316 = vector.broadcast %parallel_loop3A_315 : i32 to vector<16xi32>
        %parallel_loop3A_317 = arith.shli %parallel_loop3A_302, %parallel_loop3A_316 : vector<16xi32>
        %parallel_loop3A_318 = tpu.bitcast %parallel_loop3A_317 : vector<16xi32> -> vector<16xf32>
        %parallel_loop3A_319 = arith.subf %parallel_loop3A_306, %parallel_loop3A_310 : vector<16xf32>
        %parallel_loop3A_320 = arith.subf %parallel_loop3A_314, %parallel_loop3A_318 : vector<16xf32>
        %parallel_loop3A_321 = arith.mulf %parallel_loop3A_319, %parallel_loop3A_319 : vector<16xf32>
        %parallel_loop3A_322 = arith.addf %parallel_loop3A_287, %parallel_loop3A_321 : vector<16xf32>
        %parallel_loop3A_323 = arith.mulf %parallel_loop3A_320, %parallel_loop3A_320 : vector<16xf32>
        %parallel_loop3A_324 = arith.addf %parallel_loop3A_288, %parallel_loop3A_323 : vector<16xf32>
        %parallel_loop3A_325 = arith.index_cast %parallel_loop3A_286 : i32 to index
        %parallel_loop3A_326 = arith.constant 16 : index
        %parallel_loop3A_327 = tpu.vector_load %arg9[%parallel_loop3A_325, %parallel_loop3A_326] {strides = array<i32>} : memref<64x64xi32, #tpu.memory_space<vmem>>, vector<1x16xi32>,
        %parallel_loop3A_328 = vector.shape_cast %parallel_loop3A_327 : vector<1x16xi32> to vector<16xi32>
        %parallel_loop3A_329 = arith.index_cast %parallel_loop3A_286 : i32 to index
        %parallel_loop3A_330 = arith.constant 16 : index
        %parallel_loop3A_331 = tpu.vector_load %arg10[%parallel_loop3A_329, %parallel_loop3A_330] {strides = array<i32>} : memref<64x64xi32, #tpu.memory_space<vmem>>, vector<1x16xi32>,
        %parallel_loop3A_332 = vector.shape_cast %parallel_loop3A_331 : vector<1x16xi32> to vector<16xi32>
        %parallel_loop3A_333 = arith.constant -65536 : i32
        %parallel_loop3A_334 = vector.broadcast %parallel_loop3A_333 : i32 to vector<16xi32>
        %parallel_loop3A_335 = arith.andi %parallel_loop3A_328, %parallel_loop3A_334 : vector<16xi32>
        %parallel_loop3A_336 = tpu.bitcast %parallel_loop3A_335 : vector<16xi32> -> vector<16xf32>
        %parallel_loop3A_337 = arith.constant -65536 : i32
        %parallel_loop3A_338 = vector.broadcast %parallel_loop3A_337 : i32 to vector<16xi32>
        %parallel_loop3A_339 = arith.andi %parallel_loop3A_332, %parallel_loop3A_338 : vector<16xi32>
        %parallel_loop3A_340 = tpu.bitcast %parallel_loop3A_339 : vector<16xi32> -> vector<16xf32>
        %parallel_loop3A_341 = arith.constant 16 : i32
        %parallel_loop3A_342 = vector.broadcast %parallel_loop3A_341 : i32 to vector<16xi32>
        %parallel_loop3A_343 = arith.shli %parallel_loop3A_328, %parallel_loop3A_342 : vector<16xi32>
        %parallel_loop3A_344 = tpu.bitcast %parallel_loop3A_343 : vector<16xi32> -> vector<16xf32>
        %parallel_loop3A_345 = arith.constant 16 : i32
        %parallel_loop3A_346 = vector.broadcast %parallel_loop3A_345 : i32 to vector<16xi32>
        %parallel_loop3A_347 = arith.shli %parallel_loop3A_332, %parallel_loop3A_346 : vector<16xi32>
        %parallel_loop3A_348 = tpu.bitcast %parallel_loop3A_347 : vector<16xi32> -> vector<16xf32>
        %parallel_loop3A_349 = arith.subf %parallel_loop3A_336, %parallel_loop3A_340 : vector<16xf32>
        %parallel_loop3A_350 = arith.subf %parallel_loop3A_344, %parallel_loop3A_348 : vector<16xf32>
        %parallel_loop3A_351 = arith.mulf %parallel_loop3A_349, %parallel_loop3A_349 : vector<16xf32>
        %parallel_loop3A_352 = arith.addf %parallel_loop3A_289, %parallel_loop3A_351 : vector<16xf32>
        %parallel_loop3A_353 = arith.mulf %parallel_loop3A_350, %parallel_loop3A_350 : vector<16xf32>
        %parallel_loop3A_354 = arith.addf %parallel_loop3A_290, %parallel_loop3A_353 : vector<16xf32>
        %parallel_loop3A_355 = arith.index_cast %parallel_loop3A_286 : i32 to index
        %parallel_loop3A_356 = arith.constant 32 : index
        %parallel_loop3A_357 = tpu.vector_load %arg9[%parallel_loop3A_355, %parallel_loop3A_356] {strides = array<i32>} : memref<64x64xi32, #tpu.memory_space<vmem>>, vector<1x16xi32>,
        %parallel_loop3A_358 = vector.shape_cast %parallel_loop3A_357 : vector<1x16xi32> to vector<16xi32>
        %parallel_loop3A_359 = arith.index_cast %parallel_loop3A_286 : i32 to index
        %parallel_loop3A_360 = arith.constant 32 : index
        %parallel_loop3A_361 = tpu.vector_load %arg10[%parallel_loop3A_359, %parallel_loop3A_360] {strides = array<i32>} : memref<64x64xi32, #tpu.memory_space<vmem>>, vector<1x16xi32>,
        %parallel_loop3A_362 = vector.shape_cast %parallel_loop3A_361 : vector<1x16xi32> to vector<16xi32>
        %parallel_loop3A_363 = arith.constant -65536 : i32
        %parallel_loop3A_364 = vector.broadcast %parallel_loop3A_363 : i32 to vector<16xi32>
        %parallel_loop3A_365 = arith.andi %parallel_loop3A_358, %parallel_loop3A_364 : vector<16xi32>
        %parallel_loop3A_366 = tpu.bitcast %parallel_loop3A_365 : vector<16xi32> -> vector<16xf32>
        %parallel_loop3A_367 = arith.constant -65536 : i32
        %parallel_loop3A_368 = vector.broadcast %parallel_loop3A_367 : i32 to vector<16xi32>
        %parallel_loop3A_369 = arith.andi %parallel_loop3A_362, %parallel_loop3A_368 : vector<16xi32>
        %parallel_loop3A_370 = tpu.bitcast %parallel_loop3A_369 : vector<16xi32> -> vector<16xf32>
        %parallel_loop3A_371 = arith.constant 16 : i32
        %parallel_loop3A_372 = vector.broadcast %parallel_loop3A_371 : i32 to vector<16xi32>
        %parallel_loop3A_373 = arith.shli %parallel_loop3A_358, %parallel_loop3A_372 : vector<16xi32>
        %parallel_loop3A_374 = tpu.bitcast %parallel_loop3A_373 : vector<16xi32> -> vector<16xf32>
        %parallel_loop3A_375 = arith.constant 16 : i32
        %parallel_loop3A_376 = vector.broadcast %parallel_loop3A_375 : i32 to vector<16xi32>
        %parallel_loop3A_377 = arith.shli %parallel_loop3A_362, %parallel_loop3A_376 : vector<16xi32>
        %parallel_loop3A_378 = tpu.bitcast %parallel_loop3A_377 : vector<16xi32> -> vector<16xf32>
        %parallel_loop3A_379 = arith.subf %parallel_loop3A_366, %parallel_loop3A_370 : vector<16xf32>
        %parallel_loop3A_380 = arith.subf %parallel_loop3A_374, %parallel_loop3A_378 : vector<16xf32>
        %parallel_loop3A_381 = arith.mulf %parallel_loop3A_379, %parallel_loop3A_379 : vector<16xf32>
        %parallel_loop3A_382 = arith.addf %parallel_loop3A_291, %parallel_loop3A_381 : vector<16xf32>
        %parallel_loop3A_383 = arith.mulf %parallel_loop3A_380, %parallel_loop3A_380 : vector<16xf32>
        %parallel_loop3A_384 = arith.addf %parallel_loop3A_292, %parallel_loop3A_383 : vector<16xf32>
        %parallel_loop3A_385 = arith.index_cast %parallel_loop3A_286 : i32 to index
        %parallel_loop3A_386 = arith.constant 48 : index
        %parallel_loop3A_387 = tpu.vector_load %arg9[%parallel_loop3A_385, %parallel_loop3A_386] {strides = array<i32>} : memref<64x64xi32, #tpu.memory_space<vmem>>, vector<1x16xi32>,
        %parallel_loop3A_388 = vector.shape_cast %parallel_loop3A_387 : vector<1x16xi32> to vector<16xi32>
        %parallel_loop3A_389 = arith.index_cast %parallel_loop3A_286 : i32 to index
        %parallel_loop3A_390 = arith.constant 48 : index
        %parallel_loop3A_391 = tpu.vector_load %arg10[%parallel_loop3A_389, %parallel_loop3A_390] {strides = array<i32>} : memref<64x64xi32, #tpu.memory_space<vmem>>, vector<1x16xi32>,
        %parallel_loop3A_392 = vector.shape_cast %parallel_loop3A_391 : vector<1x16xi32> to vector<16xi32>
        %parallel_loop3A_393 = arith.constant -65536 : i32
        %parallel_loop3A_394 = vector.broadcast %parallel_loop3A_393 : i32 to vector<16xi32>
        %parallel_loop3A_395 = arith.andi %parallel_loop3A_388, %parallel_loop3A_394 : vector<16xi32>
        %parallel_loop3A_396 = tpu.bitcast %parallel_loop3A_395 : vector<16xi32> -> vector<16xf32>
        %parallel_loop3A_397 = arith.constant -65536 : i32
        %parallel_loop3A_398 = vector.broadcast %parallel_loop3A_397 : i32 to vector<16xi32>
        %parallel_loop3A_399 = arith.andi %parallel_loop3A_392, %parallel_loop3A_398 : vector<16xi32>
        %parallel_loop3A_400 = tpu.bitcast %parallel_loop3A_399 : vector<16xi32> -> vector<16xf32>
        %parallel_loop3A_401 = arith.constant 16 : i32
        %parallel_loop3A_402 = vector.broadcast %parallel_loop3A_401 : i32 to vector<16xi32>
        %parallel_loop3A_403 = arith.shli %parallel_loop3A_388, %parallel_loop3A_402 : vector<16xi32>
        %parallel_loop3A_404 = tpu.bitcast %parallel_loop3A_403 : vector<16xi32> -> vector<16xf32>
        %parallel_loop3A_405 = arith.constant 16 : i32
        %parallel_loop3A_406 = vector.broadcast %parallel_loop3A_405 : i32 to vector<16xi32>
        %parallel_loop3A_407 = arith.shli %parallel_loop3A_392, %parallel_loop3A_406 : vector<16xi32>
        %parallel_loop3A_408 = tpu.bitcast %parallel_loop3A_407 : vector<16xi32> -> vector<16xf32>
        %parallel_loop3A_409 = arith.subf %parallel_loop3A_396, %parallel_loop3A_400 : vector<16xf32>
        %parallel_loop3A_410 = arith.subf %parallel_loop3A_404, %parallel_loop3A_408 : vector<16xf32>
        %parallel_loop3A_411 = arith.mulf %parallel_loop3A_409, %parallel_loop3A_409 : vector<16xf32>
        %parallel_loop3A_412 = arith.addf %parallel_loop3A_293, %parallel_loop3A_411 : vector<16xf32>
        %parallel_loop3A_413 = arith.mulf %parallel_loop3A_410, %parallel_loop3A_410 : vector<16xf32>
        %parallel_loop3A_414 = arith.addf %parallel_loop3A_294, %parallel_loop3A_413 : vector<16xf32>
        scf.yield %parallel_loop3A_322, %parallel_loop3A_324, %parallel_loop3A_352, %parallel_loop3A_354, %parallel_loop3A_382, %parallel_loop3A_384, %parallel_loop3A_412, %parallel_loop3A_414 : vector<16xf32>, vector<16xf32>, vector<16xf32>, vector<16xf32>, vector<16xf32>, vector<16xf32>, vector<16xf32>, vector<16xf32>
      } {sc.loop_unroll_factor = 1 : i64, sc.parallel_access}
      %add3A_279 = arith.constant 1 : i32
      %add3A_280 = arith.addi %scan3A_224, %add3A_279 : i32
      %lt3A_281 = arith.constant 16 : i32
      %lt3A_282 = arith.cmpi slt, %add3A_280, %lt3A_281 : i32
      %convert_element_type3A_283 = arith.extui %lt3A_282 : i1 to i32
      %cond3A_284 = arith.constant 0 : i32
      %cond3A_285 = arith.cmpi ne, %convert_element_type3A_283, %cond3A_284 : i32
      scf.if %cond3A_285 {
        %mul3A_286 = arith.constant 2 : i32
        %mul3A_287 = arith.muli %mul3A_286, %scan3A_224 : i32
        %add3A_288 = arith.constant 3 : i32
        %add3A_289 = arith.addi %mul3A_287, %add3A_288 : i32
        %dma_start3A_290 = arith.constant 0 : i32
        %dma_start3A_291 = arith.constant 0 : i32
        %dma_start3A_292 = tpu.memref_slice %arg6[%add3A_289, %dma_start3A_290, %dma_start3A_291] : memref<32x2x64xi32, #tpu.memory_space<vmem>> -> memref<1x1x64xi32, #tpu.memory_space<vmem>>
        %dma_start3A_293 = tpu.memref_squeeze %dma_start3A_292 : memref<1x1x64xi32, #tpu.memory_space<vmem>> -> memref<64xi32, #tpu.memory_space<vmem>>
        %dma_start3A_294 = arith.constant 0 : i32
        %dma_start3A_295 = arith.constant 0 : i32
        %dma_start3A_296 = tpu.memref_slice %arg12[%dma_start3A_294, %dma_start3A_295] : memref<10000x64xi32, #tpu.memory_space<vmem_shared>> -> memref<10000x64xi32, #tpu.memory_space<vmem_shared>>
        tpu.enqueue_indirect_dma source(%dma_start3A_296 : memref<10000x64xi32, #tpu.memory_space<vmem_shared>>) target(%arg9 : memref<64x64xi32, #tpu.memory_space<vmem>>) offsets(%dma_start3A_293 : memref<64xi32, #tpu.memory_space<vmem>>) semaphore(%arg14 : memref<!tpu.dma_semaphore, #tpu.memory_space<semaphore_mem>>)
        %dma_start3A_297 = arith.constant 1 : i32
        %dma_start3A_298 = arith.constant 0 : i32
        %dma_start3A_299 = tpu.memref_slice %arg6[%add3A_289, %dma_start3A_297, %dma_start3A_298] : memref<32x2x64xi32, #tpu.memory_space<vmem>> -> memref<1x1x64xi32, #tpu.memory_space<vmem>>
        %dma_start3A_300 = tpu.memref_squeeze %dma_start3A_299 : memref<1x1x64xi32, #tpu.memory_space<vmem>> -> memref<64xi32, #tpu.memory_space<vmem>>
        %dma_start3A_301 = arith.constant 0 : i32
        %dma_start3A_302 = arith.constant 0 : i32
        %dma_start3A_303 = tpu.memref_slice %arg12[%dma_start3A_301, %dma_start3A_302] : memref<10000x64xi32, #tpu.memory_space<vmem_shared>> -> memref<10000x64xi32, #tpu.memory_space<vmem_shared>>
        tpu.enqueue_indirect_dma source(%dma_start3A_303 : memref<10000x64xi32, #tpu.memory_space<vmem_shared>>) target(%arg10 : memref<64x64xi32, #tpu.memory_space<vmem>>) offsets(%dma_start3A_300 : memref<64xi32, #tpu.memory_space<vmem>>) semaphore(%arg14 : memref<!tpu.dma_semaphore, #tpu.memory_space<semaphore_mem>>)
      } else {
      }
      scf.yield %parallel_loop3A_278#0, %parallel_loop3A_278#1, %parallel_loop3A_278#2, %parallel_loop3A_278#3, %parallel_loop3A_278#4, %parallel_loop3A_278#5, %parallel_loop3A_278#6, %parallel_loop3A_278#7 : vector<16xf32>, vector<16xf32>, vector<16xf32>, vector<16xf32>, vector<16xf32>, vector<16xf32>, vector<16xf32>, vector<16xf32>
    }
    %scan3A_211 = arith.constant 16 : i32
    %add3A_212 = arith.addf %scan3A_210#0, %scan3A_210#1 : vector<16xf32>
    %add3A_213 = arith.addf %add3A_212, %scan3A_210#2 : vector<16xf32>
    %add3A_214 = arith.addf %add3A_213, %scan3A_210#3 : vector<16xf32>
    %add3A_215 = arith.addf %add3A_214, %scan3A_210#4 : vector<16xf32>
    %add3A_216 = arith.addf %add3A_215, %scan3A_210#5 : vector<16xf32>
    %add3A_217 = arith.addf %add3A_216, %scan3A_210#6 : vector<16xf32>
    %add3A_218 = arith.addf %add3A_217, %scan3A_210#7 : vector<16xf32>
    %mul3A_219 = vector.broadcast %squeeze3A : f32 to vector<16xf32>
    %mul3A_220 = arith.mulf %add3A_218, %mul3A_219 : vector<16xf32>
    %swap3A = arith.constant 0 : index
    %swap3A_221 = tpu.vector_load %arg11[%swap3A] {strides = array<i32>} : memref<16xf32, #tpu.memory_space<vmem>>, vector<16xf32>,
    %swap3A_222 = vector.shape_cast %swap3A_221 : vector<16xf32> to vector<16xf32>
    %swap3A_223 = vector.shape_cast %mul3A_220 : vector<16xf32> to vector<16xf32>
    tpu.vector_store %arg11[%swap3A], %swap3A_223 {strides = array<i32>} : memref<16xf32, #tpu.memory_space<vmem>>, vector<16xf32>,
    "tpu.region"() ({
      %run_scoped3A_224 = tpu.sem_alloc : memref<!tpu.dma_semaphore, #tpu.memory_space<semaphore_mem>>
      %dma_start3A_225 = arith.constant 0 : i32
      %dma_start3A_226 = tpu.memref_slice %arg5[%add3A, %dma_start3A_225] : memref<32x16xf32, #tpu.memory_space<hbm>> -> memref<1x16xf32, #tpu.memory_space<hbm>>
      %dma_start3A_227 = tpu.memref_squeeze %dma_start3A_226 : memref<1x16xf32, #tpu.memory_space<hbm>> -> memref<16xf32, #tpu.memory_space<hbm>>
      %dma_start3A_228 = arith.constant 0 : i32
      %dma_start3A_229 = tpu.memref_slice %arg5[%add3A, %dma_start3A_228] : memref<32x16xf32, #tpu.memory_space<hbm>> -> memref<1x16xf32, #tpu.memory_space<hbm>>
      %dma_start3A_230 = tpu.memref_squeeze %dma_start3A_229 : memref<1x16xf32, #tpu.memory_space<hbm>> -> memref<16xf32, #tpu.memory_space<hbm>>
      tpu.enqueue_dma source(%arg11 : memref<16xf32, #tpu.memory_space<vmem>>) target(%dma_start3A_230 : memref<16xf32, #tpu.memory_space<hbm>>) target_semaphore(%run_scoped3A_224 : memref<!tpu.dma_semaphore, #tpu.memory_space<semaphore_mem>>)
      %dma_wait3A = arith.constant 0 : i32
      %dma_wait3A_231 = tpu.memref_slice %arg5[%add3A, %dma_wait3A] : memref<32x16xf32, #tpu.memory_space<hbm>> -> memref<1x16xf32, #tpu.memory_space<hbm>>
      %dma_wait3A_232 = tpu.memref_squeeze %dma_wait3A_231 : memref<1x16xf32, #tpu.memory_space<hbm>> -> memref<16xf32, #tpu.memory_space<hbm>>
      %dma_wait3A_233 = arith.constant 0 : i32
      %dma_wait3A_234 = tpu.memref_slice %arg5[%add3A, %dma_wait3A_233] : memref<32x16xf32, #tpu.memory_space<hbm>> -> memref<1x16xf32, #tpu.memory_space<hbm>>
      %dma_wait3A_235 = tpu.memref_squeeze %dma_wait3A_234 : memref<1x16xf32, #tpu.memory_space<hbm>> -> memref<16xf32, #tpu.memory_space<hbm>>
      tpu.wait_dma2 semaphore(%run_scoped3A_224 : memref<!tpu.dma_semaphore, #tpu.memory_space<semaphore_mem>>) src(%arg11 : memref<16xf32, #tpu.memory_space<vmem>>) dst(%dma_wait3A_235 : memref<16xf32, #tpu.memory_space<hbm>>)
      tpu.yield
    }) : () -> ()
    return
  }
}

</mosaic_0001>

<sc_bundles>
// kernel: kernel.3.cloned.1.call-start
scs
__scs_entry_jumppad:
0x0: {  	(pc) =	sbr.rel $0x88, $3  }
0x1: {  	(tag) =	ssettag $0x0;
	lr =	simm.s32 $0x1  }
0x2: {  	[smem:$0x3F9F] =	sst lr;
	_ =	strace $0xD0000000  }
0x3: {  	_ = 	snop  }
0x4: {  	_ = 	snop  }
0x5: {  	_ = 	snop  }
0x6: {  	_ = 	snop  }
0x7: {  	_ = 	snop  }
__scs_overlays_trampoline_lowered:
0x8: {  	[smem:$0x3FAE] =	sst s0  }
0x9: {  	[smem:$0x3FAF] =	sst s1  }
0xa: {  	[smem:$0x3FB0] =	sst s2  }
0xb: {  	[smem:$0x3FB1] =	sst s3  }
0xc: {  	[smem:$0x3FB2] =	sst s4  }
0xd: {  	[smem:$0x3FB3] =	sst s5  }
0xe: {  	[smem:$0x3FB4] =	sst s6  }
0xf: {  	[smem:$0x3FB5] =	sst s7  }
0x10: {  	[smem:$0x3FB6] =	sst s8  }
0x11: {  	[smem:$0x3FB7] =	sst s9;
	s0 =	simm.s32 @!p0 $0x0  }
0x12: {  	s1 =	sld [smem:$0x3F9D];
	s0 =	simm.s32 @p0 $0x1  }
0x13: {  	[smem:$0x3FB8] =	sst s0;
	s0 =	simm.s32 @!p1 $0x0  }
0x14: {  	s2 =	sld [smem:$0x3F9C];
	s0 =	simm.s32 @p1 $0x1  }
0x15: {  	[smem:$0x3FB9] =	sst s0;
	s0 =	simm.s32 @!p2 $0x0  }
0x16: {  	s3 =	sld [smem:$0x3FDB];
	s0 =	simm.s32 @p2 $0x1  }
0x17: {  	s4 =	simm.s32 $0x1BF5;
	[smem:$0x3FBB] =	sst s0  }
0x18: {  	s0 =	sld [smem:$0x3F9E];
	_ =	swait.ge [sflag:s4], $0x0  }
0x19: {  	s7 =	sld [smem:$0x3F9F]  }
0x1a: {  	s8 =	sadd.s32 $0xFFFFE003, lr  }
0x1b: {  	s9 =	sadd.s32 $0xFFFFFEF7, lr;
	s5 =	simm.s32 $0xFFFFFFFF;
	p2 =	slt.u32 s8, $0xFFFFF086  }
0x1c: {  	p1 =	slt.u32 s9, $0xF7A;
	s5 =	simm.s32 @!p2 $0x0  }
0x1d: {  	s5 =	simm.s32 @p1 $0x1;
	p0 =	seq.s32 s7, s2  }
0x1e: {  	s7 =	smul.u32 @!p0 $0xF7A, s2;
	p2 =	seq.s32 @!p0 s5, $0x0  }
0x1f: {  	s9 =	smul.u32 $0xF7A, s1;
	s8 =	simm.s32 @!p0 $0x1BF5;
	p2 =	por !p2, p0  }
0x20: {  	[sflag:s8] =	ssyncset.s32 @!p0 $0xFFFFF086;
	s6 =	sadd.s32 @!p0 s3, s7;
	s7 =	simm.s32 @!p0 $0x108  }
0x21: {  	s3 =	sadd.s32 s3, s9;
	s6 =	sadd.s32 @!p0 $0x88, s6;
	s7 =	simm.s32 @p2 $0x1082  }
0x22: {  	[simem:s7], [sflag:s8] =	dma.local @!p0 [hbm:s6], $0xF7A  }
0x23: {  	s9 =	sor.u32 $0xD0000000, s2;
	s6 =	simm.s32 $0x108;
	_ =	swait.ge @!p0 [sflag:s8], $0x0  }
0x24: {  	s3 =	sadd.s32 $0x88, s3;
	s6 =	simm.s32 @!p1 $0x1082;
	[sflag:s4] =	ssyncset.s32 $0xFFFFF086  }
0x25: {  	[simem:s6], [sflag:s4] =	dma.local [hbm:s3], $0xF7A  }
0x26: {  	[smem:$0x3F9F] =	sst s1;
	(tag) =	ssettag s2;
	_ =	strace s9  }
0x27: {  	s1 =	sld [smem:$0x3FAF]  }
0x28: {  	s2 =	sld [smem:$0x3FB0]  }
0x29: {  	s4 =	sld [smem:$0x3FB2]  }
0x2a: {  	p0 =	seq.s32 s5, $0x0;
	s5 =	sld [smem:$0x3FB3]  }
0x2b: {  	s6 =	sld [smem:$0x3FB4]  }
0x2c: {  	s7 =	sld [smem:$0x3FB5]  }
0x2d: {  	s3 =	simm.s32 $0x108;
	s8 =	sld [smem:$0x3FB6]  }
0x2e: {  	s3 =	simm.s32 @!p0 $0x1082;
	s9 =	sld [smem:$0x3FB7]  }
0x2f: {  	lr =	sadd.s32 s0, s3;
	s0 =	sld [smem:$0x3FAE]  }
0x30: {  	s3 =	sld [smem:$0x3FB1]  }
0x31: {  	[smem:$0x3FBA] =	sst s10  }
0x32: {  	s10 =	sld [smem:$0x3FB8];
	_ =	sdelay $0x3  }
0x33: {  	p0 =	seq.s32 s10, $0x1;
	s10 =	sld [smem:$0x3FBA];
	_ =	sdelay $0x3  }
0x34: {  	[smem:$0x3FBA] =	sst s10  }
0x35: {  	s10 =	sld [smem:$0x3FB9];
	_ =	sdelay $0x3  }
0x36: {  	p1 =	seq.s32 s10, $0x1;
	s10 =	sld [smem:$0x3FBA];
	_ =	sdelay $0x3  }
0x37: {  	[smem:$0x3FBA] =	sst s10  }
0x38: {  	s10 =	sld [smem:$0x3FBB]  }
0x39: {  	_ = 	snop;
	(pc) =	sbr.ind lr, $3  }
0x3a: {  	_ = 	snop  }
0x3b: {  	_ = 	snop  }
0x3c: {  	p2 =	seq.s32 s10, $0x1;
	s10 =	sld [smem:$0x3FBA]  }
0x3d: {  	_ =	shalt  }
0x3e: {  	_ =	shalt  }
0x3f: {  	_ =	shalt  }
0x40: {  	_ =	shalt  }
0x41: {  	_ =	shalt  }
0x42: {  	_ =	shalt  }
0x43: {  	_ =	shalt  }
0x44: {  	_ =	shalt  }
0x45: {  	_ =	shalt  }
0x46: {  	_ =	shalt  }
0x47: {  	_ =	shalt  }
0x48: {  	_ =	shalt  }
0x49: {  	_ =	shalt  }
0x4a: {  	_ =	shalt  }
0x4b: {  	_ =	shalt  }
0x4c: {  	_ =	shalt  }
0x4d: {  	_ =	shalt  }
0x4e: {  	_ =	shalt  }
0x4f: {  	_ =	shalt  }
0x50: {  	_ =	shalt  }
0x51: {  	_ =	shalt  }
0x52: {  	_ =	shalt  }
0x53: {  	_ =	shalt  }
0x54: {  	_ =	shalt  }
0x55: {  	_ =	shalt  }
0x56: {  	_ =	shalt  }
0x57: {  	_ =	shalt  }
0x58: {  	_ =	shalt  }
0x59: {  	_ =	shalt  }
0x5a: {  	_ =	shalt  }
0x5b: {  	_ =	shalt  }
0x5c: {  	_ =	shalt  }
0x5d: {  	_ =	shalt  }
0x5e: {  	_ =	shalt  }
0x5f: {  	_ =	shalt  }
0x60: {  	_ =	shalt  }
0x61: {  	_ =	shalt  }
0x62: {  	_ =	shalt  }
0x63: {  	_ =	shalt  }
0x64: {  	_ =	shalt  }
0x65: {  	_ =	shalt  }
0x66: {  	_ =	shalt  }
0x67: {  	_ =	shalt  }
0x68: {  	_ =	shalt  }
0x69: {  	_ =	shalt  }
0x6a: {  	_ =	shalt  }
0x6b: {  	_ =	shalt  }
0x6c: {  	_ =	shalt  }
0x6d: {  	_ =	shalt  }
0x6e: {  	_ =	shalt  }
0x6f: {  	_ =	shalt  }
0x70: {  	_ =	shalt  }
0x71: {  	_ =	shalt  }
0x72: {  	_ =	shalt  }
0x73: {  	_ =	shalt  }
0x74: {  	_ =	shalt  }
0x75: {  	_ =	shalt  }
0x76: {  	_ =	shalt  }
0x77: {  	_ =	shalt  }
0x78: {  	_ =	shalt  }
0x79: {  	_ =	shalt  }
0x7a: {  	_ =	shalt  }
0x7b: {  	_ =	shalt  }
0x7c: {  	_ =	shalt  }
0x7d: {  	_ =	shalt  }
0x7e: {  	_ =	shalt  }
0x7f: {  	_ =	shalt  }
0x80: {  	_ =	shalt  }
0x81: {  	_ =	shalt  }
0x82: {  	_ =	shalt  }
0x83: {  	_ =	shalt  }
0x84: {  	_ =	shalt  }
0x85: {  	_ =	shalt  }
0x86: {  	_ =	shalt  }
0x87: {  	_ =	shalt  }
.Lfunc_end0:
.L_simem_size_0:
called_computation_lowered:
.L_overlay_start_0:
0x88: {  	s2 =	sld [smem:$0x3FD9]  }
0x89: {  	s3 =	sld [smem:$0x3FFE];
	_ =	sdelay $0x1  }
0x8a: {  	s1 =	srdreg.scid  }
0x8b: {  	s0 =	sand.u32 $0x1, s1  }
0x8c: {  	s17 =	sshll.u32 s0, $0xA;
	s2 =	sadd.s32 s3, s2  }
0x8d: {  	s2 =	sadd.s32 s2, s17  }
0x8e: {  	[smem:$0x3FC6] =	sst s2  }
0x8f: {  	_ = 	snop  }
0x90: {  	s2 =	sld [smem:$0x3FD0];
	(tm) =	ssettm $0x1  }
0x91: {  	s18 =	sld [smem:$0x3FFB];
	_ =	sdelay $0x3  }
0x92: {  	_ =	strace s18  }
0x93: {  	s3 =	sld [smem:$0x3FFC];
	_ =	sdelay $0x3  }
0x94: {  	_ =	strace s3  }
0x95: {  	s3 =	sld [smem:$0x3FFD];
	_ =	sdelay $0x3  }
0x96: {  	_ =	strace s3  }
0x97: {  	_ =	strace $0x8FFFFFFF  }
0x98: {  	s19 =	sld [smem:$0x3FDB];
	_ =	sdelay $0x1  }
0x99: {  	s4 =	simm.s32 $_scs_section_size  }
0x9a: {  	s5 =	simm.s32 $_size__tile_overlayer_lowered;
	s6 =	simm.s32 $_tile_overlayer_lowered  }
0x9b: {  	s22 =	simm.s32 $0x1BFF;
	s21 =	sshll.u32 s6, $0x1;
	s3 =	sadd.s32 s4, s19  }
0x9c: {  	s7 =	simm.s32 $0x0;
	s20 =	sshll.u32 s5, $0x1;
	s5 =	sadd.s32 s21, s3  }
0x9d: {  	[timem:s7], [sflag:s22] =	dma.local [hbm:s5], s20  }
0x9e: {  	_ =	swait.ge [sflag:s22], s20  }
0x9f: {  	s4 =	ssub.s32 $0x0, s20;
	[sflag:s22] =	ssyncset.done $0x0  }
0xa0: {  	[sflag:s22] =	ssyncadd.s32 s4;
	_ =	sdelay $0x1  }
0xa1: {  	s23 =	simm.s32 $0x1B8B  }
0xa2: {  	_ =	swait.ge [sflag:s23], $0x1  }
0xa3: {  	[sflag:s23] =	ssyncset.done $0x0  }
0xa4: {  	s25 =	simm.s32 $0x1B8E;
	s24 =	sld [smem:$0x3FFE];
	[sflag:s23] =	ssyncadd.s32 $0xFFFFFFFF  }
0xa5: {  	s26 =	simm.s32 $execute0_lowered;
	[smem:$0x3FD2] =	sst s25  }
0xa6: {  	s5 =	sshll.u32 s26, $0x1;
	_ =	strace $0x80000046;
	[dreg:$0x1] =	wrdreg $0xFFFFFFFF  }
0xa7: {  	s28 =	simm.s32 $_size_execute0_lowered;
	s3 =	sadd.s32 s3, s5;
	[dreg:$0x0] =	wrdreg $0x0  }
0xa8: {  	s5 =	sshll.u32 s28, $0x1;
	[dreg:$0x2] =	wrdreg s3  }
0xa9: {  	[dreg:$0x3] =	wrdreg s5  }
0xaa: {  	[dreg:$0x4] =	wrdreg $0xC0  }
0xab: {  	_ =	task [dreg:s7], $0x5FFFF  }
0xac: {  	[dreg:$0x1] =	wrdreg $0xFFFFFFFF  }
0xad: {  	[dreg:$0x0] =	wrdreg $0x60  }
0xae: {  	[dreg:$0x2] =	wrdreg s24  }
0xaf: {  	[dreg:$0x3] =	wrdreg s2  }
0xb0: {  	[dreg:$0x4] =	wrdreg $0x50100  }
0xb1: {  	[dreg:$0x5] =	wrdreg $0x9  }
0xb2: {  	_ =	task.clear_ibuf [dreg:s7], $0x6FFFF;
	_ =	strace $0x90000046  }
0xb3: {  	s29 =	simm.s32 $0x9;
	_ =	strace $0x80000048  }
0xb4: {  	_ =	swait.ge [sflag:s29], $0x1  }
0xb5: {  	[sflag:s29] =	ssyncadd.s32 $0xFFFFFFFF  }
0xb6: {  	_ =	strace $0x90000048  }
0xb7: {  	_ =	sfence  }
0xb8: {  	s30 =	sld [smem:$0x0];
	_ =	sdelay $0x2  }
0xb9: {  	s31 =	sshll.u32 s1, $0xD;
	s1 =	sshrl.u32 s1, $0x2  }
0xba: {  	s3 =	sand.u32 $0x4000, s31;
	s1 =	sadd.s32 s1, s30  }
0xbb: {  	s0 =	sor.u32 s3, s0;
	s1 =	sshll.u32 s1, $0x11  }
0xbc: {  	s0 =	sor.u32 s1, s0  }
0xbd: {  	s0 =	sadd.s32 $0x8F2B, s0  }
0xbe: {  	[sflag:s0] =	ssyncadd.remote.s32 $0x1  }
0xbf: {  	_ =	sfence.sel $0xFFFF  }
0xc0: {  	[dreg:$0x0] =	wrdreg $0xFFFFFFFF;
	(pc) =	sbr.abs _section_cstart, $3  }
0xc1: {  	[dreg:$0x1] =	wrdreg $0xFFFFFFFF  }
0xc2: {  	_ =	task.clear_ibuf [dreg:s7], $0x2FFFF;
	_ =	strace $0x9FFFFFFF  }
0xc3: {  	(tm) =	ssettm $0x7FFFFFFF  }
tec
execute0_lowered:
.L_overlay_start_1:
0x0: {  	(tag) =	ssettag $0x1  }
0x1: {  	s5 =	rddreg [dreg:$0x0]  }
0x2: {  	s0 =	rddreg [dreg:$0x1];
	s1 =	srdreg.scid  }
0x3: {  	s12 =	stileid.u32;
	s2 =	rddreg [dreg:$0x2];
	s3 =	simm.s32 $0x0  }
0x4: {  	s13 =	simm.s32 $0x3;
	s15 =	simm.s32 $0x40;
	s16 =	simm.s32 $0x1000  }
0x5: {  	s17 =	simm.s32 $0x2000;
	s18 =	simm.s32 $0x80;
	s19 =	simm.s32 $0x3000  }
0x6: {  	s20 =	simm.s32 $0xC0;
	s21 =	simm.s32 $0x4000;
	s22 =	simm.s32 $0x1  }
0x7: {  	s23 =	simm.s32 $0x2;
	s24 =	simm.s32 $0x5000;
	s25 =	simm.s32 $0x0  }
0x8: {  	s6 =	sand.u32 $0x1, s1;
	s4 =	sshll.u32 s12, $0x1;
	s1 =	rddreg [dreg:$0x3]  }
0x9: {  	[smem:$0x7FF] =	sst s3;
	p0 =	sne.s32 s12, $0x0;
	s7 =	sor.u32 s6, s4  }
0xa: {  	s12 =	simm.s32 $0xEC50;
	_ =	strace $0x80000047;
	s8 =	smul.u32 $0x5000, s7  }
0xb: {  	s4 =	sadd.s32 $0x14000, s5;
	s6 =	ssub.s32 $0x2, s6;
	s14 =	sshrl.u32 @!p0 s2, $0x3  }
0xc: {  	s7 =	sshll.u32 s7, $0x1;
	s9 =	sshrl.u32 s6, $0x1;
	s8 =	sshrl.u32 s8, $0x3  }
0xd: {  	s10 =	sadd.s32 s7, s5;
	s11 =	ssub.s32 s6, s9;
	s5 =	sadd.s32 s5, s8  }
0xe: {  	s10 =	sadd.s32 $0x27A00, s10;
	s11 =	smax.u32 s11, $0x1;
	s6 =	sadd.s32 $0x200, s5  }
0xf: {  	s7 =	sadd.s32 $0x400, s5;
	s8 =	sadd.s32 $0x600, s5;
	s9 =	sadd.s32 $0x800, s5  }
.LBB2_1:
0x10: {  	[tilespmem:s12], [sflag:$0x3] =	stream.linear.gather [hbm4b:s0+s3], $0x1, $0x38;
	[tilespmem:$0xEC60] =	vst v63  }
0x11: {  	_ =	swait.ge [sflag:s13], $0x1  }
0x12: {  	[sflag:s13] =	ssyncset.done $0x0  }
0x13: {  	s26 =	simm.s32 @!p0 $0x1C03;
	[sflag:s13] =	ssyncadd.s32 $0xFFFFFFFF  }
0x14: {  	v0 =	vld [tilespmem:$0xEC50];
	[spmem:s14], [sflag:s26] =	dma.local @!p0 [hbm:s4], $0x13880  }
0x15: {  	s26 =	simm.s32 @!p0 $0x3  }
0x16: {  	_ =	swait.ge @!p0 [sflag:s26], $0x13880  }
0x17: {  	[sflag:s26] =	ssyncset.done @!p0 $0x0  }
0x18: {  	[sflag:s26] =	ssyncadd.s32 @!p0 $0xFFFEC780  }
0x19: {  	[bflag:$0x0] =	sbarrier.arrive $0xFFFF  }
0x1a: {  	[tilespmem:s3], [sflag:$0x3] =	stream.linear.gather [hbm4b:s5+s3], $0x1000, $0x38;
	[tilespmem:$0xEC60] =	vst v63  }
0x1b: {  	_ =	swait.ge [sflag:s13], $0x1000  }
0x1c: {  	[sflag:s13] =	ssyncset.done $0x0  }
0x1d: {  	[sflag:s13] =	ssyncadd.s32 $0xFFFFF000  }
0x1e: {  	[tilespmem:s16], [sflag:$0x1] =	stream.indirect.gather [spmem:s2], $0x40, s3, s15, $0xb8;
	[tilespmem:$0xEC60] =	vst v63  }
0x1f: {  	_ = 	snop  }
0x20: {  	[tilespmem:s17], [sflag:$0x1] =	stream.indirect.gather [spmem:s2], $0x40, s15, s15, $0xb8;
	[tilespmem:$0xEC60] =	vst v63  }
0x21: {  	_ = 	snop  }
0x22: {  	v8 =	vimm.f32 $0.0e+00;
	v1 =	vimm.f32 $0.0e+00;
	[tilespmem:s19], [sflag:$0x2] =	stream.indirect.gather [spmem:s2], $0x40, s18, s15, $0xb8;
	[tilespmem:$0xEC60] =	vst v63  }
0x23: {  	v3 =	vimm.f32 $0.0e+00;
	v2 =	vimm.f32 $0.0e+00;
	v7 =	vimm.f32 $0.0e+00;
	s26 =	simm.s32 $0x0  }
0x24: {  	v4 =	vimm.f32 $0.0e+00;
	v5 =	vimm.f32 $0.0e+00;
	v6 =	vimm.f32 $0.0e+00;
	[tilespmem:s21], [sflag:$0x2] =	stream.indirect.gather [spmem:s2], $0x40, s20, s15, $0xb8;
	[tilespmem:$0xEC60] =	vst v63  }
.LBB2_2:
0x25: {  	_ =	swait.ge [sflag:s22], $0x1000  }
0x26: {  	[sflag:s22] =	ssyncset.done $0x0  }
0x27: {  	[sflag:s22] =	ssyncadd.s32 $0xFFFFF000  }
0x28: {  	_ =	swait.ge [sflag:s22], $0x1000  }
0x29: {  	[sflag:s22] =	ssyncset.done $0x0  }
0x2a: {  	s28 =	simm.s32 $0x0;
	[sflag:s22] =	ssyncadd.s32 $0xFFFFF000  }
0x2b: {  	v9 =	vld [tilespmem:s28+$0x1030]  }
0x2c: {  	v10 =	vld [tilespmem:s28+$0x2030]  }
0x2d: {  	v11 =	vld [tilespmem:s28+$0x1000]  }
0x2e: {  	v12 =	vld [tilespmem:s28+$0x2000]  }
0x2f: {  	v16 =	vld [tilespmem:s28+$0x1020]  }
0x30: {  	v19 =	vld [tilespmem:s28+$0x2020]  }
0x31: {  	v13 =	vld [tilespmem:s28+$0x1010];
	v15 =	vand.u32 $0xFFFF0000, v9  }
0x32: {  	v14 =	vld [tilespmem:s28+$0x2010];
	v17 =	vand.u32 $0xFFFF0000, v10;
	v9 =	vshll.u32 v9, $0x10;
	v10 =	vshll.u32 v10, $0x10  }
0x33: {  	v18 =	vand.u32 $0xFFFF0000, v11;
	v11 =	vshll.u32 v11, $0x10;
	v20 =	vand.u32 $0xFFFF0000, v12  }
0x34: {  	v12 =	vshll.u32 v12, $0x10;
	v63 =	vand.u32 $0xFFFF0000, v16;
	v16 =	vshll.u32 v16, $0x10  }
0x35: {  	v22 =	vand.u32 $0xFFFF0000, v19;
	v19 =	vshll.u32 v19, $0x10;
	v10 =	vsub.f32 v9, v10  }
0x36: {  	v9 =	vsub.f32 v15, v17;
	v15 =	vand.u32 $0xFFFF0000, v13;
	v13 =	vshll.u32 v13, $0x10  }
0x37: {  	v17 =	vsub.f32 v18, v20;
	v18 =	vand.u32 $0xFFFF0000, v14;
	v14 =	vshll.u32 v14, $0x10  }
0x38: {  	v21 =	vsub.f32 v11, v12;
	v16 =	vsub.f32 v16, v19;
	v10 =	vmul.f32 v10, v10  }
0x39: {  	s29 =	simm.s32 $0x40;
	v12 =	vsub.f32 v15, v18;
	v13 =	vsub.f32 v13, v14;
	v11 =	vmul.f32 v17, v17  }
0x3a: {  	s28 =	simm.s32 $0x200;
	v15 =	vsub.f32 v63, v22;
	v14 =	vmul.f32 v21, v21;
	v8 =	vadd.f32 v10, v8;
	v10 =	vld [tilespmem:s29+$0x1030]  }
.LBB2_3:
0x3b: {  	p1 =	sne.s32 s28, $0x3F00;
	v17 =	vld [tilespmem:s29+$0x2030];
	v6 =	vadd.f32 v11, v6;
	v11 =	vmul.f32 v12, v12;
	v12 =	vmul.f32 v13, v13  }
0x3c: {  	v13 =	vld [tilespmem:s29+$0x1000];
	v5 =	vadd.f32 v14, v5;
	v14 =	vmul.f32 v15, v15;
	v15 =	vmul.f32 v16, v16  }
0x3d: {  	v9 =	vmul.f32 v9, v9;
	v16 =	vld [tilespmem:s29+$0x2000];
	v4 =	vadd.f32 v11, v4;
	v7 =	vadd.f32 v12, v7  }
0x3e: {  	v11 =	vld [tilespmem:s29+$0x1010];
	v2 =	vadd.f32 v14, v2;
	v3 =	vadd.f32 v15, v3  }
0x3f: {  	v1 =	vadd.f32 v9, v1;
	v12 =	vld [tilespmem:s29+$0x2010];
	v14 =	vand.u32 $0xFFFF0000, v10  }
0x40: {  	v10 =	vshll.u32 v10, $0x10;
	v15 =	vld [tilespmem:s29+$0x1020];
	v9 =	vand.u32 $0xFFFF0000, v17;
	v17 =	vshll.u32 v17, $0x10  }
0x41: {  	v18 =	vand.u32 $0xFFFF0000, v13;
	v13 =	vshll.u32 v13, $0x10;
	v19 =	vld [tilespmem:s29+$0x2020];
	v10 =	vsub.f32 v10, v17  }
0x42: {  	v9 =	vsub.f32 v14, v9;
	v17 =	vand.u32 $0xFFFF0000, v16;
	v16 =	vshll.u32 v16, $0x10  }
0x43: {  	v14 =	vand.u32 $0xFFFF0000, v11;
	v20 =	vshll.u32 v11, $0x10;
	v10 =	vmul.f32 v10, v10  }
.Ltmp0:
0x44: {  	v11 =	vsub.f32 v18, v17;
	v17 =	vand.u32 $0xFFFF0000, v12;
	v18 =	vshll.u32 v12, $0x10;
	(pc) =	sbr.rel @p1 .LBB2_3-.Ltmp0, $4  }
0x45: {  	v21 =	vand.u32 $0xFFFF0000, v15;
	v22 =	vshll.u32 v15, $0x10;
	v8 =	vadd.f32 v10, v8  }
0x46: {  	v15 =	vsub.f32 v13, v16;
	v16 =	vand.u32 $0xFFFF0000, v19;
	v19 =	vshll.u32 v19, $0x10  }
0x47: {  	s29 =	sshra.s32 s28, $0x2;
	v11 =	vmul.f32 v11, v11;
	v12 =	vsub.f32 v14, v17;
	v13 =	vsub.f32 v20, v18  }
0x48: {  	s28 =	sadd.s32 $0x100, s28;
	v14 =	vmul.f32 v15, v15;
	v15 =	vsub.f32 v21, v16;
	v16 =	vsub.f32 v22, v19;
	v10 =	vld [tilespmem:s29+$0x1030]  }
0x49: {  	v17 =	vld [tilespmem:s29+$0x2030]  }
0x4a: {  	v18 =	vld [tilespmem:s29+$0x1000]  }
0x4b: {  	v19 =	vld [tilespmem:s29+$0x2000]  }
0x4c: {  	v20 =	vld [tilespmem:s29+$0x1010];
	p1 =	seq.s32 s26, $0xF;
	v6 =	vadd.f32 v11, v6;
	v11 =	vmul.f32 v12, v12  }
0x4d: {  	v12 =	vmul.f32 v13, v13;
	v13 =	vld [tilespmem:s29+$0x2010];
	v9 =	vmul.f32 v9, v9;
	s28 =	sshll.u32 @!p1 s26, $0x8  }
0x4e: {  	v5 =	vadd.f32 v14, v5;
	v14 =	vmul.f32 v15, v15;
	v15 =	vmul.f32 v16, v16;
	v16 =	vld [tilespmem:s29+$0x1020];
	s28 =	sand.u32 @!p1 $0x3FFFFF00, s28  }
0x4f: {  	s30 =	simm.s32 @!p1 $0x40;
	s31 =	simm.s32 @!p1 $0x1000;
	v4 =	vadd.f32 v11, v4;
	v7 =	vadd.f32 v12, v7;
	v11 =	vld [tilespmem:s29+$0x2020];
	s29 =	sadd.s32 @!p1 $0x100, s28  }
0x50: {  	v1 =	vadd.f32 v9, v1;
	v12 =	vadd.f32 v14, v2;
	[tilespmem:s31], [sflag:$0x1] =	stream.indirect.gather @!p1 [spmem:s2], $0x40, s29, s30, $0xb8;
	[tilespmem:$0xEC60] =	vst v63  }
0x51: {  	v14 =	vadd.f32 v15, v3;
	v2 =	vand.u32 $0xFFFF0000, v10;
	v9 =	vshll.u32 v10, $0x10;
	s29 =	sadd.s32 @!p1 $0x140, s28;
	s31 =	simm.s32 @!p1 $0x2000  }
0x52: {  	v3 =	vand.u32 $0xFFFF0000, v17;
	v10 =	vshll.u32 v17, $0x10;
	v15 =	vand.u32 $0xFFFF0000, v18;
	[tilespmem:s31], [sflag:$0x1] =	stream.indirect.gather @!p1 [spmem:s2], $0x40, s29, s30, $0xb8;
	[tilespmem:$0xEC60] =	vst v63  }
0x53: {  	v17 =	vshll.u32 v18, $0x10;
	v18 =	vshll.u32 v19, $0x10;
	v9 =	vsub.f32 v9, v10;
	_ =	swait.ge [sflag:s23], $0x1000  }
0x54: {  	v10 =	vand.u32 $0xFFFF0000, v19;
	v19 =	vsub.f32 v2, v3;
	v2 =	vand.u32 $0xFFFF0000, v20;
	[sflag:s23] =	ssyncset.done $0x0  }
0x55: {  	v3 =	vshll.u32 v20, $0x10;
	v62 =	vand.u32 $0xFFFF0000, v16;
	v10 =	vsub.f32 v15, v10;
	[sflag:s23] =	ssyncadd.s32 $0xFFFFF000  }
0x56: {  	v16 =	vshll.u32 v16, $0x10;
	v15 =	vand.u32 $0xFFFF0000, v13;
	v9 =	vmul.f32 v9, v9;
	_ =	swait.ge [sflag:s23], $0x1000  }
0x57: {  	v13 =	vshll.u32 v13, $0x10;
	v15 =	vsub.f32 v2, v15;
	v10 =	vmul.f32 v10, v10;
	[sflag:s23] =	ssyncset.done $0x0  }
0x58: {  	s29 =	simm.s32 $0x0;
	v21 =	vadd.f32 v9, v8;
	v8 =	vsub.f32 v17, v18;
	v9 =	vand.u32 $0xFFFF0000, v11;
	[sflag:s23] =	ssyncadd.s32 $0xFFFFF000  }
0x59: {  	v3 =	vsub.f32 v3, v13;
	v11 =	vshll.u32 v11, $0x10;
	v9 =	vsub.f32 v62, v9;
	v13 =	vld [tilespmem:s29+$0x3030]  }
0x5a: {  	v11 =	vsub.f32 v16, v11;
	v2 =	vadd.f32 v10, v6;
	v8 =	vmul.f32 v8, v8;
	v10 =	vld [tilespmem:s29+$0x4030]  }
0x5b: {  	v6 =	vmul.f32 v15, v15;
	v15 =	vmul.f32 v3, v3;
	v17 =	vld [tilespmem:s29+$0x4000]  }
0x5c: {  	v11 =	vmul.f32 v11, v11;
	v3 =	vadd.f32 v8, v5;
	v5 =	vmul.f32 v9, v9;
	v9 =	vld [tilespmem:s29+$0x3000]  }
0x5d: {  	v16 =	vmul.f32 v19, v19;
	v8 =	vadd.f32 v15, v7;
	v7 =	vld [tilespmem:s29+$0x3010]  }
0x5e: {  	v4 =	vadd.f32 v6, v4;
	v6 =	vadd.f32 v11, v14;
	v14 =	vld [tilespmem:s29+$0x3020]  }
0x5f: {  	v1 =	vadd.f32 v16, v1;
	v19 =	vld [tilespmem:s29+$0x4020];
	v5 =	vadd.f32 v5, v12;
	v12 =	vand.u32 $0xFFFF0000, v13  }
0x60: {  	v11 =	vld [tilespmem:s29+$0x4010];
	v15 =	vand.u32 $0xFFFF0000, v10;
	v13 =	vshll.u32 v13, $0x10;
	v10 =	vshll.u32 v10, $0x10  }
0x61: {  	v16 =	vand.u32 $0xFFFF0000, v9;
	v18 =	vshll.u32 v9, $0x10;
	v10 =	vsub.f32 v13, v10  }
0x62: {  	v13 =	vand.u32 $0xFFFF0000, v17;
	v17 =	vshll.u32 v17, $0x10;
	v9 =	vsub.f32 v12, v15  }
0x63: {  	v12 =	vand.u32 $0xFFFF0000, v7;
	v15 =	vshll.u32 v7, $0x10;
	v63 =	vand.u32 $0xFFFF0000, v14  }
0x64: {  	v22 =	vshll.u32 v14, $0x10;
	v14 =	vsub.f32 v18, v17;
	v17 =	vand.u32 $0xFFFF0000, v19  }
0x65: {  	v7 =	vmul.f32 v10, v10;
	v10 =	vsub.f32 v16, v13;
	v13 =	vand.u32 $0xFFFF0000, v11  }
0x66: {  	v18 =	vshll.u32 v19, $0x10;
	v16 =	vshll.u32 v11, $0x10;
	v12 =	vsub.f32 v12, v13  }
0x67: {  	s29 =	simm.s32 $0x40;
	v13 =	vsub.f32 v15, v16;
	v15 =	vsub.f32 v63, v17;
	v11 =	vmul.f32 v10, v10  }
0x68: {  	s26 =	sadd.s32 $0x1, s26;
	s30 =	simm.s32 $0x200;
	v14 =	vmul.f32 v14, v14;
	v16 =	vsub.f32 v22, v18;
	v7 =	vadd.f32 v7, v21;
	v10 =	vld [tilespmem:s29+$0x3030]  }
.LBB2_5:
0x69: {  	p2 =	sne.s32 s30, $0x3F00;
	v17 =	vld [tilespmem:s29+$0x4030];
	v2 =	vadd.f32 v11, v2;
	v11 =	vmul.f32 v12, v12;
	v12 =	vmul.f32 v13, v13  }
0x6a: {  	v13 =	vld [tilespmem:s29+$0x3000];
	v3 =	vadd.f32 v14, v3;
	v14 =	vmul.f32 v15, v15;
	v15 =	vmul.f32 v16, v16  }
0x6b: {  	v9 =	vmul.f32 v9, v9;
	v16 =	vld [tilespmem:s29+$0x4000];
	v4 =	vadd.f32 v11, v4;
	v8 =	vadd.f32 v12, v8  }
0x6c: {  	v11 =	vld [tilespmem:s29+$0x3010];
	v5 =	vadd.f32 v14, v5;
	v6 =	vadd.f32 v15, v6  }
0x6d: {  	v1 =	vadd.f32 v9, v1;
	v12 =	vld [tilespmem:s29+$0x4010];
	v14 =	vand.u32 $0xFFFF0000, v10  }
0x6e: {  	v10 =	vshll.u32 v10, $0x10;
	v15 =	vld [tilespmem:s29+$0x3020];
	v9 =	vand.u32 $0xFFFF0000, v17;
	v17 =	vshll.u32 v17, $0x10  }
0x6f: {  	v18 =	vand.u32 $0xFFFF0000, v13;
	v13 =	vshll.u32 v13, $0x10;
	v19 =	vld [tilespmem:s29+$0x4020];
	v10 =	vsub.f32 v10, v17  }
0x70: {  	v9 =	vsub.f32 v14, v9;
	v17 =	vand.u32 $0xFFFF0000, v16;
	v16 =	vshll.u32 v16, $0x10  }
0x71: {  	v14 =	vand.u32 $0xFFFF0000, v11;
	v20 =	vshll.u32 v11, $0x10;
	v10 =	vmul.f32 v10, v10  }
.Ltmp1:
0x72: {  	v11 =	vsub.f32 v18, v17;
	v17 =	vand.u32 $0xFFFF0000, v12;
	v18 =	vshll.u32 v12, $0x10;
	(pc) =	sbr.rel @p2 .LBB2_5-.Ltmp1, $4  }
0x73: {  	v21 =	vand.u32 $0xFFFF0000, v15;
	v22 =	vshll.u32 v15, $0x10;
	v7 =	vadd.f32 v10, v7  }
0x74: {  	v15 =	vsub.f32 v13, v16;
	v16 =	vand.u32 $0xFFFF0000, v19;
	v19 =	vshll.u32 v19, $0x10  }
0x75: {  	s29 =	sshra.s32 s30, $0x2;
	v11 =	vmul.f32 v11, v11;
	v12 =	vsub.f32 v14, v17;
	v13 =	vsub.f32 v20, v18  }
0x76: {  	s30 =	sadd.s32 $0x100, s30;
	v14 =	vmul.f32 v15, v15;
	v15 =	vsub.f32 v21, v16;
	v16 =	vsub.f32 v22, v19;
	v10 =	vld [tilespmem:s29+$0x3030]  }
0x77: {  	v17 =	vld [tilespmem:s29+$0x4030]  }
0x78: {  	v51 =	vld [tilespmem:s29+$0x3000]  }
0x79: {  	v2 =	vadd.f32 v11, v2;
	v11 =	vmul.f32 v12, v12;
	v50 =	vmul.f32 v13, v13;
	v54 =	vld [tilespmem:s29+$0x4000]  }
0x7a: {  	v19 =	vld [tilespmem:s29+$0x4020];
	v3 =	vadd.f32 v14, v3;
	v52 =	vmul.f32 v15, v15;
	v53 =	vmul.f32 v16, v16  }
0x7b: {  	v4 =	vadd.f32 v11, v4;
	v11 =	vadd.f32 v50, v8;
	v8 =	vmul.f32 v9, v9;
	v9 =	vld [tilespmem:s29+$0x3010]  }
0x7c: {  	v55 =	vadd.f32 v52, v5;
	v56 =	vadd.f32 v53, v6;
	v5 =	vld [tilespmem:s29+$0x4010];
	v6 =	vand.u32 $0xFFFF0000, v10  }
0x7d: {  	v1 =	vadd.f32 v8, v1;
	v8 =	vld [tilespmem:s29+$0x3020];
	v10 =	vshll.u32 v10, $0x10;
	v57 =	vand.u32 $0xFFFF0000, v17  }
0x7e: {  	v17 =	vshll.u32 v17, $0x10;
	v18 =	vand.u32 $0xFFFF0000, v51;
	v13 =	vshll.u32 v51, $0x10  }
0x7f: {  	v58 =	vand.u32 $0xFFFF0000, v54;
	v16 =	vshll.u32 v54, $0x10;
	v10 =	vsub.f32 v10, v17  }
0x80: {  	v60 =	vshll.u32 v19, $0x10;
	v15 =	vsub.f32 v6, v57;
	v17 =	vsub.f32 v18, v58  }
0x81: {  	s30 =	simm.s32 @!p1 $0x40;
	s31 =	simm.s32 @!p1 $0x3000;
	s29 =	sadd.s32 @!p1 $0x180, s28;
	v6 =	vand.u32 $0xFFFF0000, v9;
	v9 =	vshll.u32 v9, $0x10;
	v10 =	vmul.f32 v10, v10  }
0x82: {  	[tilespmem:s31], [sflag:$0x2] =	stream.indirect.gather @!p1 [spmem:s2], $0x40, s29, s30, $0xb8;
	v59 =	vand.u32 $0xFFFF0000, v5;
	v5 =	vshll.u32 v5, $0x10;
	v20 =	vand.u32 $0xFFFF0000, v8;
	[tilespmem:$0xEC60] =	vst v63  }
0x83: {  	p2 =	sne.s32 @!p1 s26, $0x10;
	s28 =	sadd.s32 @!p1 $0x1C0, s28;
	s29 =	simm.s32 @!p1 $0x4000;
	v21 =	vshll.u32 v8, $0x10;
	v8 =	vadd.f32 v10, v7;
	v7 =	vsub.f32 v13, v16  }
0x84: {  	[tilespmem:s29], [sflag:$0x2] =	stream.indirect.gather @!p1 [spmem:s2], $0x40, s28, s30, $0xb8;
	v61 =	vmul.f32 v17, v17;
	v62 =	vsub.f32 v6, v59;
	v10 =	vand.u32 $0xFFFF0000, v19;
	[tilespmem:$0xEC60] =	vst v63  }
0x85: {  	p1 =	por p1, !p2;
	v5 =	vsub.f32 v9, v5;
	v9 =	vsub.f32 v20, v10;
	v7 =	vmul.f32 v7, v7  }
.Ltmp2:
0x86: {  	v6 =	vadd.f32 v61, v2;
	v10 =	vsub.f32 v21, v60;
	v2 =	vmul.f32 v62, v62;
	(pc) =	sbr.rel @!p1 .LBB2_2-.Ltmp2, $4  }
0x87: {  	v63 =	vmul.f32 v5, v5;
	v5 =	vadd.f32 v7, v3;
	v3 =	vmul.f32 v9, v9  }
0x88: {  	v4 =	vadd.f32 v2, v4;
	v9 =	vmul.f32 v10, v10;
	v10 =	vmul.f32 v15, v15  }
0x89: {  	v7 =	vadd.f32 v63, v11;
	v2 =	vadd.f32 v3, v55  }
0x8a: {  	v3 =	vadd.f32 v9, v56;
	v1 =	vadd.f32 v10, v1  }
0x8b: {  	s26 =	simm.s32 $0x0  }
0x8c: {  	[tilespmem:s26], [sflag:$0x3] =	stream.linear.gather [hbm4b:s6+s26], $0x1000, $0x38;
	[tilespmem:$0xEC60] =	vst v63  }
0x8d: {  	_ =	swait.ge [sflag:s13], $0x1000  }
0x8e: {  	[sflag:s13] =	ssyncset.done $0x0  }
0x8f: {  	[sflag:s13] =	ssyncadd.s32 $0xFFFFF000  }
0x90: {  	[tilespmem:s16], [sflag:$0x1] =	stream.indirect.gather [spmem:s2], $0x40, s26, s15, $0xb8;
	[tilespmem:$0xEC60] =	vst v63  }
0x91: {  	_ = 	snop  }
0x92: {  	[tilespmem:s17], [sflag:$0x1] =	stream.indirect.gather [spmem:s2], $0x40, s15, s15, $0xb8;
	[tilespmem:$0xEC60] =	vst v63  }
0x93: {  	_ = 	snop  }
0x94: {  	[tilespmem:s19], [sflag:$0x2] =	stream.indirect.gather [spmem:s2], $0x40, s18, s15, $0xb8;
	[tilespmem:$0xEC60] =	vst v63  }
0x95: {  	_ = 	snop  }
0x96: {  	[tilespmem:s21], [sflag:$0x2] =	stream.indirect.gather [spmem:s2], $0x40, s20, s15, $0xb8;
	[tilespmem:$0xEC60] =	vst v63  }
.LBB2_8:
0x97: {  	_ =	swait.ge [sflag:s22], $0x1000  }
0x98: {  	[sflag:s22] =	ssyncset.done $0x0  }
0x99: {  	[sflag:s22] =	ssyncadd.s32 $0xFFFFF000  }
0x9a: {  	_ =	swait.ge [sflag:s22], $0x1000  }
0x9b: {  	[sflag:s22] =	ssyncset.done $0x0  }
0x9c: {  	s28 =	simm.s32 $0x0;
	[sflag:s22] =	ssyncadd.s32 $0xFFFFF000  }
0x9d: {  	v9 =	vld [tilespmem:s28+$0x1030]  }
0x9e: {  	v10 =	vld [tilespmem:s28+$0x2030]  }
0x9f: {  	v11 =	vld [tilespmem:s28+$0x1000]  }
0xa0: {  	v12 =	vld [tilespmem:s28+$0x2000]  }
0xa1: {  	v16 =	vld [tilespmem:s28+$0x1020]  }
0xa2: {  	v19 =	vld [tilespmem:s28+$0x2020]  }
0xa3: {  	v13 =	vld [tilespmem:s28+$0x1010];
	v15 =	vand.u32 $0xFFFF0000, v9  }
0xa4: {  	v14 =	vld [tilespmem:s28+$0x2010];
	v17 =	vand.u32 $0xFFFF0000, v10;
	v9 =	vshll.u32 v9, $0x10;
	v10 =	vshll.u32 v10, $0x10  }
0xa5: {  	v18 =	vand.u32 $0xFFFF0000, v11;
	v11 =	vshll.u32 v11, $0x10;
	v20 =	vand.u32 $0xFFFF0000, v12  }
0xa6: {  	v12 =	vshll.u32 v12, $0x10;
	v63 =	vand.u32 $0xFFFF0000, v16;
	v16 =	vshll.u32 v16, $0x10  }
0xa7: {  	v22 =	vand.u32 $0xFFFF0000, v19;
	v19 =	vshll.u32 v19, $0x10;
	v10 =	vsub.f32 v9, v10  }
0xa8: {  	v9 =	vsub.f32 v15, v17;
	v15 =	vand.u32 $0xFFFF0000, v13;
	v13 =	vshll.u32 v13, $0x10  }
0xa9: {  	v17 =	vsub.f32 v18, v20;
	v18 =	vand.u32 $0xFFFF0000, v14;
	v14 =	vshll.u32 v14, $0x10  }
0xaa: {  	v21 =	vsub.f32 v11, v12;
	v16 =	vsub.f32 v16, v19;
	v10 =	vmul.f32 v10, v10  }
0xab: {  	s29 =	simm.s32 $0x40;
	v12 =	vsub.f32 v15, v18;
	v13 =	vsub.f32 v13, v14;
	v11 =	vmul.f32 v17, v17  }
0xac: {  	s28 =	simm.s32 $0x200;
	v15 =	vsub.f32 v63, v22;
	v14 =	vmul.f32 v21, v21;
	v8 =	vadd.f32 v10, v8;
	v10 =	vld [tilespmem:s29+$0x1030]  }
.LBB2_9:
0xad: {  	p1 =	sne.s32 s28, $0x3F00;
	v17 =	vld [tilespmem:s29+$0x2030];
	v6 =	vadd.f32 v11, v6;
	v11 =	vmul.f32 v12, v12;
	v12 =	vmul.f32 v13, v13  }
0xae: {  	v13 =	vld [tilespmem:s29+$0x1000];
	v5 =	vadd.f32 v14, v5;
	v14 =	vmul.f32 v15, v15;
	v15 =	vmul.f32 v16, v16  }
0xaf: {  	v9 =	vmul.f32 v9, v9;
	v16 =	vld [tilespmem:s29+$0x2000];
	v4 =	vadd.f32 v11, v4;
	v7 =	vadd.f32 v12, v7  }
0xb0: {  	v11 =	vld [tilespmem:s29+$0x1010];
	v2 =	vadd.f32 v14, v2;
	v3 =	vadd.f32 v15, v3  }
0xb1: {  	v1 =	vadd.f32 v9, v1;
	v12 =	vld [tilespmem:s29+$0x2010];
	v14 =	vand.u32 $0xFFFF0000, v10  }
0xb2: {  	v10 =	vshll.u32 v10, $0x10;
	v15 =	vld [tilespmem:s29+$0x1020];
	v9 =	vand.u32 $0xFFFF0000, v17;
	v17 =	vshll.u32 v17, $0x10  }
0xb3: {  	v18 =	vand.u32 $0xFFFF0000, v13;
	v13 =	vshll.u32 v13, $0x10;
	v19 =	vld [tilespmem:s29+$0x2020];
	v10 =	vsub.f32 v10, v17  }
0xb4: {  	v9 =	vsub.f32 v14, v9;
	v17 =	vand.u32 $0xFFFF0000, v16;
	v16 =	vshll.u32 v16, $0x10  }
0xb5: {  	v14 =	vand.u32 $0xFFFF0000, v11;
	v20 =	vshll.u32 v11, $0x10;
	v10 =	vmul.f32 v10, v10  }
.Ltmp3:
0xb6: {  	v11 =	vsub.f32 v18, v17;
	v17 =	vand.u32 $0xFFFF0000, v12;
	v18 =	vshll.u32 v12, $0x10;
	(pc) =	sbr.rel @p1 .LBB2_9-.Ltmp3, $4  }
0xb7: {  	v21 =	vand.u32 $0xFFFF0000, v15;
	v22 =	vshll.u32 v15, $0x10;
	v8 =	vadd.f32 v10, v8  }
0xb8: {  	v15 =	vsub.f32 v13, v16;
	v16 =	vand.u32 $0xFFFF0000, v19;
	v19 =	vshll.u32 v19, $0x10  }
0xb9: {  	s29 =	sshra.s32 s28, $0x2;
	v11 =	vmul.f32 v11, v11;
	v12 =	vsub.f32 v14, v17;
	v13 =	vsub.f32 v20, v18  }
0xba: {  	s28 =	sadd.s32 $0x100, s28;
	v14 =	vmul.f32 v15, v15;
	v15 =	vsub.f32 v21, v16;
	v16 =	vsub.f32 v22, v19;
	v10 =	vld [tilespmem:s29+$0x1030]  }
0xbb: {  	v17 =	vld [tilespmem:s29+$0x2030]  }
0xbc: {  	v18 =	vld [tilespmem:s29+$0x1000]  }
0xbd: {  	v19 =	vld [tilespmem:s29+$0x2000]  }
0xbe: {  	v20 =	vld [tilespmem:s29+$0x1010];
	p1 =	seq.s32 s26, $0xF;
	v6 =	vadd.f32 v11, v6;
	v11 =	vmul.f32 v12, v12  }
0xbf: {  	v12 =	vmul.f32 v13, v13;
	v13 =	vld [tilespmem:s29+$0x2010];
	v9 =	vmul.f32 v9, v9;
	s28 =	sshll.u32 @!p1 s26, $0x8  }
0xc0: {  	v5 =	vadd.f32 v14, v5;
	v14 =	vmul.f32 v15, v15;
	v15 =	vmul.f32 v16, v16;
	v16 =	vld [tilespmem:s29+$0x1020];
	s28 =	sand.u32 @!p1 $0x3FFFFF00, s28  }
0xc1: {  	s30 =	simm.s32 @!p1 $0x40;
	s31 =	simm.s32 @!p1 $0x1000;
	v4 =	vadd.f32 v11, v4;
	v7 =	vadd.f32 v12, v7;
	v11 =	vld [tilespmem:s29+$0x2020];
	s29 =	sadd.s32 @!p1 $0x100, s28  }
0xc2: {  	v1 =	vadd.f32 v9, v1;
	v12 =	vadd.f32 v14, v2;
	[tilespmem:s31], [sflag:$0x1] =	stream.indirect.gather @!p1 [spmem:s2], $0x40, s29, s30, $0xb8;
	[tilespmem:$0xEC60] =	vst v63  }
0xc3: {  	v14 =	vadd.f32 v15, v3;
	v2 =	vand.u32 $0xFFFF0000, v10;
	v9 =	vshll.u32 v10, $0x10;
	s29 =	sadd.s32 @!p1 $0x140, s28;
	s31 =	simm.s32 @!p1 $0x2000  }
0xc4: {  	v3 =	vand.u32 $0xFFFF0000, v17;
	v10 =	vshll.u32 v17, $0x10;
	v15 =	vand.u32 $0xFFFF0000, v18;
	[tilespmem:s31], [sflag:$0x1] =	stream.indirect.gather @!p1 [spmem:s2], $0x40, s29, s30, $0xb8;
	[tilespmem:$0xEC60] =	vst v63  }
0xc5: {  	v17 =	vshll.u32 v18, $0x10;
	v18 =	vshll.u32 v19, $0x10;
	v9 =	vsub.f32 v9, v10;
	_ =	swait.ge [sflag:s23], $0x1000  }
0xc6: {  	v10 =	vand.u32 $0xFFFF0000, v19;
	v19 =	vsub.f32 v2, v3;
	v2 =	vand.u32 $0xFFFF0000, v20;
	[sflag:s23] =	ssyncset.done $0x0  }
0xc7: {  	v3 =	vshll.u32 v20, $0x10;
	v62 =	vand.u32 $0xFFFF0000, v16;
	v10 =	vsub.f32 v15, v10;
	[sflag:s23] =	ssyncadd.s32 $0xFFFFF000  }
0xc8: {  	v16 =	vshll.u32 v16, $0x10;
	v15 =	vand.u32 $0xFFFF0000, v13;
	v9 =	vmul.f32 v9, v9;
	_ =	swait.ge [sflag:s23], $0x1000  }
0xc9: {  	v13 =	vshll.u32 v13, $0x10;
	v15 =	vsub.f32 v2, v15;
	v10 =	vmul.f32 v10, v10;
	[sflag:s23] =	ssyncset.done $0x0  }
0xca: {  	s29 =	simm.s32 $0x0;
	v21 =	vadd.f32 v9, v8;
	v8 =	vsub.f32 v17, v18;
	v9 =	vand.u32 $0xFFFF0000, v11;
	[sflag:s23] =	ssyncadd.s32 $0xFFFFF000  }
0xcb: {  	v3 =	vsub.f32 v3, v13;
	v11 =	vshll.u32 v11, $0x10;
	v9 =	vsub.f32 v62, v9;
	v13 =	vld [tilespmem:s29+$0x3030]  }
0xcc: {  	v11 =	vsub.f32 v16, v11;
	v2 =	vadd.f32 v10, v6;
	v8 =	vmul.f32 v8, v8;
	v10 =	vld [tilespmem:s29+$0x4030]  }
0xcd: {  	v6 =	vmul.f32 v15, v15;
	v15 =	vmul.f32 v3, v3;
	v17 =	vld [tilespmem:s29+$0x4000]  }
0xce: {  	v11 =	vmul.f32 v11, v11;
	v3 =	vadd.f32 v8, v5;
	v5 =	vmul.f32 v9, v9;
	v9 =	vld [tilespmem:s29+$0x3000]  }
0xcf: {  	v16 =	vmul.f32 v19, v19;
	v8 =	vadd.f32 v15, v7;
	v7 =	vld [tilespmem:s29+$0x3010]  }
0xd0: {  	v4 =	vadd.f32 v6, v4;
	v6 =	vadd.f32 v11, v14;
	v14 =	vld [tilespmem:s29+$0x3020]  }
0xd1: {  	v1 =	vadd.f32 v16, v1;
	v19 =	vld [tilespmem:s29+$0x4020];
	v5 =	vadd.f32 v5, v12;
	v12 =	vand.u32 $0xFFFF0000, v13  }
0xd2: {  	v11 =	vld [tilespmem:s29+$0x4010];
	v15 =	vand.u32 $0xFFFF0000, v10;
	v13 =	vshll.u32 v13, $0x10;
	v10 =	vshll.u32 v10, $0x10  }
0xd3: {  	v16 =	vand.u32 $0xFFFF0000, v9;
	v18 =	vshll.u32 v9, $0x10;
	v10 =	vsub.f32 v13, v10  }
0xd4: {  	v13 =	vand.u32 $0xFFFF0000, v17;
	v17 =	vshll.u32 v17, $0x10;
	v9 =	vsub.f32 v12, v15  }
0xd5: {  	v12 =	vand.u32 $0xFFFF0000, v7;
	v15 =	vshll.u32 v7, $0x10;
	v63 =	vand.u32 $0xFFFF0000, v14  }
0xd6: {  	v22 =	vshll.u32 v14, $0x10;
	v14 =	vsub.f32 v18, v17;
	v17 =	vand.u32 $0xFFFF0000, v19  }
0xd7: {  	v7 =	vmul.f32 v10, v10;
	v10 =	vsub.f32 v16, v13;
	v13 =	vand.u32 $0xFFFF0000, v11  }
0xd8: {  	v18 =	vshll.u32 v19, $0x10;
	v16 =	vshll.u32 v11, $0x10;
	v12 =	vsub.f32 v12, v13  }
0xd9: {  	s29 =	simm.s32 $0x40;
	v13 =	vsub.f32 v15, v16;
	v15 =	vsub.f32 v63, v17;
	v11 =	vmul.f32 v10, v10  }
0xda: {  	s26 =	sadd.s32 $0x1, s26;
	s30 =	simm.s32 $0x200;
	v14 =	vmul.f32 v14, v14;
	v16 =	vsub.f32 v22, v18;
	v7 =	vadd.f32 v7, v21;
	v10 =	vld [tilespmem:s29+$0x3030]  }
.LBB2_11:
0xdb: {  	p2 =	sne.s32 s30, $0x3F00;
	v17 =	vld [tilespmem:s29+$0x4030];
	v2 =	vadd.f32 v11, v2;
	v11 =	vmul.f32 v12, v12;
	v12 =	vmul.f32 v13, v13  }
0xdc: {  	v13 =	vld [tilespmem:s29+$0x3000];
	v3 =	vadd.f32 v14, v3;
	v14 =	vmul.f32 v15, v15;
	v15 =	vmul.f32 v16, v16  }
0xdd: {  	v9 =	vmul.f32 v9, v9;
	v16 =	vld [tilespmem:s29+$0x4000];
	v4 =	vadd.f32 v11, v4;
	v8 =	vadd.f32 v12, v8  }
0xde: {  	v11 =	vld [tilespmem:s29+$0x3010];
	v5 =	vadd.f32 v14, v5;
	v6 =	vadd.f32 v15, v6  }
0xdf: {  	v1 =	vadd.f32 v9, v1;
	v12 =	vld [tilespmem:s29+$0x4010];
	v14 =	vand.u32 $0xFFFF0000, v10  }
0xe0: {  	v10 =	vshll.u32 v10, $0x10;
	v15 =	vld [tilespmem:s29+$0x3020];
	v9 =	vand.u32 $0xFFFF0000, v17;
	v17 =	vshll.u32 v17, $0x10  }
0xe1: {  	v18 =	vand.u32 $0xFFFF0000, v13;
	v13 =	vshll.u32 v13, $0x10;
	v19 =	vld [tilespmem:s29+$0x4020];
	v10 =	vsub.f32 v10, v17  }
0xe2: {  	v9 =	vsub.f32 v14, v9;
	v17 =	vand.u32 $0xFFFF0000, v16;
	v16 =	vshll.u32 v16, $0x10  }
0xe3: {  	v14 =	vand.u32 $0xFFFF0000, v11;
	v20 =	vshll.u32 v11, $0x10;
	v10 =	vmul.f32 v10, v10  }
.Ltmp4:
0xe4: {  	v11 =	vsub.f32 v18, v17;
	v17 =	vand.u32 $0xFFFF0000, v12;
	v18 =	vshll.u32 v12, $0x10;
	(pc) =	sbr.rel @p2 .LBB2_11-.Ltmp4, $4  }
0xe5: {  	v21 =	vand.u32 $0xFFFF0000, v15;
	v22 =	vshll.u32 v15, $0x10;
	v7 =	vadd.f32 v10, v7  }
0xe6: {  	v15 =	vsub.f32 v13, v16;
	v16 =	vand.u32 $0xFFFF0000, v19;
	v19 =	vshll.u32 v19, $0x10  }
0xe7: {  	s29 =	sshra.s32 s30, $0x2;
	v11 =	vmul.f32 v11, v11;
	v12 =	vsub.f32 v14, v17;
	v13 =	vsub.f32 v20, v18  }
0xe8: {  	s30 =	sadd.s32 $0x100, s30;
	v14 =	vmul.f32 v15, v15;
	v15 =	vsub.f32 v21, v16;
	v16 =	vsub.f32 v22, v19;
	v10 =	vld [tilespmem:s29+$0x3030]  }
0xe9: {  	v17 =	vld [tilespmem:s29+$0x4030]  }
0xea: {  	v51 =	vld [tilespmem:s29+$0x3000]  }
0xeb: {  	v2 =	vadd.f32 v11, v2;
	v11 =	vmul.f32 v12, v12;
	v50 =	vmul.f32 v13, v13;
	v54 =	vld [tilespmem:s29+$0x4000]  }
0xec: {  	v19 =	vld [tilespmem:s29+$0x4020];
	v3 =	vadd.f32 v14, v3;
	v52 =	vmul.f32 v15, v15;
	v53 =	vmul.f32 v16, v16  }
0xed: {  	v4 =	vadd.f32 v11, v4;
	v11 =	vadd.f32 v50, v8;
	v8 =	vmul.f32 v9, v9;
	v9 =	vld [tilespmem:s29+$0x3010]  }
0xee: {  	v55 =	vadd.f32 v52, v5;
	v56 =	vadd.f32 v53, v6;
	v5 =	vld [tilespmem:s29+$0x4010];
	v6 =	vand.u32 $0xFFFF0000, v10  }
0xef: {  	v1 =	vadd.f32 v8, v1;
	v8 =	vld [tilespmem:s29+$0x3020];
	v10 =	vshll.u32 v10, $0x10;
	v57 =	vand.u32 $0xFFFF0000, v17  }
0xf0: {  	v17 =	vshll.u32 v17, $0x10;
	v18 =	vand.u32 $0xFFFF0000, v51;
	v13 =	vshll.u32 v51, $0x10  }
0xf1: {  	v58 =	vand.u32 $0xFFFF0000, v54;
	v16 =	vshll.u32 v54, $0x10;
	v10 =	vsub.f32 v10, v17  }
0xf2: {  	v60 =	vshll.u32 v19, $0x10;
	v15 =	vsub.f32 v6, v57;
	v17 =	vsub.f32 v18, v58  }
0xf3: {  	s30 =	simm.s32 @!p1 $0x40;
	s31 =	simm.s32 @!p1 $0x3000;
	s29 =	sadd.s32 @!p1 $0x180, s28;
	v6 =	vand.u32 $0xFFFF0000, v9;
	v9 =	vshll.u32 v9, $0x10;
	v10 =	vmul.f32 v10, v10  }
0xf4: {  	[tilespmem:s31], [sflag:$0x2] =	stream.indirect.gather @!p1 [spmem:s2], $0x40, s29, s30, $0xb8;
	v59 =	vand.u32 $0xFFFF0000, v5;
	v5 =	vshll.u32 v5, $0x10;
	v20 =	vand.u32 $0xFFFF0000, v8;
	[tilespmem:$0xEC60] =	vst v63  }
0xf5: {  	p2 =	sne.s32 @!p1 s26, $0x10;
	s28 =	sadd.s32 @!p1 $0x1C0, s28;
	s29 =	simm.s32 @!p1 $0x4000;
	v21 =	vshll.u32 v8, $0x10;
	v8 =	vadd.f32 v10, v7;
	v7 =	vsub.f32 v13, v16  }
0xf6: {  	[tilespmem:s29], [sflag:$0x2] =	stream.indirect.gather @!p1 [spmem:s2], $0x40, s28, s30, $0xb8;
	v61 =	vmul.f32 v17, v17;
	v62 =	vsub.f32 v6, v59;
	v10 =	vand.u32 $0xFFFF0000, v19;
	[tilespmem:$0xEC60] =	vst v63  }
0xf7: {  	p1 =	por p1, !p2;
	v5 =	vsub.f32 v9, v5;
	v9 =	vsub.f32 v20, v10;
	v7 =	vmul.f32 v7, v7  }
.Ltmp5:
0xf8: {  	v6 =	vadd.f32 v61, v2;
	v10 =	vsub.f32 v21, v60;
	v2 =	vmul.f32 v62, v62;
	(pc) =	sbr.rel @!p1 .LBB2_8-.Ltmp5, $4  }
0xf9: {  	v63 =	vmul.f32 v5, v5;
	v5 =	vadd.f32 v7, v3;
	v3 =	vmul.f32 v9, v9  }
0xfa: {  	v4 =	vadd.f32 v2, v4;
	v9 =	vmul.f32 v10, v10;
	v10 =	vmul.f32 v15, v15  }
0xfb: {  	v7 =	vadd.f32 v63, v11;
	v2 =	vadd.f32 v3, v55  }
0xfc: {  	v3 =	vadd.f32 v9, v56;
	v1 =	vadd.f32 v10, v1  }
0xfd: {  	s26 =	simm.s32 $0x0  }
0xfe: {  	[tilespmem:s26], [sflag:$0x3] =	stream.linear.gather [hbm4b:s7+s26], $0x1000, $0x38;
	[tilespmem:$0xEC60] =	vst v63  }
0xff: {  	_ =	swait.ge [sflag:s13], $0x1000  }
0x100: {  	[sflag:s13] =	ssyncset.done $0x0  }
0x101: {  	[sflag:s13] =	ssyncadd.s32 $0xFFFFF000  }
0x102: {  	[tilespmem:s16], [sflag:$0x1] =	stream.indirect.gather [spmem:s2], $0x40, s26, s15, $0xb8;
	[tilespmem:$0xEC60] =	vst v63  }
0x103: {  	_ = 	snop  }
0x104: {  	[tilespmem:s17], [sflag:$0x1] =	stream.indirect.gather [spmem:s2], $0x40, s15, s15, $0xb8;
	[tilespmem:$0xEC60] =	vst v63  }
0x105: {  	_ = 	snop  }
0x106: {  	[tilespmem:s19], [sflag:$0x2] =	stream.indirect.gather [spmem:s2], $0x40, s18, s15, $0xb8;
	[tilespmem:$0xEC60] =	vst v63  }
0x107: {  	_ = 	snop  }
0x108: {  	[tilespmem:s21], [sflag:$0x2] =	stream.indirect.gather [spmem:s2], $0x40, s20, s15, $0xb8;
	[tilespmem:$0xEC60] =	vst v63  }
.LBB2_14:
0x109: {  	_ =	swait.ge [sflag:s22], $0x1000  }
0x10a: {  	[sflag:s22] =	ssyncset.done $0x0  }
0x10b: {  	[sflag:s22] =	ssyncadd.s32 $0xFFFFF000  }
0x10c: {  	_ =	swait.ge [sflag:s22], $0x1000  }
0x10d: {  	[sflag:s22] =	ssyncset.done $0x0  }
0x10e: {  	s28 =	simm.s32 $0x0;
	[sflag:s22] =	ssyncadd.s32 $0xFFFFF000  }
0x10f: {  	v9 =	vld [tilespmem:s28+$0x1030]  }
0x110: {  	v10 =	vld [tilespmem:s28+$0x2030]  }
0x111: {  	v11 =	vld [tilespmem:s28+$0x1000]  }
0x112: {  	v12 =	vld [tilespmem:s28+$0x2000]  }
0x113: {  	v16 =	vld [tilespmem:s28+$0x1020]  }
0x114: {  	v19 =	vld [tilespmem:s28+$0x2020]  }
0x115: {  	v13 =	vld [tilespmem:s28+$0x1010];
	v15 =	vand.u32 $0xFFFF0000, v9  }
0x116: {  	v14 =	vld [tilespmem:s28+$0x2010];
	v17 =	vand.u32 $0xFFFF0000, v10;
	v9 =	vshll.u32 v9, $0x10;
	v10 =	vshll.u32 v10, $0x10  }
0x117: {  	v18 =	vand.u32 $0xFFFF0000, v11;
	v11 =	vshll.u32 v11, $0x10;
	v20 =	vand.u32 $0xFFFF0000, v12  }
0x118: {  	v12 =	vshll.u32 v12, $0x10;
	v63 =	vand.u32 $0xFFFF0000, v16;
	v16 =	vshll.u32 v16, $0x10  }
0x119: {  	v22 =	vand.u32 $0xFFFF0000, v19;
	v19 =	vshll.u32 v19, $0x10;
	v10 =	vsub.f32 v9, v10  }
0x11a: {  	v9 =	vsub.f32 v15, v17;
	v15 =	vand.u32 $0xFFFF0000, v13;
	v13 =	vshll.u32 v13, $0x10  }
0x11b: {  	v17 =	vsub.f32 v18, v20;
	v18 =	vand.u32 $0xFFFF0000, v14;
	v14 =	vshll.u32 v14, $0x10  }
0x11c: {  	v21 =	vsub.f32 v11, v12;
	v16 =	vsub.f32 v16, v19;
	v10 =	vmul.f32 v10, v10  }
0x11d: {  	s29 =	simm.s32 $0x40;
	v12 =	vsub.f32 v15, v18;
	v13 =	vsub.f32 v13, v14;
	v11 =	vmul.f32 v17, v17  }
0x11e: {  	s28 =	simm.s32 $0x200;
	v15 =	vsub.f32 v63, v22;
	v14 =	vmul.f32 v21, v21;
	v8 =	vadd.f32 v10, v8;
	v10 =	vld [tilespmem:s29+$0x1030]  }
.LBB2_15:
0x11f: {  	p1 =	sne.s32 s28, $0x3F00;
	v17 =	vld [tilespmem:s29+$0x2030];
	v6 =	vadd.f32 v11, v6;
	v11 =	vmul.f32 v12, v12;
	v12 =	vmul.f32 v13, v13  }
0x120: {  	v13 =	vld [tilespmem:s29+$0x1000];
	v5 =	vadd.f32 v14, v5;
	v14 =	vmul.f32 v15, v15;
	v15 =	vmul.f32 v16, v16  }
0x121: {  	v9 =	vmul.f32 v9, v9;
	v16 =	vld [tilespmem:s29+$0x2000];
	v4 =	vadd.f32 v11, v4;
	v7 =	vadd.f32 v12, v7  }
0x122: {  	v11 =	vld [tilespmem:s29+$0x1010];
	v2 =	vadd.f32 v14, v2;
	v3 =	vadd.f32 v15, v3  }
0x123: {  	v1 =	vadd.f32 v9, v1;
	v12 =	vld [tilespmem:s29+$0x2010];
	v14 =	vand.u32 $0xFFFF0000, v10  }
0x124: {  	v10 =	vshll.u32 v10, $0x10;
	v15 =	vld [tilespmem:s29+$0x1020];
	v9 =	vand.u32 $0xFFFF0000, v17;
	v17 =	vshll.u32 v17, $0x10  }
0x125: {  	v18 =	vand.u32 $0xFFFF0000, v13;
	v13 =	vshll.u32 v13, $0x10;
	v19 =	vld [tilespmem:s29+$0x2020];
	v10 =	vsub.f32 v10, v17  }
0x126: {  	v9 =	vsub.f32 v14, v9;
	v17 =	vand.u32 $0xFFFF0000, v16;
	v16 =	vshll.u32 v16, $0x10  }
0x127: {  	v14 =	vand.u32 $0xFFFF0000, v11;
	v20 =	vshll.u32 v11, $0x10;
	v10 =	vmul.f32 v10, v10  }
.Ltmp6:
0x128: {  	v11 =	vsub.f32 v18, v17;
	v17 =	vand.u32 $0xFFFF0000, v12;
	v18 =	vshll.u32 v12, $0x10;
	(pc) =	sbr.rel @p1 .LBB2_15-.Ltmp6, $4  }
0x129: {  	v21 =	vand.u32 $0xFFFF0000, v15;
	v22 =	vshll.u32 v15, $0x10;
	v8 =	vadd.f32 v10, v8  }
0x12a: {  	v15 =	vsub.f32 v13, v16;
	v16 =	vand.u32 $0xFFFF0000, v19;
	v19 =	vshll.u32 v19, $0x10  }
0x12b: {  	s29 =	sshra.s32 s28, $0x2;
	v11 =	vmul.f32 v11, v11;
	v12 =	vsub.f32 v14, v17;
	v13 =	vsub.f32 v20, v18  }
0x12c: {  	s28 =	sadd.s32 $0x100, s28;
	v14 =	vmul.f32 v15, v15;
	v15 =	vsub.f32 v21, v16;
	v16 =	vsub.f32 v22, v19;
	v10 =	vld [tilespmem:s29+$0x1030]  }
0x12d: {  	v17 =	vld [tilespmem:s29+$0x2030]  }
0x12e: {  	v18 =	vld [tilespmem:s29+$0x1000]  }
0x12f: {  	v19 =	vld [tilespmem:s29+$0x2000]  }
0x130: {  	v20 =	vld [tilespmem:s29+$0x1010];
	p1 =	seq.s32 s26, $0xF;
	v6 =	vadd.f32 v11, v6;
	v11 =	vmul.f32 v12, v12  }
0x131: {  	v12 =	vmul.f32 v13, v13;
	v13 =	vld [tilespmem:s29+$0x2010];
	v9 =	vmul.f32 v9, v9;
	s28 =	sshll.u32 @!p1 s26, $0x8  }
0x132: {  	v5 =	vadd.f32 v14, v5;
	v14 =	vmul.f32 v15, v15;
	v15 =	vmul.f32 v16, v16;
	v16 =	vld [tilespmem:s29+$0x1020];
	s28 =	sand.u32 @!p1 $0x3FFFFF00, s28  }
0x133: {  	s30 =	simm.s32 @!p1 $0x40;
	s31 =	simm.s32 @!p1 $0x1000;
	v4 =	vadd.f32 v11, v4;
	v7 =	vadd.f32 v12, v7;
	v11 =	vld [tilespmem:s29+$0x2020];
	s29 =	sadd.s32 @!p1 $0x100, s28  }
0x134: {  	v1 =	vadd.f32 v9, v1;
	v12 =	vadd.f32 v14, v2;
	[tilespmem:s31], [sflag:$0x1] =	stream.indirect.gather @!p1 [spmem:s2], $0x40, s29, s30, $0xb8;
	[tilespmem:$0xEC60] =	vst v63  }
0x135: {  	v14 =	vadd.f32 v15, v3;
	v2 =	vand.u32 $0xFFFF0000, v10;
	v9 =	vshll.u32 v10, $0x10;
	s29 =	sadd.s32 @!p1 $0x140, s28;
	s31 =	simm.s32 @!p1 $0x2000  }
0x136: {  	v3 =	vand.u32 $0xFFFF0000, v17;
	v10 =	vshll.u32 v17, $0x10;
	v15 =	vand.u32 $0xFFFF0000, v18;
	[tilespmem:s31], [sflag:$0x1] =	stream.indirect.gather @!p1 [spmem:s2], $0x40, s29, s30, $0xb8;
	[tilespmem:$0xEC60] =	vst v63  }
0x137: {  	v17 =	vshll.u32 v18, $0x10;
	v18 =	vshll.u32 v19, $0x10;
	v9 =	vsub.f32 v9, v10;
	_ =	swait.ge [sflag:s23], $0x1000  }
0x138: {  	v10 =	vand.u32 $0xFFFF0000, v19;
	v19 =	vsub.f32 v2, v3;
	v2 =	vand.u32 $0xFFFF0000, v20;
	[sflag:s23] =	ssyncset.done $0x0  }
0x139: {  	v3 =	vshll.u32 v20, $0x10;
	v62 =	vand.u32 $0xFFFF0000, v16;
	v10 =	vsub.f32 v15, v10;
	[sflag:s23] =	ssyncadd.s32 $0xFFFFF000  }
0x13a: {  	v16 =	vshll.u32 v16, $0x10;
	v15 =	vand.u32 $0xFFFF0000, v13;
	v9 =	vmul.f32 v9, v9;
	_ =	swait.ge [sflag:s23], $0x1000  }
0x13b: {  	v13 =	vshll.u32 v13, $0x10;
	v15 =	vsub.f32 v2, v15;
	v10 =	vmul.f32 v10, v10;
	[sflag:s23] =	ssyncset.done $0x0  }
0x13c: {  	s29 =	simm.s32 $0x0;
	v21 =	vadd.f32 v9, v8;
	v8 =	vsub.f32 v17, v18;
	v9 =	vand.u32 $0xFFFF0000, v11;
	[sflag:s23] =	ssyncadd.s32 $0xFFFFF000  }
0x13d: {  	v3 =	vsub.f32 v3, v13;
	v11 =	vshll.u32 v11, $0x10;
	v9 =	vsub.f32 v62, v9;
	v13 =	vld [tilespmem:s29+$0x3030]  }
0x13e: {  	v11 =	vsub.f32 v16, v11;
	v2 =	vadd.f32 v10, v6;
	v8 =	vmul.f32 v8, v8;
	v10 =	vld [tilespmem:s29+$0x4030]  }
0x13f: {  	v6 =	vmul.f32 v15, v15;
	v15 =	vmul.f32 v3, v3;
	v17 =	vld [tilespmem:s29+$0x4000]  }
0x140: {  	v11 =	vmul.f32 v11, v11;
	v3 =	vadd.f32 v8, v5;
	v5 =	vmul.f32 v9, v9;
	v9 =	vld [tilespmem:s29+$0x3000]  }
0x141: {  	v16 =	vmul.f32 v19, v19;
	v8 =	vadd.f32 v15, v7;
	v7 =	vld [tilespmem:s29+$0x3010]  }
0x142: {  	v4 =	vadd.f32 v6, v4;
	v6 =	vadd.f32 v11, v14;
	v14 =	vld [tilespmem:s29+$0x3020]  }
0x143: {  	v1 =	vadd.f32 v16, v1;
	v19 =	vld [tilespmem:s29+$0x4020];
	v5 =	vadd.f32 v5, v12;
	v12 =	vand.u32 $0xFFFF0000, v13  }
0x144: {  	v11 =	vld [tilespmem:s29+$0x4010];
	v15 =	vand.u32 $0xFFFF0000, v10;
	v13 =	vshll.u32 v13, $0x10;
	v10 =	vshll.u32 v10, $0x10  }
0x145: {  	v16 =	vand.u32 $0xFFFF0000, v9;
	v18 =	vshll.u32 v9, $0x10;
	v10 =	vsub.f32 v13, v10  }
0x146: {  	v13 =	vand.u32 $0xFFFF0000, v17;
	v17 =	vshll.u32 v17, $0x10;
	v9 =	vsub.f32 v12, v15  }
0x147: {  	v12 =	vand.u32 $0xFFFF0000, v7;
	v15 =	vshll.u32 v7, $0x10;
	v63 =	vand.u32 $0xFFFF0000, v14  }
0x148: {  	v22 =	vshll.u32 v14, $0x10;
	v14 =	vsub.f32 v18, v17;
	v17 =	vand.u32 $0xFFFF0000, v19  }
0x149: {  	v7 =	vmul.f32 v10, v10;
	v10 =	vsub.f32 v16, v13;
	v13 =	vand.u32 $0xFFFF0000, v11  }
0x14a: {  	v18 =	vshll.u32 v19, $0x10;
	v16 =	vshll.u32 v11, $0x10;
	v12 =	vsub.f32 v12, v13  }
0x14b: {  	s29 =	simm.s32 $0x40;
	v13 =	vsub.f32 v15, v16;
	v15 =	vsub.f32 v63, v17;
	v11 =	vmul.f32 v10, v10  }
0x14c: {  	s26 =	sadd.s32 $0x1, s26;
	s30 =	simm.s32 $0x200;
	v14 =	vmul.f32 v14, v14;
	v16 =	vsub.f32 v22, v18;
	v7 =	vadd.f32 v7, v21;
	v10 =	vld [tilespmem:s29+$0x3030]  }
.LBB2_17:
0x14d: {  	p2 =	sne.s32 s30, $0x3F00;
	v17 =	vld [tilespmem:s29+$0x4030];
	v2 =	vadd.f32 v11, v2;
	v11 =	vmul.f32 v12, v12;
	v12 =	vmul.f32 v13, v13  }
0x14e: {  	v13 =	vld [tilespmem:s29+$0x3000];
	v3 =	vadd.f32 v14, v3;
	v14 =	vmul.f32 v15, v15;
	v15 =	vmul.f32 v16, v16  }
0x14f: {  	v9 =	vmul.f32 v9, v9;
	v16 =	vld [tilespmem:s29+$0x4000];
	v4 =	vadd.f32 v11, v4;
	v8 =	vadd.f32 v12, v8  }
0x150: {  	v11 =	vld [tilespmem:s29+$0x3010];
	v5 =	vadd.f32 v14, v5;
	v6 =	vadd.f32 v15, v6  }
0x151: {  	v1 =	vadd.f32 v9, v1;
	v12 =	vld [tilespmem:s29+$0x4010];
	v14 =	vand.u32 $0xFFFF0000, v10  }
0x152: {  	v10 =	vshll.u32 v10, $0x10;
	v15 =	vld [tilespmem:s29+$0x3020];
	v9 =	vand.u32 $0xFFFF0000, v17;
	v17 =	vshll.u32 v17, $0x10  }
0x153: {  	v18 =	vand.u32 $0xFFFF0000, v13;
	v13 =	vshll.u32 v13, $0x10;
	v19 =	vld [tilespmem:s29+$0x4020];
	v10 =	vsub.f32 v10, v17  }
0x154: {  	v9 =	vsub.f32 v14, v9;
	v17 =	vand.u32 $0xFFFF0000, v16;
	v16 =	vshll.u32 v16, $0x10  }
0x155: {  	v14 =	vand.u32 $0xFFFF0000, v11;
	v20 =	vshll.u32 v11, $0x10;
	v10 =	vmul.f32 v10, v10  }
.Ltmp7:
0x156: {  	v11 =	vsub.f32 v18, v17;
	v17 =	vand.u32 $0xFFFF0000, v12;
	v18 =	vshll.u32 v12, $0x10;
	(pc) =	sbr.rel @p2 .LBB2_17-.Ltmp7, $4  }
0x157: {  	v21 =	vand.u32 $0xFFFF0000, v15;
	v22 =	vshll.u32 v15, $0x10;
	v7 =	vadd.f32 v10, v7  }
0x158: {  	v15 =	vsub.f32 v13, v16;
	v16 =	vand.u32 $0xFFFF0000, v19;
	v19 =	vshll.u32 v19, $0x10  }
0x159: {  	s29 =	sshra.s32 s30, $0x2;
	v11 =	vmul.f32 v11, v11;
	v12 =	vsub.f32 v14, v17;
	v13 =	vsub.f32 v20, v18  }
0x15a: {  	s30 =	sadd.s32 $0x100, s30;
	v14 =	vmul.f32 v15, v15;
	v15 =	vsub.f32 v21, v16;
	v16 =	vsub.f32 v22, v19;
	v10 =	vld [tilespmem:s29+$0x3030]  }
0x15b: {  	v17 =	vld [tilespmem:s29+$0x4030]  }
0x15c: {  	v51 =	vld [tilespmem:s29+$0x3000]  }
0x15d: {  	v2 =	vadd.f32 v11, v2;
	v11 =	vmul.f32 v12, v12;
	v50 =	vmul.f32 v13, v13;
	v54 =	vld [tilespmem:s29+$0x4000]  }
0x15e: {  	v19 =	vld [tilespmem:s29+$0x4020];
	v3 =	vadd.f32 v14, v3;
	v52 =	vmul.f32 v15, v15;
	v53 =	vmul.f32 v16, v16  }
0x15f: {  	v4 =	vadd.f32 v11, v4;
	v11 =	vadd.f32 v50, v8;
	v8 =	vmul.f32 v9, v9;
	v9 =	vld [tilespmem:s29+$0x3010]  }
0x160: {  	v55 =	vadd.f32 v52, v5;
	v56 =	vadd.f32 v53, v6;
	v5 =	vld [tilespmem:s29+$0x4010];
	v6 =	vand.u32 $0xFFFF0000, v10  }
0x161: {  	v1 =	vadd.f32 v8, v1;
	v8 =	vld [tilespmem:s29+$0x3020];
	v10 =	vshll.u32 v10, $0x10;
	v57 =	vand.u32 $0xFFFF0000, v17  }
0x162: {  	v17 =	vshll.u32 v17, $0x10;
	v18 =	vand.u32 $0xFFFF0000, v51;
	v13 =	vshll.u32 v51, $0x10  }
0x163: {  	v58 =	vand.u32 $0xFFFF0000, v54;
	v16 =	vshll.u32 v54, $0x10;
	v10 =	vsub.f32 v10, v17  }
0x164: {  	v60 =	vshll.u32 v19, $0x10;
	v15 =	vsub.f32 v6, v57;
	v17 =	vsub.f32 v18, v58  }
0x165: {  	s30 =	simm.s32 @!p1 $0x40;
	s31 =	simm.s32 @!p1 $0x3000;
	s29 =	sadd.s32 @!p1 $0x180, s28;
	v6 =	vand.u32 $0xFFFF0000, v9;
	v9 =	vshll.u32 v9, $0x10;
	v10 =	vmul.f32 v10, v10  }
0x166: {  	[tilespmem:s31], [sflag:$0x2] =	stream.indirect.gather @!p1 [spmem:s2], $0x40, s29, s30, $0xb8;
	v59 =	vand.u32 $0xFFFF0000, v5;
	v5 =	vshll.u32 v5, $0x10;
	v20 =	vand.u32 $0xFFFF0000, v8;
	[tilespmem:$0xEC60] =	vst v63  }
0x167: {  	p2 =	sne.s32 @!p1 s26, $0x10;
	s28 =	sadd.s32 @!p1 $0x1C0, s28;
	s29 =	simm.s32 @!p1 $0x4000;
	v21 =	vshll.u32 v8, $0x10;
	v8 =	vadd.f32 v10, v7;
	v7 =	vsub.f32 v13, v16  }
0x168: {  	[tilespmem:s29], [sflag:$0x2] =	stream.indirect.gather @!p1 [spmem:s2], $0x40, s28, s30, $0xb8;
	v61 =	vmul.f32 v17, v17;
	v62 =	vsub.f32 v6, v59;
	v10 =	vand.u32 $0xFFFF0000, v19;
	[tilespmem:$0xEC60] =	vst v63  }
0x169: {  	p1 =	por p1, !p2;
	v5 =	vsub.f32 v9, v5;
	v9 =	vsub.f32 v20, v10;
	v7 =	vmul.f32 v7, v7  }
.Ltmp8:
0x16a: {  	v6 =	vadd.f32 v61, v2;
	v10 =	vsub.f32 v21, v60;
	v2 =	vmul.f32 v62, v62;
	(pc) =	sbr.rel @!p1 .LBB2_14-.Ltmp8, $4  }
0x16b: {  	v63 =	vmul.f32 v5, v5;
	v5 =	vadd.f32 v7, v3;
	v3 =	vmul.f32 v9, v9  }
0x16c: {  	v4 =	vadd.f32 v2, v4;
	v9 =	vmul.f32 v10, v10;
	v10 =	vmul.f32 v15, v15  }
0x16d: {  	v7 =	vadd.f32 v63, v11;
	v2 =	vadd.f32 v3, v55  }
0x16e: {  	v3 =	vadd.f32 v9, v56;
	v1 =	vadd.f32 v10, v1  }
0x16f: {  	s26 =	simm.s32 $0x0  }
0x170: {  	[tilespmem:s26], [sflag:$0x3] =	stream.linear.gather [hbm4b:s8+s26], $0x1000, $0x38;
	[tilespmem:$0xEC60] =	vst v63  }
0x171: {  	_ =	swait.ge [sflag:s13], $0x1000  }
0x172: {  	[sflag:s13] =	ssyncset.done $0x0  }
0x173: {  	[sflag:s13] =	ssyncadd.s32 $0xFFFFF000  }
0x174: {  	[tilespmem:s16], [sflag:$0x1] =	stream.indirect.gather [spmem:s2], $0x40, s26, s15, $0xb8;
	[tilespmem:$0xEC60] =	vst v63  }
0x175: {  	_ = 	snop  }
0x176: {  	[tilespmem:s17], [sflag:$0x1] =	stream.indirect.gather [spmem:s2], $0x40, s15, s15, $0xb8;
	[tilespmem:$0xEC60] =	vst v63  }
0x177: {  	_ = 	snop  }
0x178: {  	[tilespmem:s19], [sflag:$0x2] =	stream.indirect.gather [spmem:s2], $0x40, s18, s15, $0xb8;
	[tilespmem:$0xEC60] =	vst v63  }
0x179: {  	_ = 	snop  }
0x17a: {  	[tilespmem:s21], [sflag:$0x2] =	stream.indirect.gather [spmem:s2], $0x40, s20, s15, $0xb8;
	[tilespmem:$0xEC60] =	vst v63  }
.LBB2_20:
0x17b: {  	_ =	swait.ge [sflag:s22], $0x1000  }
0x17c: {  	[sflag:s22] =	ssyncset.done $0x0  }
0x17d: {  	[sflag:s22] =	ssyncadd.s32 $0xFFFFF000  }
0x17e: {  	_ =	swait.ge [sflag:s22], $0x1000  }
0x17f: {  	[sflag:s22] =	ssyncset.done $0x0  }
0x180: {  	s28 =	simm.s32 $0x0;
	[sflag:s22] =	ssyncadd.s32 $0xFFFFF000  }
0x181: {  	v9 =	vld [tilespmem:s28+$0x1030]  }
0x182: {  	v10 =	vld [tilespmem:s28+$0x2030]  }
0x183: {  	v11 =	vld [tilespmem:s28+$0x1000]  }
0x184: {  	v12 =	vld [tilespmem:s28+$0x2000]  }
0x185: {  	v16 =	vld [tilespmem:s28+$0x1020]  }
0x186: {  	v19 =	vld [tilespmem:s28+$0x2020]  }
0x187: {  	v13 =	vld [tilespmem:s28+$0x1010];
	v15 =	vand.u32 $0xFFFF0000, v9  }
0x188: {  	v14 =	vld [tilespmem:s28+$0x2010];
	v17 =	vand.u32 $0xFFFF0000, v10;
	v9 =	vshll.u32 v9, $0x10;
	v10 =	vshll.u32 v10, $0x10  }
0x189: {  	v18 =	vand.u32 $0xFFFF0000, v11;
	v11 =	vshll.u32 v11, $0x10;
	v20 =	vand.u32 $0xFFFF0000, v12  }
0x18a: {  	v12 =	vshll.u32 v12, $0x10;
	v63 =	vand.u32 $0xFFFF0000, v16;
	v16 =	vshll.u32 v16, $0x10  }
0x18b: {  	v22 =	vand.u32 $0xFFFF0000, v19;
	v19 =	vshll.u32 v19, $0x10;
	v10 =	vsub.f32 v9, v10  }
0x18c: {  	v9 =	vsub.f32 v15, v17;
	v15 =	vand.u32 $0xFFFF0000, v13;
	v13 =	vshll.u32 v13, $0x10  }
0x18d: {  	v17 =	vsub.f32 v18, v20;
	v18 =	vand.u32 $0xFFFF0000, v14;
	v14 =	vshll.u32 v14, $0x10  }
0x18e: {  	v21 =	vsub.f32 v11, v12;
	v16 =	vsub.f32 v16, v19;
	v10 =	vmul.f32 v10, v10  }
0x18f: {  	s29 =	simm.s32 $0x40;
	v12 =	vsub.f32 v15, v18;
	v13 =	vsub.f32 v13, v14;
	v11 =	vmul.f32 v17, v17  }
0x190: {  	s28 =	simm.s32 $0x200;
	v15 =	vsub.f32 v63, v22;
	v14 =	vmul.f32 v21, v21;
	v8 =	vadd.f32 v10, v8;
	v10 =	vld [tilespmem:s29+$0x1030]  }
.LBB2_21:
0x191: {  	p1 =	sne.s32 s28, $0x3F00;
	v17 =	vld [tilespmem:s29+$0x2030];
	v6 =	vadd.f32 v11, v6;
	v11 =	vmul.f32 v12, v12;
	v12 =	vmul.f32 v13, v13  }
0x192: {  	v13 =	vld [tilespmem:s29+$0x1000];
	v5 =	vadd.f32 v14, v5;
	v14 =	vmul.f32 v15, v15;
	v15 =	vmul.f32 v16, v16  }
0x193: {  	v9 =	vmul.f32 v9, v9;
	v16 =	vld [tilespmem:s29+$0x2000];
	v4 =	vadd.f32 v11, v4;
	v7 =	vadd.f32 v12, v7  }
0x194: {  	v11 =	vld [tilespmem:s29+$0x1010];
	v2 =	vadd.f32 v14, v2;
	v3 =	vadd.f32 v15, v3  }
0x195: {  	v1 =	vadd.f32 v9, v1;
	v12 =	vld [tilespmem:s29+$0x2010];
	v14 =	vand.u32 $0xFFFF0000, v10  }
0x196: {  	v10 =	vshll.u32 v10, $0x10;
	v15 =	vld [tilespmem:s29+$0x1020];
	v9 =	vand.u32 $0xFFFF0000, v17;
	v17 =	vshll.u32 v17, $0x10  }
0x197: {  	v18 =	vand.u32 $0xFFFF0000, v13;
	v13 =	vshll.u32 v13, $0x10;
	v19 =	vld [tilespmem:s29+$0x2020];
	v10 =	vsub.f32 v10, v17  }
0x198: {  	v9 =	vsub.f32 v14, v9;
	v17 =	vand.u32 $0xFFFF0000, v16;
	v16 =	vshll.u32 v16, $0x10  }
0x199: {  	v14 =	vand.u32 $0xFFFF0000, v11;
	v20 =	vshll.u32 v11, $0x10;
	v10 =	vmul.f32 v10, v10  }
.Ltmp9:
0x19a: {  	v11 =	vsub.f32 v18, v17;
	v17 =	vand.u32 $0xFFFF0000, v12;
	v18 =	vshll.u32 v12, $0x10;
	(pc) =	sbr.rel @p1 .LBB2_21-.Ltmp9, $4  }
0x19b: {  	v21 =	vand.u32 $0xFFFF0000, v15;
	v22 =	vshll.u32 v15, $0x10;
	v8 =	vadd.f32 v10, v8  }
0x19c: {  	v15 =	vsub.f32 v13, v16;
	v16 =	vand.u32 $0xFFFF0000, v19;
	v19 =	vshll.u32 v19, $0x10  }
0x19d: {  	s29 =	sshra.s32 s28, $0x2;
	v11 =	vmul.f32 v11, v11;
	v12 =	vsub.f32 v14, v17;
	v13 =	vsub.f32 v20, v18  }
0x19e: {  	s28 =	sadd.s32 $0x100, s28;
	v14 =	vmul.f32 v15, v15;
	v15 =	vsub.f32 v21, v16;
	v16 =	vsub.f32 v22, v19;
	v10 =	vld [tilespmem:s29+$0x1030]  }
0x19f: {  	v17 =	vld [tilespmem:s29+$0x2030]  }
0x1a0: {  	v18 =	vld [tilespmem:s29+$0x1000]  }
0x1a1: {  	v19 =	vld [tilespmem:s29+$0x2000]  }
0x1a2: {  	v20 =	vld [tilespmem:s29+$0x1010];
	p1 =	seq.s32 s26, $0xF;
	v6 =	vadd.f32 v11, v6;
	v11 =	vmul.f32 v12, v12  }
0x1a3: {  	v12 =	vmul.f32 v13, v13;
	v13 =	vld [tilespmem:s29+$0x2010];
	v9 =	vmul.f32 v9, v9;
	s28 =	sshll.u32 @!p1 s26, $0x8  }
0x1a4: {  	v5 =	vadd.f32 v14, v5;
	v14 =	vmul.f32 v15, v15;
	v15 =	vmul.f32 v16, v16;
	v16 =	vld [tilespmem:s29+$0x1020];
	s28 =	sand.u32 @!p1 $0x3FFFFF00, s28  }
0x1a5: {  	s30 =	simm.s32 @!p1 $0x40;
	s31 =	simm.s32 @!p1 $0x1000;
	v4 =	vadd.f32 v11, v4;
	v7 =	vadd.f32 v12, v7;
	v11 =	vld [tilespmem:s29+$0x2020];
	s29 =	sadd.s32 @!p1 $0x100, s28  }
0x1a6: {  	v1 =	vadd.f32 v9, v1;
	v12 =	vadd.f32 v14, v2;
	[tilespmem:s31], [sflag:$0x1] =	stream.indirect.gather @!p1 [spmem:s2], $0x40, s29, s30, $0xb8;
	[tilespmem:$0xEC60] =	vst v63  }
0x1a7: {  	v14 =	vadd.f32 v15, v3;
	v2 =	vand.u32 $0xFFFF0000, v10;
	v9 =	vshll.u32 v10, $0x10;
	s29 =	sadd.s32 @!p1 $0x140, s28;
	s31 =	simm.s32 @!p1 $0x2000  }
0x1a8: {  	v3 =	vand.u32 $0xFFFF0000, v17;
	v10 =	vshll.u32 v17, $0x10;
	v15 =	vand.u32 $0xFFFF0000, v18;
	[tilespmem:s31], [sflag:$0x1] =	stream.indirect.gather @!p1 [spmem:s2], $0x40, s29, s30, $0xb8;
	[tilespmem:$0xEC60] =	vst v63  }
0x1a9: {  	v17 =	vshll.u32 v18, $0x10;
	v18 =	vshll.u32 v19, $0x10;
	v9 =	vsub.f32 v9, v10;
	_ =	swait.ge [sflag:s23], $0x1000  }
0x1aa: {  	v10 =	vand.u32 $0xFFFF0000, v19;
	v19 =	vsub.f32 v2, v3;
	v2 =	vand.u32 $0xFFFF0000, v20;
	[sflag:s23] =	ssyncset.done $0x0  }
0x1ab: {  	v3 =	vshll.u32 v20, $0x10;
	v62 =	vand.u32 $0xFFFF0000, v16;
	v10 =	vsub.f32 v15, v10;
	[sflag:s23] =	ssyncadd.s32 $0xFFFFF000  }
0x1ac: {  	v16 =	vshll.u32 v16, $0x10;
	v15 =	vand.u32 $0xFFFF0000, v13;
	v9 =	vmul.f32 v9, v9;
	_ =	swait.ge [sflag:s23], $0x1000  }
0x1ad: {  	v13 =	vshll.u32 v13, $0x10;
	v15 =	vsub.f32 v2, v15;
	v10 =	vmul.f32 v10, v10;
	[sflag:s23] =	ssyncset.done $0x0  }
0x1ae: {  	s29 =	simm.s32 $0x0;
	v21 =	vadd.f32 v9, v8;
	v8 =	vsub.f32 v17, v18;
	v9 =	vand.u32 $0xFFFF0000, v11;
	[sflag:s23] =	ssyncadd.s32 $0xFFFFF000  }
0x1af: {  	v3 =	vsub.f32 v3, v13;
	v11 =	vshll.u32 v11, $0x10;
	v9 =	vsub.f32 v62, v9;
	v13 =	vld [tilespmem:s29+$0x3030]  }
0x1b0: {  	v11 =	vsub.f32 v16, v11;
	v2 =	vadd.f32 v10, v6;
	v8 =	vmul.f32 v8, v8;
	v10 =	vld [tilespmem:s29+$0x4030]  }
0x1b1: {  	v6 =	vmul.f32 v15, v15;
	v15 =	vmul.f32 v3, v3;
	v17 =	vld [tilespmem:s29+$0x4000]  }
0x1b2: {  	v11 =	vmul.f32 v11, v11;
	v3 =	vadd.f32 v8, v5;
	v5 =	vmul.f32 v9, v9;
	v9 =	vld [tilespmem:s29+$0x3000]  }
0x1b3: {  	v16 =	vmul.f32 v19, v19;
	v8 =	vadd.f32 v15, v7;
	v7 =	vld [tilespmem:s29+$0x3010]  }
0x1b4: {  	v4 =	vadd.f32 v6, v4;
	v6 =	vadd.f32 v11, v14;
	v14 =	vld [tilespmem:s29+$0x3020]  }
0x1b5: {  	v1 =	vadd.f32 v16, v1;
	v19 =	vld [tilespmem:s29+$0x4020];
	v5 =	vadd.f32 v5, v12;
	v12 =	vand.u32 $0xFFFF0000, v13  }
0x1b6: {  	v11 =	vld [tilespmem:s29+$0x4010];
	v15 =	vand.u32 $0xFFFF0000, v10;
	v13 =	vshll.u32 v13, $0x10;
	v10 =	vshll.u32 v10, $0x10  }
0x1b7: {  	v16 =	vand.u32 $0xFFFF0000, v9;
	v18 =	vshll.u32 v9, $0x10;
	v10 =	vsub.f32 v13, v10  }
0x1b8: {  	v13 =	vand.u32 $0xFFFF0000, v17;
	v17 =	vshll.u32 v17, $0x10;
	v9 =	vsub.f32 v12, v15  }
0x1b9: {  	v12 =	vand.u32 $0xFFFF0000, v7;
	v15 =	vshll.u32 v7, $0x10;
	v63 =	vand.u32 $0xFFFF0000, v14  }
0x1ba: {  	v22 =	vshll.u32 v14, $0x10;
	v14 =	vsub.f32 v18, v17;
	v17 =	vand.u32 $0xFFFF0000, v19  }
0x1bb: {  	v7 =	vmul.f32 v10, v10;
	v10 =	vsub.f32 v16, v13;
	v13 =	vand.u32 $0xFFFF0000, v11  }
0x1bc: {  	v18 =	vshll.u32 v19, $0x10;
	v16 =	vshll.u32 v11, $0x10;
	v12 =	vsub.f32 v12, v13  }
0x1bd: {  	s29 =	simm.s32 $0x40;
	v13 =	vsub.f32 v15, v16;
	v15 =	vsub.f32 v63, v17;
	v11 =	vmul.f32 v10, v10  }
0x1be: {  	s26 =	sadd.s32 $0x1, s26;
	s30 =	simm.s32 $0x200;
	v14 =	vmul.f32 v14, v14;
	v16 =	vsub.f32 v22, v18;
	v7 =	vadd.f32 v7, v21;
	v10 =	vld [tilespmem:s29+$0x3030]  }
.LBB2_23:
0x1bf: {  	p2 =	sne.s32 s30, $0x3F00;
	v17 =	vld [tilespmem:s29+$0x4030];
	v2 =	vadd.f32 v11, v2;
	v11 =	vmul.f32 v12, v12;
	v12 =	vmul.f32 v13, v13  }
0x1c0: {  	v13 =	vld [tilespmem:s29+$0x3000];
	v3 =	vadd.f32 v14, v3;
	v14 =	vmul.f32 v15, v15;
	v15 =	vmul.f32 v16, v16  }
0x1c1: {  	v9 =	vmul.f32 v9, v9;
	v16 =	vld [tilespmem:s29+$0x4000];
	v4 =	vadd.f32 v11, v4;
	v8 =	vadd.f32 v12, v8  }
0x1c2: {  	v11 =	vld [tilespmem:s29+$0x3010];
	v5 =	vadd.f32 v14, v5;
	v6 =	vadd.f32 v15, v6  }
0x1c3: {  	v1 =	vadd.f32 v9, v1;
	v12 =	vld [tilespmem:s29+$0x4010];
	v14 =	vand.u32 $0xFFFF0000, v10  }
0x1c4: {  	v10 =	vshll.u32 v10, $0x10;
	v15 =	vld [tilespmem:s29+$0x3020];
	v9 =	vand.u32 $0xFFFF0000, v17;
	v17 =	vshll.u32 v17, $0x10  }
0x1c5: {  	v18 =	vand.u32 $0xFFFF0000, v13;
	v13 =	vshll.u32 v13, $0x10;
	v19 =	vld [tilespmem:s29+$0x4020];
	v10 =	vsub.f32 v10, v17  }
0x1c6: {  	v9 =	vsub.f32 v14, v9;
	v17 =	vand.u32 $0xFFFF0000, v16;
	v16 =	vshll.u32 v16, $0x10  }
0x1c7: {  	v14 =	vand.u32 $0xFFFF0000, v11;
	v20 =	vshll.u32 v11, $0x10;
	v10 =	vmul.f32 v10, v10  }
.Ltmp10:
0x1c8: {  	v11 =	vsub.f32 v18, v17;
	v17 =	vand.u32 $0xFFFF0000, v12;
	v18 =	vshll.u32 v12, $0x10;
	(pc) =	sbr.rel @p2 .LBB2_23-.Ltmp10, $4  }
0x1c9: {  	v21 =	vand.u32 $0xFFFF0000, v15;
	v22 =	vshll.u32 v15, $0x10;
	v7 =	vadd.f32 v10, v7  }
0x1ca: {  	v15 =	vsub.f32 v13, v16;
	v16 =	vand.u32 $0xFFFF0000, v19;
	v19 =	vshll.u32 v19, $0x10  }
0x1cb: {  	s29 =	sshra.s32 s30, $0x2;
	v11 =	vmul.f32 v11, v11;
	v12 =	vsub.f32 v14, v17;
	v13 =	vsub.f32 v20, v18  }
0x1cc: {  	s30 =	sadd.s32 $0x100, s30;
	v14 =	vmul.f32 v15, v15;
	v15 =	vsub.f32 v21, v16;
	v16 =	vsub.f32 v22, v19;
	v10 =	vld [tilespmem:s29+$0x3030]  }
0x1cd: {  	v17 =	vld [tilespmem:s29+$0x4030]  }
0x1ce: {  	v51 =	vld [tilespmem:s29+$0x3000]  }
0x1cf: {  	v2 =	vadd.f32 v11, v2;
	v11 =	vmul.f32 v12, v12;
	v50 =	vmul.f32 v13, v13;
	v54 =	vld [tilespmem:s29+$0x4000]  }
0x1d0: {  	v19 =	vld [tilespmem:s29+$0x4020];
	v3 =	vadd.f32 v14, v3;
	v52 =	vmul.f32 v15, v15;
	v53 =	vmul.f32 v16, v16  }
0x1d1: {  	v4 =	vadd.f32 v11, v4;
	v11 =	vadd.f32 v50, v8;
	v8 =	vmul.f32 v9, v9;
	v9 =	vld [tilespmem:s29+$0x3010]  }
0x1d2: {  	v55 =	vadd.f32 v52, v5;
	v56 =	vadd.f32 v53, v6;
	v5 =	vld [tilespmem:s29+$0x4010];
	v6 =	vand.u32 $0xFFFF0000, v10  }
0x1d3: {  	v1 =	vadd.f32 v8, v1;
	v8 =	vld [tilespmem:s29+$0x3020];
	v10 =	vshll.u32 v10, $0x10;
	v57 =	vand.u32 $0xFFFF0000, v17  }
0x1d4: {  	v17 =	vshll.u32 v17, $0x10;
	v18 =	vand.u32 $0xFFFF0000, v51;
	v13 =	vshll.u32 v51, $0x10  }
0x1d5: {  	v58 =	vand.u32 $0xFFFF0000, v54;
	v16 =	vshll.u32 v54, $0x10;
	v10 =	vsub.f32 v10, v17  }
0x1d6: {  	v60 =	vshll.u32 v19, $0x10;
	v15 =	vsub.f32 v6, v57;
	v17 =	vsub.f32 v18, v58  }
0x1d7: {  	s30 =	simm.s32 @!p1 $0x40;
	s31 =	simm.s32 @!p1 $0x3000;
	s29 =	sadd.s32 @!p1 $0x180, s28;
	v6 =	vand.u32 $0xFFFF0000, v9;
	v9 =	vshll.u32 v9, $0x10;
	v10 =	vmul.f32 v10, v10  }
0x1d8: {  	[tilespmem:s31], [sflag:$0x2] =	stream.indirect.gather @!p1 [spmem:s2], $0x40, s29, s30, $0xb8;
	v59 =	vand.u32 $0xFFFF0000, v5;
	v5 =	vshll.u32 v5, $0x10;
	v20 =	vand.u32 $0xFFFF0000, v8;
	[tilespmem:$0xEC60] =	vst v63  }
0x1d9: {  	p2 =	sne.s32 @!p1 s26, $0x10;
	s28 =	sadd.s32 @!p1 $0x1C0, s28;
	s29 =	simm.s32 @!p1 $0x4000;
	v21 =	vshll.u32 v8, $0x10;
	v8 =	vadd.f32 v10, v7;
	v7 =	vsub.f32 v13, v16  }
0x1da: {  	[tilespmem:s29], [sflag:$0x2] =	stream.indirect.gather @!p1 [spmem:s2], $0x40, s28, s30, $0xb8;
	v61 =	vmul.f32 v17, v17;
	v62 =	vsub.f32 v6, v59;
	v10 =	vand.u32 $0xFFFF0000, v19;
	[tilespmem:$0xEC60] =	vst v63  }
0x1db: {  	p1 =	por p1, !p2;
	v5 =	vsub.f32 v9, v5;
	v9 =	vsub.f32 v20, v10;
	v7 =	vmul.f32 v7, v7  }
.Ltmp11:
0x1dc: {  	v6 =	vadd.f32 v61, v2;
	v10 =	vsub.f32 v21, v60;
	v2 =	vmul.f32 v62, v62;
	(pc) =	sbr.rel @!p1 .LBB2_20-.Ltmp11, $4  }
0x1dd: {  	v63 =	vmul.f32 v5, v5;
	v5 =	vadd.f32 v7, v3;
	v3 =	vmul.f32 v9, v9  }
0x1de: {  	v4 =	vadd.f32 v2, v4;
	v9 =	vmul.f32 v10, v10;
	v10 =	vmul.f32 v15, v15  }
0x1df: {  	v7 =	vadd.f32 v63, v11;
	v2 =	vadd.f32 v3, v55  }
0x1e0: {  	v3 =	vadd.f32 v9, v56;
	v1 =	vadd.f32 v10, v1  }
0x1e1: {  	s26 =	simm.s32 $0x0  }
0x1e2: {  	[tilespmem:s26], [sflag:$0x3] =	stream.linear.gather [hbm4b:s9+s26], $0x1000, $0x38;
	[tilespmem:$0xEC60] =	vst v63  }
0x1e3: {  	_ =	swait.ge [sflag:s13], $0x1000  }
0x1e4: {  	[sflag:s13] =	ssyncset.done $0x0  }
0x1e5: {  	[sflag:s13] =	ssyncadd.s32 $0xFFFFF000  }
0x1e6: {  	[tilespmem:s16], [sflag:$0x1] =	stream.indirect.gather [spmem:s2], $0x40, s26, s15, $0xb8;
	[tilespmem:$0xEC60] =	vst v63  }
0x1e7: {  	_ = 	snop  }
0x1e8: {  	[tilespmem:s17], [sflag:$0x1] =	stream.indirect.gather [spmem:s2], $0x40, s15, s15, $0xb8;
	[tilespmem:$0xEC60] =	vst v63  }
0x1e9: {  	_ = 	snop  }
0x1ea: {  	[tilespmem:s19], [sflag:$0x2] =	stream.indirect.gather [spmem:s2], $0x40, s18, s15, $0xb8;
	[tilespmem:$0xEC60] =	vst v63  }
0x1eb: {  	_ = 	snop  }
0x1ec: {  	[tilespmem:s21], [sflag:$0x2] =	stream.indirect.gather [spmem:s2], $0x40, s20, s15, $0xb8;
	[tilespmem:$0xEC60] =	vst v63  }
.LBB2_26:
0x1ed: {  	_ =	swait.ge [sflag:s22], $0x1000  }
0x1ee: {  	[sflag:s22] =	ssyncset.done $0x0  }
0x1ef: {  	[sflag:s22] =	ssyncadd.s32 $0xFFFFF000  }
0x1f0: {  	_ =	swait.ge [sflag:s22], $0x1000  }
0x1f1: {  	[sflag:s22] =	ssyncset.done $0x0  }
0x1f2: {  	s28 =	simm.s32 $0x0;
	[sflag:s22] =	ssyncadd.s32 $0xFFFFF000  }
0x1f3: {  	v9 =	vld [tilespmem:s28+$0x1030]  }
0x1f4: {  	v10 =	vld [tilespmem:s28+$0x2030]  }
0x1f5: {  	v11 =	vld [tilespmem:s28+$0x1000]  }
0x1f6: {  	v12 =	vld [tilespmem:s28+$0x2000]  }
0x1f7: {  	v16 =	vld [tilespmem:s28+$0x1020]  }
0x1f8: {  	v19 =	vld [tilespmem:s28+$0x2020]  }
0x1f9: {  	v13 =	vld [tilespmem:s28+$0x1010];
	v15 =	vand.u32 $0xFFFF0000, v9  }
0x1fa: {  	v14 =	vld [tilespmem:s28+$0x2010];
	v17 =	vand.u32 $0xFFFF0000, v10;
	v9 =	vshll.u32 v9, $0x10;
	v10 =	vshll.u32 v10, $0x10  }
0x1fb: {  	v18 =	vand.u32 $0xFFFF0000, v11;
	v11 =	vshll.u32 v11, $0x10;
	v20 =	vand.u32 $0xFFFF0000, v12  }
0x1fc: {  	v12 =	vshll.u32 v12, $0x10;
	v63 =	vand.u32 $0xFFFF0000, v16;
	v16 =	vshll.u32 v16, $0x10  }
0x1fd: {  	v22 =	vand.u32 $0xFFFF0000, v19;
	v19 =	vshll.u32 v19, $0x10;
	v10 =	vsub.f32 v9, v10  }
0x1fe: {  	v9 =	vsub.f32 v15, v17;
	v15 =	vand.u32 $0xFFFF0000, v13;
	v13 =	vshll.u32 v13, $0x10  }
0x1ff: {  	v17 =	vsub.f32 v18, v20;
	v18 =	vand.u32 $0xFFFF0000, v14;
	v14 =	vshll.u32 v14, $0x10  }
0x200: {  	v21 =	vsub.f32 v11, v12;
	v16 =	vsub.f32 v16, v19;
	v10 =	vmul.f32 v10, v10  }
0x201: {  	s29 =	simm.s32 $0x40;
	v12 =	vsub.f32 v15, v18;
	v13 =	vsub.f32 v13, v14;
	v11 =	vmul.f32 v17, v17  }
0x202: {  	s28 =	simm.s32 $0x200;
	v15 =	vsub.f32 v63, v22;
	v14 =	vmul.f32 v21, v21;
	v8 =	vadd.f32 v10, v8;
	v10 =	vld [tilespmem:s29+$0x1030]  }
.LBB2_27:
0x203: {  	p1 =	sne.s32 s28, $0x3F00;
	v17 =	vld [tilespmem:s29+$0x2030];
	v6 =	vadd.f32 v11, v6;
	v11 =	vmul.f32 v12, v12;
	v12 =	vmul.f32 v13, v13  }
0x204: {  	v13 =	vld [tilespmem:s29+$0x1000];
	v5 =	vadd.f32 v14, v5;
	v14 =	vmul.f32 v15, v15;
	v15 =	vmul.f32 v16, v16  }
0x205: {  	v9 =	vmul.f32 v9, v9;
	v16 =	vld [tilespmem:s29+$0x2000];
	v4 =	vadd.f32 v11, v4;
	v7 =	vadd.f32 v12, v7  }
0x206: {  	v11 =	vld [tilespmem:s29+$0x1010];
	v2 =	vadd.f32 v14, v2;
	v3 =	vadd.f32 v15, v3  }
0x207: {  	v1 =	vadd.f32 v9, v1;
	v12 =	vld [tilespmem:s29+$0x2010];
	v14 =	vand.u32 $0xFFFF0000, v10  }
0x208: {  	v10 =	vshll.u32 v10, $0x10;
	v15 =	vld [tilespmem:s29+$0x1020];
	v9 =	vand.u32 $0xFFFF0000, v17;
	v17 =	vshll.u32 v17, $0x10  }
0x209: {  	v18 =	vand.u32 $0xFFFF0000, v13;
	v13 =	vshll.u32 v13, $0x10;
	v19 =	vld [tilespmem:s29+$0x2020];
	v10 =	vsub.f32 v10, v17  }
0x20a: {  	v9 =	vsub.f32 v14, v9;
	v17 =	vand.u32 $0xFFFF0000, v16;
	v16 =	vshll.u32 v16, $0x10  }
0x20b: {  	v14 =	vand.u32 $0xFFFF0000, v11;
	v20 =	vshll.u32 v11, $0x10;
	v10 =	vmul.f32 v10, v10  }
.Ltmp12:
0x20c: {  	v11 =	vsub.f32 v18, v17;
	v17 =	vand.u32 $0xFFFF0000, v12;
	v18 =	vshll.u32 v12, $0x10;
	(pc) =	sbr.rel @p1 .LBB2_27-.Ltmp12, $4  }
0x20d: {  	v21 =	vand.u32 $0xFFFF0000, v15;
	v22 =	vshll.u32 v15, $0x10;
	v8 =	vadd.f32 v10, v8  }
0x20e: {  	v15 =	vsub.f32 v13, v16;
	v16 =	vand.u32 $0xFFFF0000, v19;
	v19 =	vshll.u32 v19, $0x10  }
0x20f: {  	s29 =	sshra.s32 s28, $0x2;
	v11 =	vmul.f32 v11, v11;
	v12 =	vsub.f32 v14, v17;
	v13 =	vsub.f32 v20, v18  }
0x210: {  	s28 =	sadd.s32 $0x100, s28;
	v14 =	vmul.f32 v15, v15;
	v15 =	vsub.f32 v21, v16;
	v16 =	vsub.f32 v22, v19;
	v10 =	vld [tilespmem:s29+$0x1030]  }
0x211: {  	v17 =	vld [tilespmem:s29+$0x2030]  }
0x212: {  	v18 =	vld [tilespmem:s29+$0x1000]  }
0x213: {  	v19 =	vld [tilespmem:s29+$0x2000]  }
0x214: {  	v20 =	vld [tilespmem:s29+$0x1010];
	p1 =	seq.s32 s26, $0xF;
	v6 =	vadd.f32 v11, v6;
	v11 =	vmul.f32 v12, v12  }
0x215: {  	v12 =	vmul.f32 v13, v13;
	v13 =	vld [tilespmem:s29+$0x2010];
	v9 =	vmul.f32 v9, v9;
	s28 =	sshll.u32 @!p1 s26, $0x8  }
0x216: {  	v5 =	vadd.f32 v14, v5;
	v14 =	vmul.f32 v15, v15;
	v15 =	vmul.f32 v16, v16;
	v16 =	vld [tilespmem:s29+$0x1020];
	s28 =	sand.u32 @!p1 $0x3FFFFF00, s28  }
0x217: {  	s30 =	simm.s32 @!p1 $0x40;
	s31 =	simm.s32 @!p1 $0x1000;
	v4 =	vadd.f32 v11, v4;
	v7 =	vadd.f32 v12, v7;
	v11 =	vld [tilespmem:s29+$0x2020];
	s29 =	sadd.s32 @!p1 $0x100, s28  }
0x218: {  	v1 =	vadd.f32 v9, v1;
	v12 =	vadd.f32 v14, v2;
	[tilespmem:s31], [sflag:$0x1] =	stream.indirect.gather @!p1 [spmem:s2], $0x40, s29, s30, $0xb8;
	[tilespmem:$0xEC60] =	vst v63  }
0x219: {  	v14 =	vadd.f32 v15, v3;
	v2 =	vand.u32 $0xFFFF0000, v10;
	v9 =	vshll.u32 v10, $0x10;
	s29 =	sadd.s32 @!p1 $0x140, s28;
	s31 =	simm.s32 @!p1 $0x2000  }
0x21a: {  	v3 =	vand.u32 $0xFFFF0000, v17;
	v10 =	vshll.u32 v17, $0x10;
	v15 =	vand.u32 $0xFFFF0000, v18;
	[tilespmem:s31], [sflag:$0x1] =	stream.indirect.gather @!p1 [spmem:s2], $0x40, s29, s30, $0xb8;
	[tilespmem:$0xEC60] =	vst v63  }
0x21b: {  	v17 =	vshll.u32 v18, $0x10;
	v18 =	vshll.u32 v19, $0x10;
	v9 =	vsub.f32 v9, v10;
	_ =	swait.ge [sflag:s23], $0x1000  }
0x21c: {  	v10 =	vand.u32 $0xFFFF0000, v19;
	v19 =	vsub.f32 v2, v3;
	v2 =	vand.u32 $0xFFFF0000, v20;
	[sflag:s23] =	ssyncset.done $0x0  }
0x21d: {  	v3 =	vshll.u32 v20, $0x10;
	v62 =	vand.u32 $0xFFFF0000, v16;
	v10 =	vsub.f32 v15, v10;
	[sflag:s23] =	ssyncadd.s32 $0xFFFFF000  }
0x21e: {  	v16 =	vshll.u32 v16, $0x10;
	v15 =	vand.u32 $0xFFFF0000, v13;
	v9 =	vmul.f32 v9, v9;
	_ =	swait.ge [sflag:s23], $0x1000  }
0x21f: {  	v13 =	vshll.u32 v13, $0x10;
	v15 =	vsub.f32 v2, v15;
	v10 =	vmul.f32 v10, v10;
	[sflag:s23] =	ssyncset.done $0x0  }
0x220: {  	s29 =	simm.s32 $0x0;
	v21 =	vadd.f32 v9, v8;
	v8 =	vsub.f32 v17, v18;
	v9 =	vand.u32 $0xFFFF0000, v11;
	[sflag:s23] =	ssyncadd.s32 $0xFFFFF000  }
0x221: {  	v3 =	vsub.f32 v3, v13;
	v11 =	vshll.u32 v11, $0x10;
	v9 =	vsub.f32 v62, v9;
	v13 =	vld [tilespmem:s29+$0x3030]  }
0x222: {  	v11 =	vsub.f32 v16, v11;
	v2 =	vadd.f32 v10, v6;
	v8 =	vmul.f32 v8, v8;
	v10 =	vld [tilespmem:s29+$0x4030]  }
0x223: {  	v6 =	vmul.f32 v15, v15;
	v15 =	vmul.f32 v3, v3;
	v17 =	vld [tilespmem:s29+$0x4000]  }
0x224: {  	v11 =	vmul.f32 v11, v11;
	v3 =	vadd.f32 v8, v5;
	v5 =	vmul.f32 v9, v9;
	v9 =	vld [tilespmem:s29+$0x3000]  }
0x225: {  	v16 =	vmul.f32 v19, v19;
	v8 =	vadd.f32 v15, v7;
	v7 =	vld [tilespmem:s29+$0x3010]  }
0x226: {  	v4 =	vadd.f32 v6, v4;
	v6 =	vadd.f32 v11, v14;
	v14 =	vld [tilespmem:s29+$0x3020]  }
0x227: {  	v1 =	vadd.f32 v16, v1;
	v19 =	vld [tilespmem:s29+$0x4020];
	v5 =	vadd.f32 v5, v12;
	v12 =	vand.u32 $0xFFFF0000, v13  }
0x228: {  	v11 =	vld [tilespmem:s29+$0x4010];
	v15 =	vand.u32 $0xFFFF0000, v10;
	v13 =	vshll.u32 v13, $0x10;
	v10 =	vshll.u32 v10, $0x10  }
0x229: {  	v16 =	vand.u32 $0xFFFF0000, v9;
	v18 =	vshll.u32 v9, $0x10;
	v10 =	vsub.f32 v13, v10  }
0x22a: {  	v13 =	vand.u32 $0xFFFF0000, v17;
	v17 =	vshll.u32 v17, $0x10;
	v9 =	vsub.f32 v12, v15  }
0x22b: {  	v12 =	vand.u32 $0xFFFF0000, v7;
	v15 =	vshll.u32 v7, $0x10;
	v63 =	vand.u32 $0xFFFF0000, v14  }
0x22c: {  	v22 =	vshll.u32 v14, $0x10;
	v14 =	vsub.f32 v18, v17;
	v17 =	vand.u32 $0xFFFF0000, v19  }
0x22d: {  	v7 =	vmul.f32 v10, v10;
	v10 =	vsub.f32 v16, v13;
	v13 =	vand.u32 $0xFFFF0000, v11  }
0x22e: {  	v18 =	vshll.u32 v19, $0x10;
	v16 =	vshll.u32 v11, $0x10;
	v12 =	vsub.f32 v12, v13  }
0x22f: {  	s29 =	simm.s32 $0x40;
	v13 =	vsub.f32 v15, v16;
	v15 =	vsub.f32 v63, v17;
	v11 =	vmul.f32 v10, v10  }
0x230: {  	s26 =	sadd.s32 $0x1, s26;
	s30 =	simm.s32 $0x200;
	v14 =	vmul.f32 v14, v14;
	v16 =	vsub.f32 v22, v18;
	v7 =	vadd.f32 v7, v21;
	v10 =	vld [tilespmem:s29+$0x3030]  }
.LBB2_29:
0x231: {  	p2 =	sne.s32 s30, $0x3F00;
	v17 =	vld [tilespmem:s29+$0x4030];
	v2 =	vadd.f32 v11, v2;
	v11 =	vmul.f32 v12, v12;
	v12 =	vmul.f32 v13, v13  }
0x232: {  	v13 =	vld [tilespmem:s29+$0x3000];
	v3 =	vadd.f32 v14, v3;
	v14 =	vmul.f32 v15, v15;
	v15 =	vmul.f32 v16, v16  }
0x233: {  	v9 =	vmul.f32 v9, v9;
	v16 =	vld [tilespmem:s29+$0x4000];
	v4 =	vadd.f32 v11, v4;
	v8 =	vadd.f32 v12, v8  }
0x234: {  	v11 =	vld [tilespmem:s29+$0x3010];
	v5 =	vadd.f32 v14, v5;
	v6 =	vadd.f32 v15, v6  }
0x235: {  	v1 =	vadd.f32 v9, v1;
	v12 =	vld [tilespmem:s29+$0x4010];
	v14 =	vand.u32 $0xFFFF0000, v10  }
0x236: {  	v10 =	vshll.u32 v10, $0x10;
	v15 =	vld [tilespmem:s29+$0x3020];
	v9 =	vand.u32 $0xFFFF0000, v17;
	v17 =	vshll.u32 v17, $0x10  }
0x237: {  	v18 =	vand.u32 $0xFFFF0000, v13;
	v13 =	vshll.u32 v13, $0x10;
	v19 =	vld [tilespmem:s29+$0x4020];
	v10 =	vsub.f32 v10, v17  }
0x238: {  	v9 =	vsub.f32 v14, v9;
	v17 =	vand.u32 $0xFFFF0000, v16;
	v16 =	vshll.u32 v16, $0x10  }
0x239: {  	v14 =	vand.u32 $0xFFFF0000, v11;
	v20 =	vshll.u32 v11, $0x10;
	v10 =	vmul.f32 v10, v10  }
.Ltmp13:
0x23a: {  	v11 =	vsub.f32 v18, v17;
	v17 =	vand.u32 $0xFFFF0000, v12;
	v18 =	vshll.u32 v12, $0x10;
	(pc) =	sbr.rel @p2 .LBB2_29-.Ltmp13, $4  }
0x23b: {  	v21 =	vand.u32 $0xFFFF0000, v15;
	v22 =	vshll.u32 v15, $0x10;
	v7 =	vadd.f32 v10, v7  }
0x23c: {  	v15 =	vsub.f32 v13, v16;
	v16 =	vand.u32 $0xFFFF0000, v19;
	v19 =	vshll.u32 v19, $0x10  }
0x23d: {  	s29 =	sshra.s32 s30, $0x2;
	v11 =	vmul.f32 v11, v11;
	v12 =	vsub.f32 v14, v17;
	v13 =	vsub.f32 v20, v18  }
0x23e: {  	s30 =	sadd.s32 $0x100, s30;
	v14 =	vmul.f32 v15, v15;
	v15 =	vsub.f32 v21, v16;
	v16 =	vsub.f32 v22, v19;
	v10 =	vld [tilespmem:s29+$0x3030]  }
0x23f: {  	v17 =	vld [tilespmem:s29+$0x4030]  }
0x240: {  	v51 =	vld [tilespmem:s29+$0x3000]  }
0x241: {  	v2 =	vadd.f32 v11, v2;
	v11 =	vmul.f32 v12, v12;
	v50 =	vmul.f32 v13, v13;
	v54 =	vld [tilespmem:s29+$0x4000]  }
0x242: {  	v19 =	vld [tilespmem:s29+$0x4020];
	v3 =	vadd.f32 v14, v3;
	v52 =	vmul.f32 v15, v15;
	v53 =	vmul.f32 v16, v16  }
0x243: {  	v4 =	vadd.f32 v11, v4;
	v11 =	vadd.f32 v50, v8;
	v8 =	vmul.f32 v9, v9;
	v9 =	vld [tilespmem:s29+$0x3010]  }
0x244: {  	v55 =	vadd.f32 v52, v5;
	v56 =	vadd.f32 v53, v6;
	v5 =	vld [tilespmem:s29+$0x4010];
	v6 =	vand.u32 $0xFFFF0000, v10  }
0x245: {  	v1 =	vadd.f32 v8, v1;
	v8 =	vld [tilespmem:s29+$0x3020];
	v10 =	vshll.u32 v10, $0x10;
	v57 =	vand.u32 $0xFFFF0000, v17  }
0x246: {  	v17 =	vshll.u32 v17, $0x10;
	v18 =	vand.u32 $0xFFFF0000, v51;
	v13 =	vshll.u32 v51, $0x10  }
0x247: {  	v58 =	vand.u32 $0xFFFF0000, v54;
	v16 =	vshll.u32 v54, $0x10;
	v10 =	vsub.f32 v10, v17  }
0x248: {  	v60 =	vshll.u32 v19, $0x10;
	v15 =	vsub.f32 v6, v57;
	v17 =	vsub.f32 v18, v58  }
0x249: {  	s30 =	simm.s32 @!p1 $0x40;
	s31 =	simm.s32 @!p1 $0x3000;
	s29 =	sadd.s32 @!p1 $0x180, s28;
	v6 =	vand.u32 $0xFFFF0000, v9;
	v9 =	vshll.u32 v9, $0x10;
	v10 =	vmul.f32 v10, v10  }
0x24a: {  	[tilespmem:s31], [sflag:$0x2] =	stream.indirect.gather @!p1 [spmem:s2], $0x40, s29, s30, $0xb8;
	v59 =	vand.u32 $0xFFFF0000, v5;
	v5 =	vshll.u32 v5, $0x10;
	v20 =	vand.u32 $0xFFFF0000, v8;
	[tilespmem:$0xEC60] =	vst v63  }
0x24b: {  	p2 =	sne.s32 @!p1 s26, $0x10;
	s28 =	sadd.s32 @!p1 $0x1C0, s28;
	s29 =	simm.s32 @!p1 $0x4000;
	v21 =	vshll.u32 v8, $0x10;
	v8 =	vadd.f32 v10, v7;
	v7 =	vsub.f32 v13, v16  }
0x24c: {  	[tilespmem:s29], [sflag:$0x2] =	stream.indirect.gather @!p1 [spmem:s2], $0x40, s28, s30, $0xb8;
	v61 =	vmul.f32 v17, v17;
	v62 =	vsub.f32 v6, v59;
	v10 =	vand.u32 $0xFFFF0000, v19;
	[tilespmem:$0xEC60] =	vst v63  }
0x24d: {  	p1 =	por p1, !p2;
	v5 =	vsub.f32 v9, v5;
	v9 =	vsub.f32 v20, v10;
	v7 =	vmul.f32 v7, v7  }
.Ltmp14:
0x24e: {  	v6 =	vadd.f32 v61, v2;
	v10 =	vsub.f32 v21, v60;
	v2 =	vmul.f32 v62, v62;
	(pc) =	sbr.rel @!p1 .LBB2_26-.Ltmp14, $4  }
0x24f: {  	v63 =	vmul.f32 v5, v5;
	v5 =	vadd.f32 v7, v3;
	v3 =	vmul.f32 v9, v9  }
0x250: {  	v4 =	vadd.f32 v2, v4;
	v9 =	vmul.f32 v10, v10;
	v10 =	vmul.f32 v15, v15  }
0x251: {  	v7 =	vadd.f32 v63, v11;
	v2 =	vadd.f32 v3, v55  }
0x252: {  	v3 =	vadd.f32 v9, v56;
	v1 =	vadd.f32 v10, v1  }
0x253: {  	v5 =	vadd.f32 v5, v6;
	_ =	sdelay $0x1  }
0x254: {  	v4 =	vadd.f32 v4, v5;
	_ =	sdelay $0x1  }
0x255: {  	v4 =	vadd.f32 v7, v4;
	_ =	sdelay $0x1  }
0x256: {  	v2 =	vadd.f32 v2, v4;
	_ =	sdelay $0x1  }
0x257: {  	v2 =	vadd.f32 v3, v2;
	_ =	sdelay $0x1  }
0x258: {  	v1 =	vadd.f32 v1, v2;
	_ =	sdelay $0x1  }
0x259: {  	v0 =	vbroadcast v0, $0x0;
	v1 =	vadd.f32 v8, v1;
	_ =	sdelay $0x1  }
0x25a: {  	s25 =	sadd.s32 $0x1, s25;
	v0 =	vmul.f32 v1, v0  }
0x25b: {  	p1 =	sne.s32 s25, s11  }
.Ltmp15:
0x25c: {  	[tilespmem:$0x5000] =	vst v0;
	(pc) =	sbr.rel @p1 .LBB2_1-.Ltmp15, $4  }
0x25d: {  	[hbm4b:s10+s3] =	stream.linear.scatter [tilespmem:s24], [sflag:$0x3], $0x10, $0x38;
	[tilespmem:$0xEC60] =	vst v63  }
0x25e: {  	_ =	swait.ge [sflag:s13], $0x10  }
0x25f: {  	[sflag:s13] =	ssyncset.done $0x0  }
0x260: {  	[sflag:s13] =	ssyncadd.s32 $0xFFFFFFF0  }
0x261: {  	_ =	sfence.sel $0x180000  }
0x262: {  	[bflag:$0x0] =	sbarrier.arrive $0xFFFF  }
0x263: {  	_ =	strace $0x90000047  }
0x264: {  	s0 =	sadd.s32 @!p0 $0x100000, s1;
	[bflag:$0x2] =	sbarrier.arrive $0xFFFF  }
0x265: {  	[sflag:s0] =	ssyncadd.tile.s32 @!p0 $0x1;
	_ =	shalt  }
.Lfunc_end2:
_tile_overlayer_lowered:
.L_overlay_start_2:
0x266: {  	(tag) =	ssettag $0x2  }
0x267: {  	s0 =	rddreg [dreg:$0x0];
	s2 =	stileid.u32  }
0x268: {  	s1 =	rddreg [dreg:$0x1];
	p0 =	sne.s32 s2, $0x0  }
0x269: {  	s3 =	rddreg [dreg:$0x2];
	[bflag:$0x3] =	sbarrier.arrive $0xFFFF;
	s2 =	simm.s32 @!p0 $0x1C03  }
0x26a: {  	[timem:s3], [sflag:s2] =	dma.local @!p0 [hbm:s0], s1  }
0x26b: {  	s0 =	simm.s32 @!p0 $0x3  }
0x26c: {  	_ =	swait.ge @!p0 [sflag:s0], s1  }
0x26d: {  	s1 =	ssub.s32 @!p0 $0x0, s1;
	[sflag:s0] =	ssyncset.done @!p0 $0x0  }
0x26e: {  	[sflag:s0] =	ssyncadd.s32 @!p0 s1  }
0x26f: {  	[bflag:$0x3] =	sbarrier.arrive $0xFFFF  }
0x270: {  	_ =	shalt  }

</sc_bundles>
